<compile_context>
chip_gen: v7x
topology: tpu7x:2x2x1
jax: 0.10.2.dev20260603
libtpu: 0.0.44.dev20260713+nightly
codegen_flags: <defaults>
</compile_context>

<pallas_src>
import functools

import jax
import jax.numpy as jnp
from jax import lax
from jax.experimental import pallas as pl
from jax.experimental.pallas import tpu as pltpu
from jax.experimental.pallas import tpu_sc as plsc

NC = 2
NS = 16
NW = NC * NS
N = 10000
D = 128
E = 320000
RPT = 624
TAIL = NS * RPT
CNTW = 16

CH1, KB1, DEPTH1 = 80, 5, 3
CH2, KB2, DEPTH2 = 128, 3, 3


def _sc_common(with_cnt, ch, kb, depth,
               x_hbm, src_hbm, dst_hbm, zeros_hbm, zcnt_hbm, aggp, cntp,
               agg_sh, cnt_sh, srcb, dstb, rows, ones, gsem, ssem):
    c = lax.axis_index("c")
    s = lax.axis_index("s")
    wid = c * NS + s
    start = s * RPT

    if with_cnt:
        one16 = jnp.ones((16,), jnp.float32)

        def orow(r, _):
            ones[r, :] = one16
            return 0
        lax.fori_loop(0, ch, orow, 0)

    pltpu.sync_copy(zeros_hbm.at[pl.ds(start, RPT)],
                    agg_sh.at[pl.ds(start, RPT)])
    if with_cnt:
        pltpu.sync_copy(zcnt_hbm.at[pl.ds(start, RPT)],
                        cnt_sh.at[pl.ds(start, RPT)])

    @pl.when(s == NS - 1)
    def _ztail():
        pltpu.sync_copy(zeros_hbm.at[pl.ds(TAIL, N - TAIL)],
                        agg_sh.at[pl.ds(TAIL, N - TAIL)])
        if with_cnt:
            pltpu.sync_copy(zcnt_hbm.at[pl.ds(TAIL, N - TAIL)],
                            cnt_sh.at[pl.ds(TAIL, N - TAIL)])

    plsc.subcore_barrier()

    ntotal = E // ch
    base = ntotal // NW
    rem = ntotal % NW
    cw = base + jnp.where(wid < rem, 1, 0)
    rbase = wid * base + jnp.minimum(wid, rem)

    def load_bulk(b):
        bb = b % 2
        pltpu.sync_copy(src_hbm.at[pl.ds(rbase + b * kb, kb)], srcb.at[bb])
        pltpu.sync_copy(dst_hbm.at[pl.ds(rbase + b * kb, kb)], dstb.at[bb])

    def fire(j):
        bb = (j // kb) % 2
        pltpu.async_copy(x_hbm.at[srcb.at[bb, j % kb]], rows.at[j % depth],
                         gsem.at[j % depth])

    def wait_scatter(j):
        pltpu.make_async_copy(rows.at[j % depth], agg_sh.at[pl.ds(0, ch)],
                              ssem.at[j % depth]).wait()
        if with_cnt:
            pltpu.make_async_copy(ones, cnt_sh.at[pl.ds(0, ch)],
                                  ssem.at[j % depth]).wait()

    load_bulk(0)
    fire(0)
    for k in range(1, depth - 1):
        @pl.when(k < cw)
        def _prefire(k=k):
            fire(k)

    def chunk(j, _):
        nj = j + depth - 1

        @pl.when(jnp.logical_and(nj % kb == 0, nj < cw))
        def _load():
            load_bulk(nj // kb)

        @pl.when(nj < cw)
        def _fire():
            @pl.when(nj >= depth)
            def _ws():
                wait_scatter(nj - depth)
            fire(nj)

        bb = (j // kb) % 2
        pltpu.make_async_copy(x_hbm.at[pl.ds(0, ch)], rows.at[j % depth],
                              gsem.at[j % depth]).wait()
        pltpu.async_copy(rows.at[j % depth], agg_sh.at[dstb.at[bb, j % kb]],
                         ssem.at[j % depth], add=True)
        if with_cnt:
            pltpu.async_copy(ones, cnt_sh.at[dstb.at[bb, j % kb]],
                             ssem.at[j % depth], add=True)
        return 0
    lax.fori_loop(0, cw, chunk, 0)

    for d in range(1, depth + 1):
        @pl.when(cw - d >= 0)
        def _drain(d=d):
            wait_scatter(cw - d)

    plsc.subcore_barrier()

    pltpu.sync_copy(agg_sh.at[pl.ds(start, RPT)],
                    aggp.at[c, pl.ds(start, RPT)])
    if with_cnt:
        pltpu.sync_copy(cnt_sh.at[pl.ds(start, RPT)],
                        cntp.at[c, pl.ds(start, RPT)])

    @pl.when(s == NS - 1)
    def _ctail():
        pltpu.sync_copy(agg_sh.at[pl.ds(TAIL, N - TAIL)],
                        aggp.at[c, pl.ds(TAIL, N - TAIL)])
        if with_cnt:
            pltpu.sync_copy(cnt_sh.at[pl.ds(TAIL, N - TAIL)],
                            cntp.at[c, pl.ds(TAIL, N - TAIL)])


@functools.cache
def _sc_agg(with_cnt: bool, ch: int, kb: int, depth: int):
    mesh = plsc.VectorSubcoreMesh(core_axis_name="c", subcore_axis_name="s",
                                  num_cores=NC, num_subcores=NS)
    out_type = [jax.ShapeDtypeStruct((NC, N, D), jnp.float32)]
    scratch = [
        pltpu.VMEM_SHARED((N, D), jnp.float32),
    ]
    if with_cnt:
        out_type.append(jax.ShapeDtypeStruct((NC, N, CNTW), jnp.float32))
        scratch.append(pltpu.VMEM_SHARED((N, CNTW), jnp.float32))
    scratch += [
        pltpu.VMEM((2, kb, ch), jnp.int32),
        pltpu.VMEM((2, kb, ch), jnp.int32),
        pltpu.VMEM((depth, ch, D), jnp.float32),
    ]
    if with_cnt:
        scratch.append(pltpu.VMEM((ch, CNTW), jnp.float32))
    scratch.append(pltpu.SemaphoreType.DMA((depth,)))
    scratch.append(pltpu.SemaphoreType.DMA((depth,)))

    if with_cnt:
        def body(x_hbm, src_hbm, dst_hbm, zeros_hbm, zcnt_hbm, aggp, cntp,
                 agg_sh, cnt_sh, srcb, dstb, rows, ones, gsem, ssem):
            _sc_common(True, ch, kb, depth,
                       x_hbm, src_hbm, dst_hbm, zeros_hbm, zcnt_hbm, aggp,
                       cntp, agg_sh, cnt_sh, srcb, dstb, rows, ones, gsem,
                       ssem)
    else:
        def body(x_hbm, src_hbm, dst_hbm, zeros_hbm, aggp,
                 agg_sh, srcb, dstb, rows, gsem, ssem):
            _sc_common(False, ch, kb, depth,
                       x_hbm, src_hbm, dst_hbm, zeros_hbm, None, aggp, None,
                       agg_sh, None, srcb, dstb, rows, None, gsem, ssem)

    return pl.kernel(body, out_type=tuple(out_type), mesh=mesh,
                     scratch_types=tuple(scratch),
                     compiler_params=pltpu.CompilerParams(
                         use_tc_tiling_on_sc=False))


def _dot_t(a, w):
    return lax.dot_general(a, w, (((1,), (1,)), ((), ())),
                           preferred_element_type=jnp.float32)


def _tc_xr_body(x_ref, wr_ref, o_ref):
    o_ref[...] = _dot_t(x_ref[...], wr_ref[...])


def _tc_layer_body(act, aggp_ref, cntp_ref, xr_ref, wl_ref, bl_ref, o_ref):
    agg = aggp_ref[0] + aggp_ref[1]
    cnt = cntp_ref[0, :, 0:1] + cntp_ref[1, :, 0:1]
    mean = agg / jnp.maximum(cnt, 1.0)
    out = _dot_t(mean, wl_ref[...]) + bl_ref[...] + xr_ref[...]
    if act == "elu":
        o_ref[...] = jnp.where(out > 0, out,
                               jnp.exp(jnp.minimum(out, 0.0)) - 1.0)
    else:
        m = jnp.max(out, axis=1, keepdims=True)
        lse = jnp.log(jnp.sum(jnp.exp(out - m), axis=1, keepdims=True)) + m
        o_ref[...] = out - lse


BR = 1000


@functools.cache
def _tc_xr():
    return pl.pallas_call(
        _tc_xr_body,
        grid=(N // BR,),
        in_specs=[
            pl.BlockSpec((BR, D), lambda i: (i, 0)),
            pl.BlockSpec((D, D), lambda i: (0, 0)),
        ],
        out_specs=pl.BlockSpec((BR, D), lambda i: (i, 0)),
        out_shape=jax.ShapeDtypeStruct((N, D), jnp.float32),
    )


@functools.cache
def _tc_layer(act: str):
    return pl.pallas_call(
        functools.partial(_tc_layer_body, act),
        grid=(N // BR,),
        in_specs=[
            pl.BlockSpec((NC, BR, D), lambda i: (0, i, 0)),
            pl.BlockSpec((NC, BR, CNTW), lambda i: (0, i, 0)),
            pl.BlockSpec((BR, D), lambda i: (i, 0)),
            pl.BlockSpec((D, D), lambda i: (0, 0)),
            pl.BlockSpec((1, D), lambda i: (0, 0)),
        ],
        out_specs=pl.BlockSpec((BR, D), lambda i: (i, 0)),
        out_shape=jax.ShapeDtypeStruct((N, D), jnp.float32),
    )


@jax.jit
def kernel(x, edge_index, W1l, b1l, W1r, W2l, b2l, W2r):
    src = edge_index[0].astype(jnp.int32)
    dst = edge_index[1].astype(jnp.int32)
    src1 = src.reshape(E // CH1, CH1)
    dst1 = dst.reshape(E // CH1, CH1)
    src2 = src.reshape(E // CH2, CH2)
    dst2 = dst.reshape(E // CH2, CH2)
    zeros = jnp.zeros((N, D), jnp.float32)
    zcnt = jnp.zeros((N, CNTW), jnp.float32)
    xr1 = _tc_xr()(x, W1r)
    aggp1, cntp = _sc_agg(True, CH1, KB1, DEPTH1)(x, src1, dst1, zeros, zcnt)
    h = _tc_layer("elu")(aggp1, cntp, xr1, W1l, b1l.reshape(1, D))
    xr2 = _tc_xr()(h, W2r)
    aggp2, = _sc_agg(False, CH2, KB2, DEPTH2)(h, src2, dst2, zeros)
    return _tc_layer("lsm")(aggp2, cntp, xr2, W2l, b2l.reshape(1, D))

# --- scband reference (transcript-rebuilt; emitter-appended) ---
"""Pipeline reference for scband-sage-90726889160780 (READ-ONLY COPY).

The authoritative reference and input builder live on the scoring server;
editing this copy changes nothing except your own understanding.
"""

import jax, jax.numpy as jnp
import numpy as np

N_NODES = 10000
D_FEAT = 128
D_HID = 128
D_OUT = 128
N_EDGES = 320000


def _glorot(key, shape):
    fan_in, fan_out = shape[1], shape[0]
    limit = jnp.sqrt(6.0 / (fan_in + fan_out))
    return jax.random.uniform(key, shape, minval=-limit, maxval=limit, dtype=jnp.float32)


def setup_inputs(seed: int = 0) -> dict:
    key = jax.random.key(seed)
    ks = jax.random.split(key, 8)
    x = jax.random.normal(ks[0], (N_NODES, D_FEAT), dtype=jnp.float32)
    edge_index = jax.random.randint(ks[1], (2, N_EDGES), 0, N_NODES, dtype=jnp.int64)
    # layer 1 params (SAGEConv: lin_l with bias, lin_r without bias)
    W1l = _glorot(ks[2], (D_HID, D_FEAT))
    b1l = jnp.zeros((D_HID,), dtype=jnp.float32)
    W1r = _glorot(ks[3], (D_HID, D_FEAT))
    # layer 2 params
    W2l = _glorot(ks[4], (D_OUT, D_HID))
    b2l = jnp.zeros((D_OUT,), dtype=jnp.float32)
    W2r = _glorot(ks[5], (D_OUT, D_HID))
    return {"x": x, "edge_index": edge_index, "W1l": W1l, "b1l": b1l, "W1r": W1r,
            "W2l": W2l, "b2l": b2l, "W2r": W2r}


def _sage_conv(x, edge_index, Wl, bl, Wr):
    src = edge_index[0]
    dst = edge_index[1]
    msgs = jnp.take(x, src, axis=0)                      # gather x_j (source nodes)
    agg = jax.ops.segment_sum(msgs, dst, num_segments=N_NODES)  # scatter-add at dst
    cnt = jax.ops.segment_sum(jnp.ones((msgs.shape[0],), dtype=jnp.float32), dst,
                              num_segments=N_NODES)
    agg = agg / jnp.clip(cnt, 1.0, None)[:, None]        # mean aggregation
    out = agg @ Wl.T + bl                                # lin_l(aggregated)
    out = out + x @ Wr.T                                 # + lin_r(x), no bias
    return out


def reference(x, edge_index, W1l, b1l, W1r, W2l, b2l, W2r):
    h = _sage_conv(x, edge_index, W1l, b1l, W1r)
    h = jax.nn.elu(h)
    # dropout p=0.0 in eval mode -> identity
    out = _sage_conv(h, edge_index, W2l, b2l, W2r)
    return jax.nn.log_softmax(out, axis=1)

if __name__ == "__main__":
    import jax
    _d = setup_inputs()
    print(jax.jit(kernel)(*tuple(_d.values())))

</pallas_src>

<mosaic_0001>
#map = affine_map<(d0, d1) -> (0, 0)>
#map1 = affine_map<(d0, d1) -> (0, 0, 0)>
module attributes {stable_mosaic.version = 14 : i64} {
  func.func @body(%arg0: i32, %arg1: i32, %arg2: memref<10000x128xf32, #tpu.memory_space<hbm>>, %arg3: memref<4000x80xi32, #tpu.memory_space<hbm>>, %arg4: memref<4000x80xi32, #tpu.memory_space<hbm>>, %arg5: memref<10000x128xf32, #tpu.memory_space<hbm>>, %arg6: memref<10000x16xf32, #tpu.memory_space<hbm>>, %arg7: memref<2x10000x128xf32, #tpu.memory_space<hbm>>, %arg8: memref<2x10000x16xf32, #tpu.memory_space<hbm>>, %arg9: memref<10000x128xf32, #tpu.memory_space<vmem_shared>>, %arg10: memref<10000x16xf32, #tpu.memory_space<vmem_shared>>, %arg11: memref<2x5x80xi32, #tpu.memory_space<vmem>>, %arg12: memref<2x5x80xi32, #tpu.memory_space<vmem>>, %arg13: memref<3x80x128xf32, #tpu.memory_space<vmem>>, %arg14: memref<80x16xf32, #tpu.memory_space<vmem>>, %arg15: memref<3x!tpu.dma_semaphore, #tpu.memory_space<semaphore_mem>>, %arg16: memref<3x!tpu.dma_semaphore, #tpu.memory_space<semaphore_mem>>) attributes {dimension_semantics = [#tpu.dimension_semantics<core_parallel>, #tpu.dimension_semantics<subcore_parallel>], iteration_bounds = array<i64: 2, 16>, scalar_prefetch = 0 : i64, scratch_operands = 8 : i64, tpu.core_type = #tpu.core_type<sc_vector_subcore>, window_params = [{transform_indices = #map}, {transform_indices = #map}, {transform_indices = #map}, {transform_indices = #map}, {transform_indices = #map}, {transform_indices = #map1}, {transform_indices = #map1}]} {
    %mul3A = arith.constant 16 : i32
    %mul3A_0 = arith.muli %arg0, %mul3A : i32
    %add3A = arith.addi %mul3A_0, %arg1 : i32
    %mul3A_1 = arith.constant 624 : i32
    %mul3A_2 = arith.muli %arg1, %mul3A_1 : i32
    %broadcast_in_dim3A = arith.constant 1.000000e+00 : f32
    %broadcast_in_dim3A_3 = vector.broadcast %broadcast_in_dim3A : f32 to vector<16xf32>
    %scan3A = arith.constant 0 : i32
    %scan3A_4 = arith.constant 0 : i32
    %scan3A_5 = arith.constant 80 : i32
    %scan3A_6 = arith.addi %scan3A_4, %scan3A_5 : i32
    %scan3A_7 = arith.constant 1 : i32
    %scan3A_8 = scf.for %scan3A_80 = %scan3A_4 to %scan3A_6 step %scan3A_7 iter_args(%scan3A_81 = %scan3A) -> (i32)  : i32 {
      %swap3A = arith.index_cast %scan3A_80 : i32 to index
      %swap3A_82 = arith.constant 0 : index
      %swap3A_83 = tpu.vector_load %arg14[%swap3A, %swap3A_82] {strides = array<i32>} : memref<80x16xf32, #tpu.memory_space<vmem>>, vector<1x16xf32>,
      %swap3A_84 = vector.shape_cast %swap3A_83 : vector<1x16xf32> to vector<16xf32>
      %swap3A_85 = vector.shape_cast %broadcast_in_dim3A_3 : vector<16xf32> to vector<1x16xf32>
      tpu.vector_store %arg14[%swap3A, %swap3A_82], %swap3A_85 {strides = array<i32>} : memref<80x16xf32, #tpu.memory_space<vmem>>, vector<1x16xf32>,
      %scan3A_86 = arith.constant 0 : i32
      scf.yield %scan3A_86 : i32
    }
    %scan3A_9 = arith.constant 80 : i32
    "tpu.region"() ({
      %run_scoped3A_80 = tpu.sem_alloc : memref<!tpu.dma_semaphore, #tpu.memory_space<semaphore_mem>>
      %dma_start3A_81 = arith.constant 0 : i32
      %dma_start3A_82 = tpu.memref_slice %arg9[%mul3A_2, %dma_start3A_81] : memref<10000x128xf32, #tpu.memory_space<vmem_shared>> -> memref<624x128xf32, #tpu.memory_space<vmem_shared>>
      %dma_start3A_83 = arith.constant 0 : i32
      %dma_start3A_84 = tpu.memref_slice %arg5[%mul3A_2, %dma_start3A_83] : memref<10000x128xf32, #tpu.memory_space<hbm>> -> memref<624x128xf32, #tpu.memory_space<hbm>>
      tpu.enqueue_dma source(%dma_start3A_84 : memref<624x128xf32, #tpu.memory_space<hbm>>) target(%dma_start3A_82 : memref<624x128xf32, #tpu.memory_space<vmem_shared>>) target_semaphore(%run_scoped3A_80 : memref<!tpu.dma_semaphore, #tpu.memory_space<semaphore_mem>>)
      %dma_wait3A = arith.constant 0 : i32
      %dma_wait3A_85 = tpu.memref_slice %arg9[%mul3A_2, %dma_wait3A] : memref<10000x128xf32, #tpu.memory_space<vmem_shared>> -> memref<624x128xf32, #tpu.memory_space<vmem_shared>>
      %dma_wait3A_86 = arith.constant 0 : i32
      %dma_wait3A_87 = tpu.memref_slice %arg5[%mul3A_2, %dma_wait3A_86] : memref<10000x128xf32, #tpu.memory_space<hbm>> -> memref<624x128xf32, #tpu.memory_space<hbm>>
      tpu.wait_dma2 semaphore(%run_scoped3A_80 : memref<!tpu.dma_semaphore, #tpu.memory_space<semaphore_mem>>) src(%dma_wait3A_87 : memref<624x128xf32, #tpu.memory_space<hbm>>) dst(%dma_wait3A_85 : memref<624x128xf32, #tpu.memory_space<vmem_shared>>)
      tpu.yield
    }) : () -> ()
    "tpu.region"() ({
      %run_scoped3A_80 = tpu.sem_alloc : memref<!tpu.dma_semaphore, #tpu.memory_space<semaphore_mem>>
      %dma_start3A_81 = arith.constant 0 : i32
      %dma_start3A_82 = tpu.memref_slice %arg10[%mul3A_2, %dma_start3A_81] : memref<10000x16xf32, #tpu.memory_space<vmem_shared>> -> memref<624x16xf32, #tpu.memory_space<vmem_shared>>
      %dma_start3A_83 = arith.constant 0 : i32
      %dma_start3A_84 = tpu.memref_slice %arg6[%mul3A_2, %dma_start3A_83] : memref<10000x16xf32, #tpu.memory_space<hbm>> -> memref<624x16xf32, #tpu.memory_space<hbm>>
      tpu.enqueue_dma source(%dma_start3A_84 : memref<624x16xf32, #tpu.memory_space<hbm>>) target(%dma_start3A_82 : memref<624x16xf32, #tpu.memory_space<vmem_shared>>) target_semaphore(%run_scoped3A_80 : memref<!tpu.dma_semaphore, #tpu.memory_space<semaphore_mem>>)
      %dma_wait3A = arith.constant 0 : i32
      %dma_wait3A_85 = tpu.memref_slice %arg10[%mul3A_2, %dma_wait3A] : memref<10000x16xf32, #tpu.memory_space<vmem_shared>> -> memref<624x16xf32, #tpu.memory_space<vmem_shared>>
      %dma_wait3A_86 = arith.constant 0 : i32
      %dma_wait3A_87 = tpu.memref_slice %arg6[%mul3A_2, %dma_wait3A_86] : memref<10000x16xf32, #tpu.memory_space<hbm>> -> memref<624x16xf32, #tpu.memory_space<hbm>>
      tpu.wait_dma2 semaphore(%run_scoped3A_80 : memref<!tpu.dma_semaphore, #tpu.memory_space<semaphore_mem>>) src(%dma_wait3A_87 : memref<624x16xf32, #tpu.memory_space<hbm>>) dst(%dma_wait3A_85 : memref<624x16xf32, #tpu.memory_space<vmem_shared>>)
      tpu.yield
    }) : () -> ()
    %eq3A = arith.constant 15 : i32
    %eq3A_10 = arith.cmpi eq, %arg1, %eq3A : i32
    %convert_element_type3A = arith.extui %eq3A_10 : i1 to i32
    %cond3A = arith.constant 0 : i32
    %cond3A_11 = arith.cmpi ne, %convert_element_type3A, %cond3A : i32
    scf.if %cond3A_11 {
      "tpu.region"() ({
        %run_scoped3A_80 = tpu.sem_alloc : memref<!tpu.dma_semaphore, #tpu.memory_space<semaphore_mem>>
        %dma_start3A_81 = arith.constant 9984 : i32
        %dma_start3A_82 = arith.constant 0 : i32
        %dma_start3A_83 = tpu.memref_slice %arg9[%dma_start3A_81, %dma_start3A_82] : memref<10000x128xf32, #tpu.memory_space<vmem_shared>> -> memref<16x128xf32, #tpu.memory_space<vmem_shared>>
        %dma_start3A_84 = arith.constant 9984 : i32
        %dma_start3A_85 = arith.constant 0 : i32
        %dma_start3A_86 = tpu.memref_slice %arg5[%dma_start3A_84, %dma_start3A_85] : memref<10000x128xf32, #tpu.memory_space<hbm>> -> memref<16x128xf32, #tpu.memory_space<hbm>>
        tpu.enqueue_dma source(%dma_start3A_86 : memref<16x128xf32, #tpu.memory_space<hbm>>) target(%dma_start3A_83 : memref<16x128xf32, #tpu.memory_space<vmem_shared>>) target_semaphore(%run_scoped3A_80 : memref<!tpu.dma_semaphore, #tpu.memory_space<semaphore_mem>>)
        %dma_wait3A = arith.constant 9984 : i32
        %dma_wait3A_87 = arith.constant 0 : i32
        %dma_wait3A_88 = tpu.memref_slice %arg9[%dma_wait3A, %dma_wait3A_87] : memref<10000x128xf32, #tpu.memory_space<vmem_shared>> -> memref<16x128xf32, #tpu.memory_space<vmem_shared>>
        %dma_wait3A_89 = arith.constant 9984 : i32
        %dma_wait3A_90 = arith.constant 0 : i32
        %dma_wait3A_91 = tpu.memref_slice %arg5[%dma_wait3A_89, %dma_wait3A_90] : memref<10000x128xf32, #tpu.memory_space<hbm>> -> memref<16x128xf32, #tpu.memory_space<hbm>>
        tpu.wait_dma2 semaphore(%run_scoped3A_80 : memref<!tpu.dma_semaphore, #tpu.memory_space<semaphore_mem>>) src(%dma_wait3A_91 : memref<16x128xf32, #tpu.memory_space<hbm>>) dst(%dma_wait3A_88 : memref<16x128xf32, #tpu.memory_space<vmem_shared>>)
        tpu.yield
      }) : () -> ()
      "tpu.region"() ({
        %run_scoped3A_80 = tpu.sem_alloc : memref<!tpu.dma_semaphore, #tpu.memory_space<semaphore_mem>>
        %dma_start3A_81 = arith.constant 9984 : i32
        %dma_start3A_82 = arith.constant 0 : i32
        %dma_start3A_83 = tpu.memref_slice %arg10[%dma_start3A_81, %dma_start3A_82] : memref<10000x16xf32, #tpu.memory_space<vmem_shared>> -> memref<16x16xf32, #tpu.memory_space<vmem_shared>>
        %dma_start3A_84 = arith.constant 9984 : i32
        %dma_start3A_85 = arith.constant 0 : i32
        %dma_start3A_86 = tpu.memref_slice %arg6[%dma_start3A_84, %dma_start3A_85] : memref<10000x16xf32, #tpu.memory_space<hbm>> -> memref<16x16xf32, #tpu.memory_space<hbm>>
        tpu.enqueue_dma source(%dma_start3A_86 : memref<16x16xf32, #tpu.memory_space<hbm>>) target(%dma_start3A_83 : memref<16x16xf32, #tpu.memory_space<vmem_shared>>) target_semaphore(%run_scoped3A_80 : memref<!tpu.dma_semaphore, #tpu.memory_space<semaphore_mem>>)
        %dma_wait3A = arith.constant 9984 : i32
        %dma_wait3A_87 = arith.constant 0 : i32
        %dma_wait3A_88 = tpu.memref_slice %arg10[%dma_wait3A, %dma_wait3A_87] : memref<10000x16xf32, #tpu.memory_space<vmem_shared>> -> memref<16x16xf32, #tpu.memory_space<vmem_shared>>
        %dma_wait3A_89 = arith.constant 9984 : i32
        %dma_wait3A_90 = arith.constant 0 : i32
        %dma_wait3A_91 = tpu.memref_slice %arg6[%dma_wait3A_89, %dma_wait3A_90] : memref<10000x16xf32, #tpu.memory_space<hbm>> -> memref<16x16xf32, #tpu.memory_space<hbm>>
        tpu.wait_dma2 semaphore(%run_scoped3A_80 : memref<!tpu.dma_semaphore, #tpu.memory_space<semaphore_mem>>) src(%dma_wait3A_91 : memref<16x16xf32, #tpu.memory_space<hbm>>) dst(%dma_wait3A_88 : memref<16x16xf32, #tpu.memory_space<vmem_shared>>)
        tpu.yield
      }) : () -> ()
    } else {
    }
    %barrier3A = arith.constant 0 : index
    tpu.barrier barrier_id(%barrier3A)
    %lt3A = arith.constant 0 : i32
    %lt3A_12 = arith.cmpi slt, %add3A, %lt3A : i32
    %jit3A = arith.constant 1 : i32
    %jit3A_13 = arith.constant 0 : i32
    %select_n3A = arith.select %lt3A_12, %jit3A, %jit3A_13 : i32
    %add3A_14 = arith.constant 125 : i32
    %add3A_15 = arith.addi %add3A_14, %select_n3A : i32
    %mul3A_16 = arith.constant 125 : i32
    %mul3A_17 = arith.muli %add3A, %mul3A_16 : i32
    %min3A = arith.constant 0 : i32
    %min3A_18 = arith.minsi %add3A, %min3A : i32
    %add3A_19 = arith.addi %mul3A_17, %min3A_18 : i32
    %add3A_20 = arith.constant 0 : i32
    %add3A_21 = arith.addi %add3A_19, %add3A_20 : i32
    %run_scoped3A = arith.constant 0 : i32
    "tpu.region"() ({
      %run_scoped3A_80 = tpu.sem_alloc : memref<!tpu.dma_semaphore, #tpu.memory_space<semaphore_mem>>
      %dma_start3A_81 = arith.constant 0 : i32
      %dma_start3A_82 = arith.constant 0 : i32
      %dma_start3A_83 = tpu.memref_slice %arg11[%run_scoped3A, %dma_start3A_81, %dma_start3A_82] : memref<2x5x80xi32, #tpu.memory_space<vmem>> -> memref<1x5x80xi32, #tpu.memory_space<vmem>>
      %dma_start3A_84 = tpu.memref_squeeze %dma_start3A_83 : memref<1x5x80xi32, #tpu.memory_space<vmem>> -> memref<5x80xi32, #tpu.memory_space<vmem>>
      %dma_start3A_85 = arith.constant 0 : i32
      %dma_start3A_86 = tpu.memref_slice %arg3[%add3A_21, %dma_start3A_85] : memref<4000x80xi32, #tpu.memory_space<hbm>> -> memref<5x80xi32, #tpu.memory_space<hbm>>
      %dma_start3A_87 = arith.constant 0 : i32
      %dma_start3A_88 = arith.constant 0 : i32
      %dma_start3A_89 = tpu.memref_slice %arg11[%run_scoped3A, %dma_start3A_87, %dma_start3A_88] : memref<2x5x80xi32, #tpu.memory_space<vmem>> -> memref<1x5x80xi32, #tpu.memory_space<vmem>>
      %dma_start3A_90 = tpu.memref_squeeze %dma_start3A_89 : memref<1x5x80xi32, #tpu.memory_space<vmem>> -> memref<5x80xi32, #tpu.memory_space<vmem>>
      %dma_start3A_91 = arith.constant 0 : i32
      %dma_start3A_92 = tpu.memref_slice %arg3[%add3A_21, %dma_start3A_91] : memref<4000x80xi32, #tpu.memory_space<hbm>> -> memref<5x80xi32, #tpu.memory_space<hbm>>
      tpu.enqueue_dma source(%dma_start3A_92 : memref<5x80xi32, #tpu.memory_space<hbm>>) target(%dma_start3A_90 : memref<5x80xi32, #tpu.memory_space<vmem>>) target_semaphore(%run_scoped3A_80 : memref<!tpu.dma_semaphore, #tpu.memory_space<semaphore_mem>>)
      %dma_wait3A = arith.constant 0 : i32
      %dma_wait3A_93 = arith.constant 0 : i32
      %dma_wait3A_94 = tpu.memref_slice %arg11[%run_scoped3A, %dma_wait3A, %dma_wait3A_93] : memref<2x5x80xi32, #tpu.memory_space<vmem>> -> memref<1x5x80xi32, #tpu.memory_space<vmem>>
      %dma_wait3A_95 = tpu.memref_squeeze %dma_wait3A_94 : memref<1x5x80xi32, #tpu.memory_space<vmem>> -> memref<5x80xi32, #tpu.memory_space<vmem>>
      %dma_wait3A_96 = arith.constant 0 : i32
      %dma_wait3A_97 = tpu.memref_slice %arg3[%add3A_21, %dma_wait3A_96] : memref<4000x80xi32, #tpu.memory_space<hbm>> -> memref<5x80xi32, #tpu.memory_space<hbm>>
      %dma_wait3A_98 = arith.constant 0 : i32
      %dma_wait3A_99 = arith.constant 0 : i32
      %dma_wait3A_100 = tpu.memref_slice %arg11[%run_scoped3A, %dma_wait3A_98, %dma_wait3A_99] : memref<2x5x80xi32, #tpu.memory_space<vmem>> -> memref<1x5x80xi32, #tpu.memory_space<vmem>>
      %dma_wait3A_101 = tpu.memref_squeeze %dma_wait3A_100 : memref<1x5x80xi32, #tpu.memory_space<vmem>> -> memref<5x80xi32, #tpu.memory_space<vmem>>
      %dma_wait3A_102 = arith.constant 0 : i32
      %dma_wait3A_103 = tpu.memref_slice %arg3[%add3A_21, %dma_wait3A_102] : memref<4000x80xi32, #tpu.memory_space<hbm>> -> memref<5x80xi32, #tpu.memory_space<hbm>>
      tpu.wait_dma2 semaphore(%run_scoped3A_80 : memref<!tpu.dma_semaphore, #tpu.memory_space<semaphore_mem>>) src(%dma_wait3A_103 : memref<5x80xi32, #tpu.memory_space<hbm>>) dst(%dma_wait3A_101 : memref<5x80xi32, #tpu.memory_space<vmem>>)
      tpu.yield
    }) : () -> ()
    %add3A_22 = arith.constant 0 : i32
    %add3A_23 = arith.addi %add3A_19, %add3A_22 : i32
    %run_scoped3A_24 = arith.constant 0 : i32
    "tpu.region"() ({
      %run_scoped3A_80 = tpu.sem_alloc : memref<!tpu.dma_semaphore, #tpu.memory_space<semaphore_mem>>
      %dma_start3A_81 = arith.constant 0 : i32
      %dma_start3A_82 = arith.constant 0 : i32
      %dma_start3A_83 = tpu.memref_slice %arg12[%run_scoped3A_24, %dma_start3A_81, %dma_start3A_82] : memref<2x5x80xi32, #tpu.memory_space<vmem>> -> memref<1x5x80xi32, #tpu.memory_space<vmem>>
      %dma_start3A_84 = tpu.memref_squeeze %dma_start3A_83 : memref<1x5x80xi32, #tpu.memory_space<vmem>> -> memref<5x80xi32, #tpu.memory_space<vmem>>
      %dma_start3A_85 = arith.constant 0 : i32
      %dma_start3A_86 = tpu.memref_slice %arg4[%add3A_23, %dma_start3A_85] : memref<4000x80xi32, #tpu.memory_space<hbm>> -> memref<5x80xi32, #tpu.memory_space<hbm>>
      %dma_start3A_87 = arith.constant 0 : i32
      %dma_start3A_88 = arith.constant 0 : i32
      %dma_start3A_89 = tpu.memref_slice %arg12[%run_scoped3A_24, %dma_start3A_87, %dma_start3A_88] : memref<2x5x80xi32, #tpu.memory_space<vmem>> -> memref<1x5x80xi32, #tpu.memory_space<vmem>>
      %dma_start3A_90 = tpu.memref_squeeze %dma_start3A_89 : memref<1x5x80xi32, #tpu.memory_space<vmem>> -> memref<5x80xi32, #tpu.memory_space<vmem>>
      %dma_start3A_91 = arith.constant 0 : i32
      %dma_start3A_92 = tpu.memref_slice %arg4[%add3A_23, %dma_start3A_91] : memref<4000x80xi32, #tpu.memory_space<hbm>> -> memref<5x80xi32, #tpu.memory_space<hbm>>
      tpu.enqueue_dma source(%dma_start3A_92 : memref<5x80xi32, #tpu.memory_space<hbm>>) target(%dma_start3A_90 : memref<5x80xi32, #tpu.memory_space<vmem>>) target_semaphore(%run_scoped3A_80 : memref<!tpu.dma_semaphore, #tpu.memory_space<semaphore_mem>>)
      %dma_wait3A = arith.constant 0 : i32
      %dma_wait3A_93 = arith.constant 0 : i32
      %dma_wait3A_94 = tpu.memref_slice %arg12[%run_scoped3A_24, %dma_wait3A, %dma_wait3A_93] : memref<2x5x80xi32, #tpu.memory_space<vmem>> -> memref<1x5x80xi32, #tpu.memory_space<vmem>>
      %dma_wait3A_95 = tpu.memref_squeeze %dma_wait3A_94 : memref<1x5x80xi32, #tpu.memory_space<vmem>> -> memref<5x80xi32, #tpu.memory_space<vmem>>
      %dma_wait3A_96 = arith.constant 0 : i32
      %dma_wait3A_97 = tpu.memref_slice %arg4[%add3A_23, %dma_wait3A_96] : memref<4000x80xi32, #tpu.memory_space<hbm>> -> memref<5x80xi32, #tpu.memory_space<hbm>>
      %dma_wait3A_98 = arith.constant 0 : i32
      %dma_wait3A_99 = arith.constant 0 : i32
      %dma_wait3A_100 = tpu.memref_slice %arg12[%run_scoped3A_24, %dma_wait3A_98, %dma_wait3A_99] : memref<2x5x80xi32, #tpu.memory_space<vmem>> -> memref<1x5x80xi32, #tpu.memory_space<vmem>>
      %dma_wait3A_101 = tpu.memref_squeeze %dma_wait3A_100 : memref<1x5x80xi32, #tpu.memory_space<vmem>> -> memref<5x80xi32, #tpu.memory_space<vmem>>
      %dma_wait3A_102 = arith.constant 0 : i32
      %dma_wait3A_103 = tpu.memref_slice %arg4[%add3A_23, %dma_wait3A_102] : memref<4000x80xi32, #tpu.memory_space<hbm>> -> memref<5x80xi32, #tpu.memory_space<hbm>>
      tpu.wait_dma2 semaphore(%run_scoped3A_80 : memref<!tpu.dma_semaphore, #tpu.memory_space<semaphore_mem>>) src(%dma_wait3A_103 : memref<5x80xi32, #tpu.memory_space<hbm>>) dst(%dma_wait3A_101 : memref<5x80xi32, #tpu.memory_space<vmem>>)
      tpu.yield
    }) : () -> ()
    %dma_start3A = arith.constant 0 : i32
    %dma_start3A_25 = arith.constant 0 : i32
    %dma_start3A_26 = arith.constant 0 : i32
    %dma_start3A_27 = arith.constant 0 : i32
    %dma_start3A_28 = arith.constant 0 : i32
    %dma_start3A_29 = arith.constant 0 : i32
    %dma_start3A_30 = tpu.memref_slice %arg13[%dma_start3A_26, %dma_start3A_28, %dma_start3A_29] : memref<3x80x128xf32, #tpu.memory_space<vmem>> -> memref<1x80x128xf32, #tpu.memory_space<vmem>>
    %dma_start3A_31 = tpu.memref_squeeze %dma_start3A_30 : memref<1x80x128xf32, #tpu.memory_space<vmem>> -> memref<80x128xf32, #tpu.memory_space<vmem>>
    %dma_start3A_32 = arith.constant 0 : i32
    %dma_start3A_33 = tpu.memref_slice %arg11[%dma_start3A, %dma_start3A_25, %dma_start3A_32] : memref<2x5x80xi32, #tpu.memory_space<vmem>> -> memref<1x1x80xi32, #tpu.memory_space<vmem>>
    %dma_start3A_34 = tpu.memref_squeeze %dma_start3A_33 : memref<1x1x80xi32, #tpu.memory_space<vmem>> -> memref<80xi32, #tpu.memory_space<vmem>>
    %dma_start3A_35 = arith.constant 0 : i32
    %dma_start3A_36 = arith.constant 0 : i32
    %dma_start3A_37 = tpu.memref_slice %arg2[%dma_start3A_35, %dma_start3A_36] : memref<10000x128xf32, #tpu.memory_space<hbm>> -> memref<10000x128xf32, #tpu.memory_space<hbm>>
    %dma_start3A_38 = tpu.memref_slice %arg15[%dma_start3A_27] : memref<3x!tpu.dma_semaphore, #tpu.memory_space<semaphore_mem>> -> memref<1x!tpu.dma_semaphore, #tpu.memory_space<semaphore_mem>>
    %dma_start3A_39 = tpu.memref_squeeze %dma_start3A_38 : memref<1x!tpu.dma_semaphore, #tpu.memory_space<semaphore_mem>> -> memref<!tpu.dma_semaphore, #tpu.memory_space<semaphore_mem>>
    tpu.enqueue_indirect_dma source(%dma_start3A_37 : memref<10000x128xf32, #tpu.memory_space<hbm>>) target(%dma_start3A_31 : memref<80x128xf32, #tpu.memory_space<vmem>>) offsets(%dma_start3A_34 : memref<80xi32, #tpu.memory_space<vmem>>) semaphore(%dma_start3A_39 : memref<!tpu.dma_semaphore, #tpu.memory_space<semaphore_mem>>)
    %gt3A = arith.constant 1 : i32
    %gt3A_40 = arith.cmpi sgt, %add3A_15, %gt3A : i32
    %convert_element_type3A_41 = arith.extui %gt3A_40 : i1 to i32
    %cond3A_42 = arith.constant 0 : i32
    %cond3A_43 = arith.cmpi ne, %convert_element_type3A_41, %cond3A_42 : i32
    scf.if %cond3A_43 {
      %dma_start3A_80 = arith.constant 0 : i32
      %dma_start3A_81 = arith.constant 1 : i32
      %dma_start3A_82 = arith.constant 1 : i32
      %dma_start3A_83 = arith.constant 1 : i32
      %dma_start3A_84 = arith.constant 0 : i32
      %dma_start3A_85 = arith.constant 0 : i32
      %dma_start3A_86 = tpu.memref_slice %arg13[%dma_start3A_82, %dma_start3A_84, %dma_start3A_85] : memref<3x80x128xf32, #tpu.memory_space<vmem>> -> memref<1x80x128xf32, #tpu.memory_space<vmem>>
      %dma_start3A_87 = tpu.memref_squeeze %dma_start3A_86 : memref<1x80x128xf32, #tpu.memory_space<vmem>> -> memref<80x128xf32, #tpu.memory_space<vmem>>
      %dma_start3A_88 = arith.constant 0 : i32
      %dma_start3A_89 = tpu.memref_slice %arg11[%dma_start3A_80, %dma_start3A_81, %dma_start3A_88] : memref<2x5x80xi32, #tpu.memory_space<vmem>> -> memref<1x1x80xi32, #tpu.memory_space<vmem>>
      %dma_start3A_90 = tpu.memref_squeeze %dma_start3A_89 : memref<1x1x80xi32, #tpu.memory_space<vmem>> -> memref<80xi32, #tpu.memory_space<vmem>>
      %dma_start3A_91 = arith.constant 0 : i32
      %dma_start3A_92 = arith.constant 0 : i32
      %dma_start3A_93 = tpu.memref_slice %arg2[%dma_start3A_91, %dma_start3A_92] : memref<10000x128xf32, #tpu.memory_space<hbm>> -> memref<10000x128xf32, #tpu.memory_space<hbm>>
      %dma_start3A_94 = tpu.memref_slice %arg15[%dma_start3A_83] : memref<3x!tpu.dma_semaphore, #tpu.memory_space<semaphore_mem>> -> memref<1x!tpu.dma_semaphore, #tpu.memory_space<semaphore_mem>>
      %dma_start3A_95 = tpu.memref_squeeze %dma_start3A_94 : memref<1x!tpu.dma_semaphore, #tpu.memory_space<semaphore_mem>> -> memref<!tpu.dma_semaphore, #tpu.memory_space<semaphore_mem>>
      tpu.enqueue_indirect_dma source(%dma_start3A_93 : memref<10000x128xf32, #tpu.memory_space<hbm>>) target(%dma_start3A_87 : memref<80x128xf32, #tpu.memory_space<vmem>>) offsets(%dma_start3A_90 : memref<80xi32, #tpu.memory_space<vmem>>) semaphore(%dma_start3A_95 : memref<!tpu.dma_semaphore, #tpu.memory_space<semaphore_mem>>)
    } else {
    }
    %while3A = arith.constant 0 : i32
    %while3A_44 = arith.constant 0 : i32
    %while3A_45 = arith.subi %add3A_15, %while3A : i32
    %while3A_46 = arith.addi %while3A, %while3A_45 : i32
    %while3A_47 = arith.constant 1 : i32
    %while3A_48 = arith.divsi %while3A_45, %while3A_47 : i32
    %while3A_49 = arith.muli %while3A_48, %while3A_47 : i32
    %while3A_50 = arith.addi %while3A, %while3A_49 : i32
    %while3A_51 = arith.constant 1 : i32
    %while3A_52 = scf.for %while3A_80 = %while3A to %while3A_50 step %while3A_51 iter_args(%while3A_81 = %while3A_44) -> (i32)  : i32 {
      %add3A_82 = arith.constant 3 : i32
      %add3A_83 = arith.addi %while3A_80, %add3A_82 : i32
      %sub3A_84 = arith.constant 1 : i32
      %sub3A_85 = arith.subi %add3A_83, %sub3A_84 : i32
      %jit3A_86 = arith.constant 5 : i32
      %eq3A_87 = arith.constant 0 : i32
      %eq3A_88 = arith.cmpi eq, %jit3A_86, %eq3A_87 : i32
      %jit3A_89 = arith.constant 1 : i32
      %select_n3A_90 = arith.select %eq3A_88, %jit3A_89, %jit3A_86 : i32
      %rem3A = arith.remsi %sub3A_85, %select_n3A_90 : i32
      %ne3A = arith.constant 0 : i32
      %ne3A_91 = arith.cmpi ne, %rem3A, %ne3A : i32
      %lt3A_92 = arith.constant 0 : i32
      %lt3A_93 = arith.cmpi slt, %rem3A, %lt3A_92 : i32
      %lt3A_94 = arith.constant 0 : i32
      %lt3A_95 = arith.cmpi slt, %select_n3A_90, %lt3A_94 : i32
      %ne3A_96 = arith.xori %lt3A_93, %lt3A_95 : i1
      %and3A = arith.andi %ne3A_96, %ne3A_91 : i1
      %add3A_97 = arith.addi %rem3A, %select_n3A_90 : i32
      %select_n3A_98 = arith.select %and3A, %add3A_97, %rem3A : i32
      %eq3A_99 = arith.constant 0 : i32
      %eq3A_100 = arith.cmpi eq, %select_n3A_98, %eq3A_99 : i32
      %lt3A_101 = arith.cmpi slt, %sub3A_85, %add3A_15 : i32
      %and3A_102 = arith.andi %eq3A_100, %lt3A_101 : i1
      %convert_element_type3A_103 = arith.extui %and3A_102 : i1 to i32
      %cond3A_104 = arith.constant 0 : i32
      %cond3A_105 = arith.cmpi ne, %convert_element_type3A_103, %cond3A_104 : i32
      scf.if %cond3A_105 {
        %jit3A_296 = arith.constant 5 : i32
        %div3A_297 = arith.divsi %sub3A_85, %jit3A_296 : i32
        %sign3A_298 = arith.constant 0 : i32
        %sign3A_299 = arith.cmpi sgt, %sub3A_85, %sign3A_298 : i32
        %sign3A_300 = arith.extui %sign3A_299 : i1 to i32
        %sign3A_301 = arith.constant 0 : i32
        %sign3A_302 = arith.cmpi slt, %sub3A_85, %sign3A_301 : i32
        %sign3A_303 = arith.extui %sign3A_302 : i1 to i32
        %sign3A_304 = arith.subi %sign3A_300, %sign3A_303 : i32
        %sign3A_305 = arith.constant 0 : i32
        %sign3A_306 = arith.cmpi sgt, %jit3A_296, %sign3A_305 : i32
        %sign3A_307 = arith.extui %sign3A_306 : i1 to i32
        %sign3A_308 = arith.constant 0 : i32
        %sign3A_309 = arith.cmpi slt, %jit3A_296, %sign3A_308 : i32
        %sign3A_310 = arith.extui %sign3A_309 : i1 to i32
        %sign3A_311 = arith.subi %sign3A_307, %sign3A_310 : i32
        %ne3A_312 = arith.cmpi ne, %sign3A_304, %sign3A_311 : i32
        %rem3A_313 = arith.remsi %sub3A_85, %jit3A_296 : i32
        %ne3A_314 = arith.constant 0 : i32
        %ne3A_315 = arith.cmpi ne, %rem3A_313, %ne3A_314 : i32
        %and3A_316 = arith.andi %ne3A_312, %ne3A_315 : i1
        %sub3A_317 = arith.constant 1 : i32
        %sub3A_318 = arith.subi %div3A_297, %sub3A_317 : i32
        %select_n3A_319 = arith.select %and3A_316, %sub3A_318, %div3A_297 : i32
        %jit3A_320 = arith.constant 2 : i32
        %eq3A_321 = arith.constant 0 : i32
        %eq3A_322 = arith.cmpi eq, %jit3A_320, %eq3A_321 : i32
        %jit3A_323 = arith.constant 1 : i32
        %select_n3A_324 = arith.select %eq3A_322, %jit3A_323, %jit3A_320 : i32
        %rem3A_325 = arith.remsi %select_n3A_319, %select_n3A_324 : i32
        %ne3A_326 = arith.constant 0 : i32
        %ne3A_327 = arith.cmpi ne, %rem3A_325, %ne3A_326 : i32
        %lt3A_328 = arith.constant 0 : i32
        %lt3A_329 = arith.cmpi slt, %rem3A_325, %lt3A_328 : i32
        %lt3A_330 = arith.constant 0 : i32
        %lt3A_331 = arith.cmpi slt, %select_n3A_324, %lt3A_330 : i32
        %ne3A_332 = arith.xori %lt3A_329, %lt3A_331 : i1
        %and3A_333 = arith.andi %ne3A_332, %ne3A_327 : i1
        %add3A_334 = arith.addi %rem3A_325, %select_n3A_324 : i32
        %select_n3A_335 = arith.select %and3A_333, %add3A_334, %rem3A_325 : i32
        %mul3A_336 = arith.constant 5 : i32
        %mul3A_337 = arith.muli %select_n3A_319, %mul3A_336 : i32
        %add3A_338 = arith.addi %add3A_19, %mul3A_337 : i32
        "tpu.region"() ({
          %run_scoped3A_342 = tpu.sem_alloc : memref<!tpu.dma_semaphore, #tpu.memory_space<semaphore_mem>>
          %dma_start3A_343 = arith.constant 0 : i32
          %dma_start3A_344 = arith.constant 0 : i32
          %dma_start3A_345 = tpu.memref_slice %arg11[%select_n3A_335, %dma_start3A_343, %dma_start3A_344] : memref<2x5x80xi32, #tpu.memory_space<vmem>> -> memref<1x5x80xi32, #tpu.memory_space<vmem>>
          %dma_start3A_346 = tpu.memref_squeeze %dma_start3A_345 : memref<1x5x80xi32, #tpu.memory_space<vmem>> -> memref<5x80xi32, #tpu.memory_space<vmem>>
          %dma_start3A_347 = arith.constant 0 : i32
          %dma_start3A_348 = tpu.memref_slice %arg3[%add3A_338, %dma_start3A_347] : memref<4000x80xi32, #tpu.memory_space<hbm>> -> memref<5x80xi32, #tpu.memory_space<hbm>>
          %dma_start3A_349 = arith.constant 0 : i32
          %dma_start3A_350 = arith.constant 0 : i32
          %dma_start3A_351 = tpu.memref_slice %arg11[%select_n3A_335, %dma_start3A_349, %dma_start3A_350] : memref<2x5x80xi32, #tpu.memory_space<vmem>> -> memref<1x5x80xi32, #tpu.memory_space<vmem>>
          %dma_start3A_352 = tpu.memref_squeeze %dma_start3A_351 : memref<1x5x80xi32, #tpu.memory_space<vmem>> -> memref<5x80xi32, #tpu.memory_space<vmem>>
          %dma_start3A_353 = arith.constant 0 : i32
          %dma_start3A_354 = tpu.memref_slice %arg3[%add3A_338, %dma_start3A_353] : memref<4000x80xi32, #tpu.memory_space<hbm>> -> memref<5x80xi32, #tpu.memory_space<hbm>>
          tpu.enqueue_dma source(%dma_start3A_354 : memref<5x80xi32, #tpu.memory_space<hbm>>) target(%dma_start3A_352 : memref<5x80xi32, #tpu.memory_space<vmem>>) target_semaphore(%run_scoped3A_342 : memref<!tpu.dma_semaphore, #tpu.memory_space<semaphore_mem>>)
          %dma_wait3A_355 = arith.constant 0 : i32
          %dma_wait3A_356 = arith.constant 0 : i32
          %dma_wait3A_357 = tpu.memref_slice %arg11[%select_n3A_335, %dma_wait3A_355, %dma_wait3A_356] : memref<2x5x80xi32, #tpu.memory_space<vmem>> -> memref<1x5x80xi32, #tpu.memory_space<vmem>>
          %dma_wait3A_358 = tpu.memref_squeeze %dma_wait3A_357 : memref<1x5x80xi32, #tpu.memory_space<vmem>> -> memref<5x80xi32, #tpu.memory_space<vmem>>
          %dma_wait3A_359 = arith.constant 0 : i32
          %dma_wait3A_360 = tpu.memref_slice %arg3[%add3A_338, %dma_wait3A_359] : memref<4000x80xi32, #tpu.memory_space<hbm>> -> memref<5x80xi32, #tpu.memory_space<hbm>>
          %dma_wait3A_361 = arith.constant 0 : i32
          %dma_wait3A_362 = arith.constant 0 : i32
          %dma_wait3A_363 = tpu.memref_slice %arg11[%select_n3A_335, %dma_wait3A_361, %dma_wait3A_362] : memref<2x5x80xi32, #tpu.memory_space<vmem>> -> memref<1x5x80xi32, #tpu.memory_space<vmem>>
          %dma_wait3A_364 = tpu.memref_squeeze %dma_wait3A_363 : memref<1x5x80xi32, #tpu.memory_space<vmem>> -> memref<5x80xi32, #tpu.memory_space<vmem>>
          %dma_wait3A_365 = arith.constant 0 : i32
          %dma_wait3A_366 = tpu.memref_slice %arg3[%add3A_338, %dma_wait3A_365] : memref<4000x80xi32, #tpu.memory_space<hbm>> -> memref<5x80xi32, #tpu.memory_space<hbm>>
          tpu.wait_dma2 semaphore(%run_scoped3A_342 : memref<!tpu.dma_semaphore, #tpu.memory_space<semaphore_mem>>) src(%dma_wait3A_366 : memref<5x80xi32, #tpu.memory_space<hbm>>) dst(%dma_wait3A_364 : memref<5x80xi32, #tpu.memory_space<vmem>>)
          tpu.yield
        }) : () -> ()
        %mul3A_339 = arith.constant 5 : i32
        %mul3A_340 = arith.muli %select_n3A_319, %mul3A_339 : i32
        %add3A_341 = arith.addi %add3A_19, %mul3A_340 : i32
        "tpu.region"() ({
          %run_scoped3A_342 = tpu.sem_alloc : memref<!tpu.dma_semaphore, #tpu.memory_space<semaphore_mem>>
          %dma_start3A_343 = arith.constant 0 : i32
          %dma_start3A_344 = arith.constant 0 : i32
          %dma_start3A_345 = tpu.memref_slice %arg12[%select_n3A_335, %dma_start3A_343, %dma_start3A_344] : memref<2x5x80xi32, #tpu.memory_space<vmem>> -> memref<1x5x80xi32, #tpu.memory_space<vmem>>
          %dma_start3A_346 = tpu.memref_squeeze %dma_start3A_345 : memref<1x5x80xi32, #tpu.memory_space<vmem>> -> memref<5x80xi32, #tpu.memory_space<vmem>>
          %dma_start3A_347 = arith.constant 0 : i32
          %dma_start3A_348 = tpu.memref_slice %arg4[%add3A_341, %dma_start3A_347] : memref<4000x80xi32, #tpu.memory_space<hbm>> -> memref<5x80xi32, #tpu.memory_space<hbm>>
          %dma_start3A_349 = arith.constant 0 : i32
          %dma_start3A_350 = arith.constant 0 : i32
          %dma_start3A_351 = tpu.memref_slice %arg12[%select_n3A_335, %dma_start3A_349, %dma_start3A_350] : memref<2x5x80xi32, #tpu.memory_space<vmem>> -> memref<1x5x80xi32, #tpu.memory_space<vmem>>
          %dma_start3A_352 = tpu.memref_squeeze %dma_start3A_351 : memref<1x5x80xi32, #tpu.memory_space<vmem>> -> memref<5x80xi32, #tpu.memory_space<vmem>>
          %dma_start3A_353 = arith.constant 0 : i32
          %dma_start3A_354 = tpu.memref_slice %arg4[%add3A_341, %dma_start3A_353] : memref<4000x80xi32, #tpu.memory_space<hbm>> -> memref<5x80xi32, #tpu.memory_space<hbm>>
          tpu.enqueue_dma source(%dma_start3A_354 : memref<5x80xi32, #tpu.memory_space<hbm>>) target(%dma_start3A_352 : memref<5x80xi32, #tpu.memory_space<vmem>>) target_semaphore(%run_scoped3A_342 : memref<!tpu.dma_semaphore, #tpu.memory_space<semaphore_mem>>)
          %dma_wait3A_355 = arith.constant 0 : i32
          %dma_wait3A_356 = arith.constant 0 : i32
          %dma_wait3A_357 = tpu.memref_slice %arg12[%select_n3A_335, %dma_wait3A_355, %dma_wait3A_356] : memref<2x5x80xi32, #tpu.memory_space<vmem>> -> memref<1x5x80xi32, #tpu.memory_space<vmem>>
          %dma_wait3A_358 = tpu.memref_squeeze %dma_wait3A_357 : memref<1x5x80xi32, #tpu.memory_space<vmem>> -> memref<5x80xi32, #tpu.memory_space<vmem>>
          %dma_wait3A_359 = arith.constant 0 : i32
          %dma_wait3A_360 = tpu.memref_slice %arg4[%add3A_341, %dma_wait3A_359] : memref<4000x80xi32, #tpu.memory_space<hbm>> -> memref<5x80xi32, #tpu.memory_space<hbm>>
          %dma_wait3A_361 = arith.constant 0 : i32
          %dma_wait3A_362 = arith.constant 0 : i32
          %dma_wait3A_363 = tpu.memref_slice %arg12[%select_n3A_335, %dma_wait3A_361, %dma_wait3A_362] : memref<2x5x80xi32, #tpu.memory_space<vmem>> -> memref<1x5x80xi32, #tpu.memory_space<vmem>>
          %dma_wait3A_364 = tpu.memref_squeeze %dma_wait3A_363 : memref<1x5x80xi32, #tpu.memory_space<vmem>> -> memref<5x80xi32, #tpu.memory_space<vmem>>
          %dma_wait3A_365 = arith.constant 0 : i32
          %dma_wait3A_366 = tpu.memref_slice %arg4[%add3A_341, %dma_wait3A_365] : memref<4000x80xi32, #tpu.memory_space<hbm>> -> memref<5x80xi32, #tpu.memory_space<hbm>>
          tpu.wait_dma2 semaphore(%run_scoped3A_342 : memref<!tpu.dma_semaphore, #tpu.memory_space<semaphore_mem>>) src(%dma_wait3A_366 : memref<5x80xi32, #tpu.memory_space<hbm>>) dst(%dma_wait3A_364 : memref<5x80xi32, #tpu.memory_space<vmem>>)
          tpu.yield
        }) : () -> ()
      } else {
      }
      %lt3A_106 = arith.cmpi slt, %sub3A_85, %add3A_15 : i32
      %convert_element_type3A_107 = arith.extui %lt3A_106 : i1 to i32
      %cond3A_108 = arith.constant 0 : i32
      %cond3A_109 = arith.cmpi ne, %convert_element_type3A_107, %cond3A_108 : i32
      scf.if %cond3A_109 {
        %ge3A_296 = arith.constant 3 : i32
        %ge3A_297 = arith.cmpi sge, %sub3A_85, %ge3A_296 : i32
        %convert_element_type3A_298 = arith.extui %ge3A_297 : i1 to i32
        %cond3A_299 = arith.constant 0 : i32
        %cond3A_300 = arith.cmpi ne, %convert_element_type3A_298, %cond3A_299 : i32
        scf.if %cond3A_300 {
          %sub3A_401 = arith.constant 3 : i32
          %sub3A_402 = arith.subi %sub3A_85, %sub3A_401 : i32
          %jit3A_403 = arith.constant 3 : i32
          %eq3A_404 = arith.constant 0 : i32
          %eq3A_405 = arith.cmpi eq, %jit3A_403, %eq3A_404 : i32
          %jit3A_406 = arith.constant 1 : i32
          %select_n3A_407 = arith.select %eq3A_405, %jit3A_406, %jit3A_403 : i32
          %rem3A_408 = arith.remsi %sub3A_402, %select_n3A_407 : i32
          %ne3A_409 = arith.constant 0 : i32
          %ne3A_410 = arith.cmpi ne, %rem3A_408, %ne3A_409 : i32
          %lt3A_411 = arith.constant 0 : i32
          %lt3A_412 = arith.cmpi slt, %rem3A_408, %lt3A_411 : i32
          %lt3A_413 = arith.constant 0 : i32
          %lt3A_414 = arith.cmpi slt, %select_n3A_407, %lt3A_413 : i32
          %ne3A_415 = arith.xori %lt3A_412, %lt3A_414 : i1
          %and3A_416 = arith.andi %ne3A_415, %ne3A_410 : i1
          %add3A_417 = arith.addi %rem3A_408, %select_n3A_407 : i32
          %select_n3A_418 = arith.select %and3A_416, %add3A_417, %rem3A_408 : i32
          %jit3A_419 = arith.constant 3 : i32
          %eq3A_420 = arith.constant 0 : i32
          %eq3A_421 = arith.cmpi eq, %jit3A_419, %eq3A_420 : i32
          %jit3A_422 = arith.constant 1 : i32
          %select_n3A_423 = arith.select %eq3A_421, %jit3A_422, %jit3A_419 : i32
          %rem3A_424 = arith.remsi %sub3A_402, %select_n3A_423 : i32
          %ne3A_425 = arith.constant 0 : i32
          %ne3A_426 = arith.cmpi ne, %rem3A_424, %ne3A_425 : i32
          %lt3A_427 = arith.constant 0 : i32
          %lt3A_428 = arith.cmpi slt, %rem3A_424, %lt3A_427 : i32
          %lt3A_429 = arith.constant 0 : i32
          %lt3A_430 = arith.cmpi slt, %select_n3A_423, %lt3A_429 : i32
          %ne3A_431 = arith.xori %lt3A_428, %lt3A_430 : i1
          %and3A_432 = arith.andi %ne3A_431, %ne3A_426 : i1
          %add3A_433 = arith.addi %rem3A_424, %select_n3A_423 : i32
          %select_n3A_434 = arith.select %and3A_432, %add3A_433, %rem3A_424 : i32
          %dma_wait3A_435 = arith.constant 0 : i32
          %dma_wait3A_436 = arith.constant 0 : i32
          %dma_wait3A_437 = tpu.memref_slice %arg13[%select_n3A_418, %dma_wait3A_435, %dma_wait3A_436] : memref<3x80x128xf32, #tpu.memory_space<vmem>> -> memref<1x80x128xf32, #tpu.memory_space<vmem>>
          %dma_wait3A_438 = tpu.memref_squeeze %dma_wait3A_437 : memref<1x80x128xf32, #tpu.memory_space<vmem>> -> memref<80x128xf32, #tpu.memory_space<vmem>>
          %dma_wait3A_439 = arith.constant 0 : i32
          %dma_wait3A_440 = arith.constant 0 : i32
          %dma_wait3A_441 = tpu.memref_slice %arg9[%dma_wait3A_439, %dma_wait3A_440] : memref<10000x128xf32, #tpu.memory_space<vmem_shared>> -> memref<80x128xf32, #tpu.memory_space<vmem_shared>>
          %dma_wait3A_442 = tpu.memref_slice %arg16[%select_n3A_434] : memref<3x!tpu.dma_semaphore, #tpu.memory_space<semaphore_mem>> -> memref<1x!tpu.dma_semaphore, #tpu.memory_space<semaphore_mem>>
          %dma_wait3A_443 = tpu.memref_squeeze %dma_wait3A_442 : memref<1x!tpu.dma_semaphore, #tpu.memory_space<semaphore_mem>> -> memref<!tpu.dma_semaphore, #tpu.memory_space<semaphore_mem>>
          %dma_wait3A_444 = arith.constant 0 : i32
          %dma_wait3A_445 = arith.constant 0 : i32
          %dma_wait3A_446 = tpu.memref_slice %arg9[%dma_wait3A_444, %dma_wait3A_445] : memref<10000x128xf32, #tpu.memory_space<vmem_shared>> -> memref<80x128xf32, #tpu.memory_space<vmem_shared>>
          %dma_wait3A_447 = arith.constant 0 : i32
          %dma_wait3A_448 = arith.constant 0 : i32
          %dma_wait3A_449 = tpu.memref_slice %arg13[%select_n3A_418, %dma_wait3A_447, %dma_wait3A_448] : memref<3x80x128xf32, #tpu.memory_space<vmem>> -> memref<1x80x128xf32, #tpu.memory_space<vmem>>
          %dma_wait3A_450 = tpu.memref_squeeze %dma_wait3A_449 : memref<1x80x128xf32, #tpu.memory_space<vmem>> -> memref<80x128xf32, #tpu.memory_space<vmem>>
          tpu.wait_dma2 semaphore(%dma_wait3A_443 : memref<!tpu.dma_semaphore, #tpu.memory_space<semaphore_mem>>) src(%dma_wait3A_450 : memref<80x128xf32, #tpu.memory_space<vmem>>) dst(%dma_wait3A_446 : memref<80x128xf32, #tpu.memory_space<vmem_shared>>)
          %jit3A_451 = arith.constant 3 : i32
          %eq3A_452 = arith.constant 0 : i32
          %eq3A_453 = arith.cmpi eq, %jit3A_451, %eq3A_452 : i32
          %jit3A_454 = arith.constant 1 : i32
          %select_n3A_455 = arith.select %eq3A_453, %jit3A_454, %jit3A_451 : i32
          %rem3A_456 = arith.remsi %sub3A_402, %select_n3A_455 : i32
          %ne3A_457 = arith.constant 0 : i32
          %ne3A_458 = arith.cmpi ne, %rem3A_456, %ne3A_457 : i32
          %lt3A_459 = arith.constant 0 : i32
          %lt3A_460 = arith.cmpi slt, %rem3A_456, %lt3A_459 : i32
          %lt3A_461 = arith.constant 0 : i32
          %lt3A_462 = arith.cmpi slt, %select_n3A_455, %lt3A_461 : i32
          %ne3A_463 = arith.xori %lt3A_460, %lt3A_462 : i1
          %and3A_464 = arith.andi %ne3A_463, %ne3A_458 : i1
          %add3A_465 = arith.addi %rem3A_456, %select_n3A_455 : i32
          %select_n3A_466 = arith.select %and3A_464, %add3A_465, %rem3A_456 : i32
          %dma_wait3A_467 = arith.constant 0 : i32
          %dma_wait3A_468 = arith.constant 0 : i32
          %dma_wait3A_469 = tpu.memref_slice %arg10[%dma_wait3A_467, %dma_wait3A_468] : memref<10000x16xf32, #tpu.memory_space<vmem_shared>> -> memref<80x16xf32, #tpu.memory_space<vmem_shared>>
          %dma_wait3A_470 = tpu.memref_slice %arg16[%select_n3A_466] : memref<3x!tpu.dma_semaphore, #tpu.memory_space<semaphore_mem>> -> memref<1x!tpu.dma_semaphore, #tpu.memory_space<semaphore_mem>>
          %dma_wait3A_471 = tpu.memref_squeeze %dma_wait3A_470 : memref<1x!tpu.dma_semaphore, #tpu.memory_space<semaphore_mem>> -> memref<!tpu.dma_semaphore, #tpu.memory_space<semaphore_mem>>
          %dma_wait3A_472 = arith.constant 0 : i32
          %dma_wait3A_473 = arith.constant 0 : i32
          %dma_wait3A_474 = tpu.memref_slice %arg10[%dma_wait3A_472, %dma_wait3A_473] : memref<10000x16xf32, #tpu.memory_space<vmem_shared>> -> memref<80x16xf32, #tpu.memory_space<vmem_shared>>
          tpu.wait_dma2 semaphore(%dma_wait3A_471 : memref<!tpu.dma_semaphore, #tpu.memory_space<semaphore_mem>>) src(%arg14 : memref<80x16xf32, #tpu.memory_space<vmem>>) dst(%dma_wait3A_474 : memref<80x16xf32, #tpu.memory_space<vmem_shared>>)
        } else {
        }
        %jit3A_301 = arith.constant 5 : i32
        %div3A_302 = arith.divsi %sub3A_85, %jit3A_301 : i32
        %sign3A_303 = arith.constant 0 : i32
        %sign3A_304 = arith.cmpi sgt, %sub3A_85, %sign3A_303 : i32
        %sign3A_305 = arith.extui %sign3A_304 : i1 to i32
        %sign3A_306 = arith.constant 0 : i32
        %sign3A_307 = arith.cmpi slt, %sub3A_85, %sign3A_306 : i32
        %sign3A_308 = arith.extui %sign3A_307 : i1 to i32
        %sign3A_309 = arith.subi %sign3A_305, %sign3A_308 : i32
        %sign3A_310 = arith.constant 0 : i32
        %sign3A_311 = arith.cmpi sgt, %jit3A_301, %sign3A_310 : i32
        %sign3A_312 = arith.extui %sign3A_311 : i1 to i32
        %sign3A_313 = arith.constant 0 : i32
        %sign3A_314 = arith.cmpi slt, %jit3A_301, %sign3A_313 : i32
        %sign3A_315 = arith.extui %sign3A_314 : i1 to i32
        %sign3A_316 = arith.subi %sign3A_312, %sign3A_315 : i32
        %ne3A_317 = arith.cmpi ne, %sign3A_309, %sign3A_316 : i32
        %rem3A_318 = arith.remsi %sub3A_85, %jit3A_301 : i32
        %ne3A_319 = arith.constant 0 : i32
        %ne3A_320 = arith.cmpi ne, %rem3A_318, %ne3A_319 : i32
        %and3A_321 = arith.andi %ne3A_317, %ne3A_320 : i1
        %sub3A_322 = arith.constant 1 : i32
        %sub3A_323 = arith.subi %div3A_302, %sub3A_322 : i32
        %select_n3A_324 = arith.select %and3A_321, %sub3A_323, %div3A_302 : i32
        %jit3A_325 = arith.constant 2 : i32
        %eq3A_326 = arith.constant 0 : i32
        %eq3A_327 = arith.cmpi eq, %jit3A_325, %eq3A_326 : i32
        %jit3A_328 = arith.constant 1 : i32
        %select_n3A_329 = arith.select %eq3A_327, %jit3A_328, %jit3A_325 : i32
        %rem3A_330 = arith.remsi %select_n3A_324, %select_n3A_329 : i32
        %ne3A_331 = arith.constant 0 : i32
        %ne3A_332 = arith.cmpi ne, %rem3A_330, %ne3A_331 : i32
        %lt3A_333 = arith.constant 0 : i32
        %lt3A_334 = arith.cmpi slt, %rem3A_330, %lt3A_333 : i32
        %lt3A_335 = arith.constant 0 : i32
        %lt3A_336 = arith.cmpi slt, %select_n3A_329, %lt3A_335 : i32
        %ne3A_337 = arith.xori %lt3A_334, %lt3A_336 : i1
        %and3A_338 = arith.andi %ne3A_337, %ne3A_332 : i1
        %add3A_339 = arith.addi %rem3A_330, %select_n3A_329 : i32
        %select_n3A_340 = arith.select %and3A_338, %add3A_339, %rem3A_330 : i32
        %jit3A_341 = arith.constant 5 : i32
        %eq3A_342 = arith.constant 0 : i32
        %eq3A_343 = arith.cmpi eq, %jit3A_341, %eq3A_342 : i32
        %jit3A_344 = arith.constant 1 : i32
        %select_n3A_345 = arith.select %eq3A_343, %jit3A_344, %jit3A_341 : i32
        %rem3A_346 = arith.remsi %sub3A_85, %select_n3A_345 : i32
        %ne3A_347 = arith.constant 0 : i32
        %ne3A_348 = arith.cmpi ne, %rem3A_346, %ne3A_347 : i32
        %lt3A_349 = arith.constant 0 : i32
        %lt3A_350 = arith.cmpi slt, %rem3A_346, %lt3A_349 : i32
        %lt3A_351 = arith.constant 0 : i32
        %lt3A_352 = arith.cmpi slt, %select_n3A_345, %lt3A_351 : i32
        %ne3A_353 = arith.xori %lt3A_350, %lt3A_352 : i1
        %and3A_354 = arith.andi %ne3A_353, %ne3A_348 : i1
        %add3A_355 = arith.addi %rem3A_346, %select_n3A_345 : i32
        %select_n3A_356 = arith.select %and3A_354, %add3A_355, %rem3A_346 : i32
        %jit3A_357 = arith.constant 3 : i32
        %eq3A_358 = arith.constant 0 : i32
        %eq3A_359 = arith.cmpi eq, %jit3A_357, %eq3A_358 : i32
        %jit3A_360 = arith.constant 1 : i32
        %select_n3A_361 = arith.select %eq3A_359, %jit3A_360, %jit3A_357 : i32
        %rem3A_362 = arith.remsi %sub3A_85, %select_n3A_361 : i32
        %ne3A_363 = arith.constant 0 : i32
        %ne3A_364 = arith.cmpi ne, %rem3A_362, %ne3A_363 : i32
        %lt3A_365 = arith.constant 0 : i32
        %lt3A_366 = arith.cmpi slt, %rem3A_362, %lt3A_365 : i32
        %lt3A_367 = arith.constant 0 : i32
        %lt3A_368 = arith.cmpi slt, %select_n3A_361, %lt3A_367 : i32
        %ne3A_369 = arith.xori %lt3A_366, %lt3A_368 : i1
        %and3A_370 = arith.andi %ne3A_369, %ne3A_364 : i1
        %add3A_371 = arith.addi %rem3A_362, %select_n3A_361 : i32
        %select_n3A_372 = arith.select %and3A_370, %add3A_371, %rem3A_362 : i32
        %jit3A_373 = arith.constant 3 : i32
        %eq3A_374 = arith.constant 0 : i32
        %eq3A_375 = arith.cmpi eq, %jit3A_373, %eq3A_374 : i32
        %jit3A_376 = arith.constant 1 : i32
        %select_n3A_377 = arith.select %eq3A_375, %jit3A_376, %jit3A_373 : i32
        %rem3A_378 = arith.remsi %sub3A_85, %select_n3A_377 : i32
        %ne3A_379 = arith.constant 0 : i32
        %ne3A_380 = arith.cmpi ne, %rem3A_378, %ne3A_379 : i32
        %lt3A_381 = arith.constant 0 : i32
        %lt3A_382 = arith.cmpi slt, %rem3A_378, %lt3A_381 : i32
        %lt3A_383 = arith.constant 0 : i32
        %lt3A_384 = arith.cmpi slt, %select_n3A_377, %lt3A_383 : i32
        %ne3A_385 = arith.xori %lt3A_382, %lt3A_384 : i1
        %and3A_386 = arith.andi %ne3A_385, %ne3A_380 : i1
        %add3A_387 = arith.addi %rem3A_378, %select_n3A_377 : i32
        %select_n3A_388 = arith.select %and3A_386, %add3A_387, %rem3A_378 : i32
        %dma_start3A_389 = arith.constant 0 : i32
        %dma_start3A_390 = arith.constant 0 : i32
        %dma_start3A_391 = tpu.memref_slice %arg13[%select_n3A_372, %dma_start3A_389, %dma_start3A_390] : memref<3x80x128xf32, #tpu.memory_space<vmem>> -> memref<1x80x128xf32, #tpu.memory_space<vmem>>
        %dma_start3A_392 = tpu.memref_squeeze %dma_start3A_391 : memref<1x80x128xf32, #tpu.memory_space<vmem>> -> memref<80x128xf32, #tpu.memory_space<vmem>>
        %dma_start3A_393 = arith.constant 0 : i32
        %dma_start3A_394 = tpu.memref_slice %arg11[%select_n3A_340, %select_n3A_356, %dma_start3A_393] : memref<2x5x80xi32, #tpu.memory_space<vmem>> -> memref<1x1x80xi32, #tpu.memory_space<vmem>>
        %dma_start3A_395 = tpu.memref_squeeze %dma_start3A_394 : memref<1x1x80xi32, #tpu.memory_space<vmem>> -> memref<80xi32, #tpu.memory_space<vmem>>
        %dma_start3A_396 = arith.constant 0 : i32
        %dma_start3A_397 = arith.constant 0 : i32
        %dma_start3A_398 = tpu.memref_slice %arg2[%dma_start3A_396, %dma_start3A_397] : memref<10000x128xf32, #tpu.memory_space<hbm>> -> memref<10000x128xf32, #tpu.memory_space<hbm>>
        %dma_start3A_399 = tpu.memref_slice %arg15[%select_n3A_388] : memref<3x!tpu.dma_semaphore, #tpu.memory_space<semaphore_mem>> -> memref<1x!tpu.dma_semaphore, #tpu.memory_space<semaphore_mem>>
        %dma_start3A_400 = tpu.memref_squeeze %dma_start3A_399 : memref<1x!tpu.dma_semaphore, #tpu.memory_space<semaphore_mem>> -> memref<!tpu.dma_semaphore, #tpu.memory_space<semaphore_mem>>
        tpu.enqueue_indirect_dma source(%dma_start3A_398 : memref<10000x128xf32, #tpu.memory_space<hbm>>) target(%dma_start3A_392 : memref<80x128xf32, #tpu.memory_space<vmem>>) offsets(%dma_start3A_395 : memref<80xi32, #tpu.memory_space<vmem>>) semaphore(%dma_start3A_400 : memref<!tpu.dma_semaphore, #tpu.memory_space<semaphore_mem>>)
      } else {
      }
      %jit3A_110 = arith.constant 5 : i32
      %div3A = arith.divsi %while3A_80, %jit3A_110 : i32
      %sign3A = arith.constant 0 : i32
      %sign3A_111 = arith.cmpi sgt, %while3A_80, %sign3A : i32
      %sign3A_112 = arith.extui %sign3A_111 : i1 to i32
      %sign3A_113 = arith.constant 0 : i32
      %sign3A_114 = arith.cmpi slt, %while3A_80, %sign3A_113 : i32
      %sign3A_115 = arith.extui %sign3A_114 : i1 to i32
      %sign3A_116 = arith.subi %sign3A_112, %sign3A_115 : i32
      %sign3A_117 = arith.constant 0 : i32
      %sign3A_118 = arith.cmpi sgt, %jit3A_110, %sign3A_117 : i32
      %sign3A_119 = arith.extui %sign3A_118 : i1 to i32
      %sign3A_120 = arith.constant 0 : i32
      %sign3A_121 = arith.cmpi slt, %jit3A_110, %sign3A_120 : i32
      %sign3A_122 = arith.extui %sign3A_121 : i1 to i32
      %sign3A_123 = arith.subi %sign3A_119, %sign3A_122 : i32
      %ne3A_124 = arith.cmpi ne, %sign3A_116, %sign3A_123 : i32
      %rem3A_125 = arith.remsi %while3A_80, %jit3A_110 : i32
      %ne3A_126 = arith.constant 0 : i32
      %ne3A_127 = arith.cmpi ne, %rem3A_125, %ne3A_126 : i32
      %and3A_128 = arith.andi %ne3A_124, %ne3A_127 : i1
      %sub3A_129 = arith.constant 1 : i32
      %sub3A_130 = arith.subi %div3A, %sub3A_129 : i32
      %select_n3A_131 = arith.select %and3A_128, %sub3A_130, %div3A : i32
      %jit3A_132 = arith.constant 2 : i32
      %eq3A_133 = arith.constant 0 : i32
      %eq3A_134 = arith.cmpi eq, %jit3A_132, %eq3A_133 : i32
      %jit3A_135 = arith.constant 1 : i32
      %select_n3A_136 = arith.select %eq3A_134, %jit3A_135, %jit3A_132 : i32
      %rem3A_137 = arith.remsi %select_n3A_131, %select_n3A_136 : i32
      %ne3A_138 = arith.constant 0 : i32
      %ne3A_139 = arith.cmpi ne, %rem3A_137, %ne3A_138 : i32
      %lt3A_140 = arith.constant 0 : i32
      %lt3A_141 = arith.cmpi slt, %rem3A_137, %lt3A_140 : i32
      %lt3A_142 = arith.constant 0 : i32
      %lt3A_143 = arith.cmpi slt, %select_n3A_136, %lt3A_142 : i32
      %ne3A_144 = arith.xori %lt3A_141, %lt3A_143 : i1
      %and3A_145 = arith.andi %ne3A_144, %ne3A_139 : i1
      %add3A_146 = arith.addi %rem3A_137, %select_n3A_136 : i32
      %select_n3A_147 = arith.select %and3A_145, %add3A_146, %rem3A_137 : i32
      %jit3A_148 = arith.constant 3 : i32
      %eq3A_149 = arith.constant 0 : i32
      %eq3A_150 = arith.cmpi eq, %jit3A_148, %eq3A_149 : i32
      %jit3A_151 = arith.constant 1 : i32
      %select_n3A_152 = arith.select %eq3A_150, %jit3A_151, %jit3A_148 : i32
      %rem3A_153 = arith.remsi %while3A_80, %select_n3A_152 : i32
      %ne3A_154 = arith.constant 0 : i32
      %ne3A_155 = arith.cmpi ne, %rem3A_153, %ne3A_154 : i32
      %lt3A_156 = arith.constant 0 : i32
      %lt3A_157 = arith.cmpi slt, %rem3A_153, %lt3A_156 : i32
      %lt3A_158 = arith.constant 0 : i32
      %lt3A_159 = arith.cmpi slt, %select_n3A_152, %lt3A_158 : i32
      %ne3A_160 = arith.xori %lt3A_157, %lt3A_159 : i1
      %and3A_161 = arith.andi %ne3A_160, %ne3A_155 : i1
      %add3A_162 = arith.addi %rem3A_153, %select_n3A_152 : i32
      %select_n3A_163 = arith.select %and3A_161, %add3A_162, %rem3A_153 : i32
      %jit3A_164 = arith.constant 3 : i32
      %eq3A_165 = arith.constant 0 : i32
      %eq3A_166 = arith.cmpi eq, %jit3A_164, %eq3A_165 : i32
      %jit3A_167 = arith.constant 1 : i32
      %select_n3A_168 = arith.select %eq3A_166, %jit3A_167, %jit3A_164 : i32
      %rem3A_169 = arith.remsi %while3A_80, %select_n3A_168 : i32
      %ne3A_170 = arith.constant 0 : i32
      %ne3A_171 = arith.cmpi ne, %rem3A_169, %ne3A_170 : i32
      %lt3A_172 = arith.constant 0 : i32
      %lt3A_173 = arith.cmpi slt, %rem3A_169, %lt3A_172 : i32
      %lt3A_174 = arith.constant 0 : i32
      %lt3A_175 = arith.cmpi slt, %select_n3A_168, %lt3A_174 : i32
      %ne3A_176 = arith.xori %lt3A_173, %lt3A_175 : i1
      %and3A_177 = arith.andi %ne3A_176, %ne3A_171 : i1
      %add3A_178 = arith.addi %rem3A_169, %select_n3A_168 : i32
      %select_n3A_179 = arith.select %and3A_177, %add3A_178, %rem3A_169 : i32
      %dma_wait3A = arith.constant 0 : i32
      %dma_wait3A_180 = arith.constant 0 : i32
      %dma_wait3A_181 = tpu.memref_slice %arg13[%select_n3A_163, %dma_wait3A, %dma_wait3A_180] : memref<3x80x128xf32, #tpu.memory_space<vmem>> -> memref<1x80x128xf32, #tpu.memory_space<vmem>>
      %dma_wait3A_182 = tpu.memref_squeeze %dma_wait3A_181 : memref<1x80x128xf32, #tpu.memory_space<vmem>> -> memref<80x128xf32, #tpu.memory_space<vmem>>
      %dma_wait3A_183 = arith.constant 0 : i32
      %dma_wait3A_184 = arith.constant 0 : i32
      %dma_wait3A_185 = tpu.memref_slice %arg2[%dma_wait3A_183, %dma_wait3A_184] : memref<10000x128xf32, #tpu.memory_space<hbm>> -> memref<80x128xf32, #tpu.memory_space<hbm>>
      %dma_wait3A_186 = tpu.memref_slice %arg15[%select_n3A_179] : memref<3x!tpu.dma_semaphore, #tpu.memory_space<semaphore_mem>> -> memref<1x!tpu.dma_semaphore, #tpu.memory_space<semaphore_mem>>
      %dma_wait3A_187 = tpu.memref_squeeze %dma_wait3A_186 : memref<1x!tpu.dma_semaphore, #tpu.memory_space<semaphore_mem>> -> memref<!tpu.dma_semaphore, #tpu.memory_space<semaphore_mem>>
      %dma_wait3A_188 = arith.constant 0 : i32
      %dma_wait3A_189 = arith.constant 0 : i32
      %dma_wait3A_190 = tpu.memref_slice %arg13[%select_n3A_163, %dma_wait3A_188, %dma_wait3A_189] : memref<3x80x128xf32, #tpu.memory_space<vmem>> -> memref<1x80x128xf32, #tpu.memory_space<vmem>>
      %dma_wait3A_191 = tpu.memref_squeeze %dma_wait3A_190 : memref<1x80x128xf32, #tpu.memory_space<vmem>> -> memref<80x128xf32, #tpu.memory_space<vmem>>
      %dma_wait3A_192 = arith.constant 0 : i32
      %dma_wait3A_193 = arith.constant 0 : i32
      %dma_wait3A_194 = tpu.memref_slice %arg2[%dma_wait3A_192, %dma_wait3A_193] : memref<10000x128xf32, #tpu.memory_space<hbm>> -> memref<80x128xf32, #tpu.memory_space<hbm>>
      tpu.wait_dma2 semaphore(%dma_wait3A_187 : memref<!tpu.dma_semaphore, #tpu.memory_space<semaphore_mem>>) src(%dma_wait3A_194 : memref<80x128xf32, #tpu.memory_space<hbm>>) dst(%dma_wait3A_191 : memref<80x128xf32, #tpu.memory_space<vmem>>)
      %jit3A_195 = arith.constant 3 : i32
      %eq3A_196 = arith.constant 0 : i32
      %eq3A_197 = arith.cmpi eq, %jit3A_195, %eq3A_196 : i32
      %jit3A_198 = arith.constant 1 : i32
      %select_n3A_199 = arith.select %eq3A_197, %jit3A_198, %jit3A_195 : i32
      %rem3A_200 = arith.remsi %while3A_80, %select_n3A_199 : i32
      %ne3A_201 = arith.constant 0 : i32
      %ne3A_202 = arith.cmpi ne, %rem3A_200, %ne3A_201 : i32
      %lt3A_203 = arith.constant 0 : i32
      %lt3A_204 = arith.cmpi slt, %rem3A_200, %lt3A_203 : i32
      %lt3A_205 = arith.constant 0 : i32
      %lt3A_206 = arith.cmpi slt, %select_n3A_199, %lt3A_205 : i32
      %ne3A_207 = arith.xori %lt3A_204, %lt3A_206 : i1
      %and3A_208 = arith.andi %ne3A_207, %ne3A_202 : i1
      %add3A_209 = arith.addi %rem3A_200, %select_n3A_199 : i32
      %select_n3A_210 = arith.select %and3A_208, %add3A_209, %rem3A_200 : i32
      %jit3A_211 = arith.constant 5 : i32
      %eq3A_212 = arith.constant 0 : i32
      %eq3A_213 = arith.cmpi eq, %jit3A_211, %eq3A_212 : i32
      %jit3A_214 = arith.constant 1 : i32
      %select_n3A_215 = arith.select %eq3A_213, %jit3A_214, %jit3A_211 : i32
      %rem3A_216 = arith.remsi %while3A_80, %select_n3A_215 : i32
      %ne3A_217 = arith.constant 0 : i32
      %ne3A_218 = arith.cmpi ne, %rem3A_216, %ne3A_217 : i32
      %lt3A_219 = arith.constant 0 : i32
      %lt3A_220 = arith.cmpi slt, %rem3A_216, %lt3A_219 : i32
      %lt3A_221 = arith.constant 0 : i32
      %lt3A_222 = arith.cmpi slt, %select_n3A_215, %lt3A_221 : i32
      %ne3A_223 = arith.xori %lt3A_220, %lt3A_222 : i1
      %and3A_224 = arith.andi %ne3A_223, %ne3A_218 : i1
      %add3A_225 = arith.addi %rem3A_216, %select_n3A_215 : i32
      %select_n3A_226 = arith.select %and3A_224, %add3A_225, %rem3A_216 : i32
      %jit3A_227 = arith.constant 3 : i32
      %eq3A_228 = arith.constant 0 : i32
      %eq3A_229 = arith.cmpi eq, %jit3A_227, %eq3A_228 : i32
      %jit3A_230 = arith.constant 1 : i32
      %select_n3A_231 = arith.select %eq3A_229, %jit3A_230, %jit3A_227 : i32
      %rem3A_232 = arith.remsi %while3A_80, %select_n3A_231 : i32
      %ne3A_233 = arith.constant 0 : i32
      %ne3A_234 = arith.cmpi ne, %rem3A_232, %ne3A_233 : i32
      %lt3A_235 = arith.constant 0 : i32
      %lt3A_236 = arith.cmpi slt, %rem3A_232, %lt3A_235 : i32
      %lt3A_237 = arith.constant 0 : i32
      %lt3A_238 = arith.cmpi slt, %select_n3A_231, %lt3A_237 : i32
      %ne3A_239 = arith.xori %lt3A_236, %lt3A_238 : i1
      %and3A_240 = arith.andi %ne3A_239, %ne3A_234 : i1
      %add3A_241 = arith.addi %rem3A_232, %select_n3A_231 : i32
      %select_n3A_242 = arith.select %and3A_240, %add3A_241, %rem3A_232 : i32
      %dma_start3A_243 = arith.constant 0 : i32
      %dma_start3A_244 = arith.constant 0 : i32
      %dma_start3A_245 = tpu.memref_slice %arg13[%select_n3A_210, %dma_start3A_243, %dma_start3A_244] : memref<3x80x128xf32, #tpu.memory_space<vmem>> -> memref<1x80x128xf32, #tpu.memory_space<vmem>>
      %dma_start3A_246 = tpu.memref_squeeze %dma_start3A_245 : memref<1x80x128xf32, #tpu.memory_space<vmem>> -> memref<80x128xf32, #tpu.memory_space<vmem>>
      %dma_start3A_247 = arith.constant 0 : i32
      %dma_start3A_248 = tpu.memref_slice %arg12[%select_n3A_147, %select_n3A_226, %dma_start3A_247] : memref<2x5x80xi32, #tpu.memory_space<vmem>> -> memref<1x1x80xi32, #tpu.memory_space<vmem>>
      %dma_start3A_249 = tpu.memref_squeeze %dma_start3A_248 : memref<1x1x80xi32, #tpu.memory_space<vmem>> -> memref<80xi32, #tpu.memory_space<vmem>>
      %dma_start3A_250 = arith.constant 0 : i32
      %dma_start3A_251 = arith.constant 0 : i32
      %dma_start3A_252 = tpu.memref_slice %arg9[%dma_start3A_250, %dma_start3A_251] : memref<10000x128xf32, #tpu.memory_space<vmem_shared>> -> memref<10000x128xf32, #tpu.memory_space<vmem_shared>>
      %dma_start3A_253 = tpu.memref_slice %arg16[%select_n3A_242] : memref<3x!tpu.dma_semaphore, #tpu.memory_space<semaphore_mem>> -> memref<1x!tpu.dma_semaphore, #tpu.memory_space<semaphore_mem>>
      %dma_start3A_254 = tpu.memref_squeeze %dma_start3A_253 : memref<1x!tpu.dma_semaphore, #tpu.memory_space<semaphore_mem>> -> memref<!tpu.dma_semaphore, #tpu.memory_space<semaphore_mem>>
      tpu.enqueue_indirect_dma source(%dma_start3A_246 : memref<80x128xf32, #tpu.memory_space<vmem>>) target(%dma_start3A_252 : memref<10000x128xf32, #tpu.memory_space<vmem_shared>>) offsets(%dma_start3A_249 : memref<80xi32, #tpu.memory_space<vmem>>) semaphore(%dma_start3A_254 : memref<!tpu.dma_semaphore, #tpu.memory_space<semaphore_mem>>) {add = true}
      %jit3A_255 = arith.constant 5 : i32
      %eq3A_256 = arith.constant 0 : i32
      %eq3A_257 = arith.cmpi eq, %jit3A_255, %eq3A_256 : i32
      %jit3A_258 = arith.constant 1 : i32
      %select_n3A_259 = arith.select %eq3A_257, %jit3A_258, %jit3A_255 : i32
      %rem3A_260 = arith.remsi %while3A_80, %select_n3A_259 : i32
      %ne3A_261 = arith.constant 0 : i32
      %ne3A_262 = arith.cmpi ne, %rem3A_260, %ne3A_261 : i32
      %lt3A_263 = arith.constant 0 : i32
      %lt3A_264 = arith.cmpi slt, %rem3A_260, %lt3A_263 : i32
      %lt3A_265 = arith.constant 0 : i32
      %lt3A_266 = arith.cmpi slt, %select_n3A_259, %lt3A_265 : i32
      %ne3A_267 = arith.xori %lt3A_264, %lt3A_266 : i1
      %and3A_268 = arith.andi %ne3A_267, %ne3A_262 : i1
      %add3A_269 = arith.addi %rem3A_260, %select_n3A_259 : i32
      %select_n3A_270 = arith.select %and3A_268, %add3A_269, %rem3A_260 : i32
      %jit3A_271 = arith.constant 3 : i32
      %eq3A_272 = arith.constant 0 : i32
      %eq3A_273 = arith.cmpi eq, %jit3A_271, %eq3A_272 : i32
      %jit3A_274 = arith.constant 1 : i32
      %select_n3A_275 = arith.select %eq3A_273, %jit3A_274, %jit3A_271 : i32
      %rem3A_276 = arith.remsi %while3A_80, %select_n3A_275 : i32
      %ne3A_277 = arith.constant 0 : i32
      %ne3A_278 = arith.cmpi ne, %rem3A_276, %ne3A_277 : i32
      %lt3A_279 = arith.constant 0 : i32
      %lt3A_280 = arith.cmpi slt, %rem3A_276, %lt3A_279 : i32
      %lt3A_281 = arith.constant 0 : i32
      %lt3A_282 = arith.cmpi slt, %select_n3A_275, %lt3A_281 : i32
      %ne3A_283 = arith.xori %lt3A_280, %lt3A_282 : i1
      %and3A_284 = arith.andi %ne3A_283, %ne3A_278 : i1
      %add3A_285 = arith.addi %rem3A_276, %select_n3A_275 : i32
      %select_n3A_286 = arith.select %and3A_284, %add3A_285, %rem3A_276 : i32
      %dma_start3A_287 = arith.constant 0 : i32
      %dma_start3A_288 = tpu.memref_slice %arg12[%select_n3A_147, %select_n3A_270, %dma_start3A_287] : memref<2x5x80xi32, #tpu.memory_space<vmem>> -> memref<1x1x80xi32, #tpu.memory_space<vmem>>
      %dma_start3A_289 = tpu.memref_squeeze %dma_start3A_288 : memref<1x1x80xi32, #tpu.memory_space<vmem>> -> memref<80xi32, #tpu.memory_space<vmem>>
      %dma_start3A_290 = arith.constant 0 : i32
      %dma_start3A_291 = arith.constant 0 : i32
      %dma_start3A_292 = tpu.memref_slice %arg10[%dma_start3A_290, %dma_start3A_291] : memref<10000x16xf32, #tpu.memory_space<vmem_shared>> -> memref<10000x16xf32, #tpu.memory_space<vmem_shared>>
      %dma_start3A_293 = tpu.memref_slice %arg16[%select_n3A_286] : memref<3x!tpu.dma_semaphore, #tpu.memory_space<semaphore_mem>> -> memref<1x!tpu.dma_semaphore, #tpu.memory_space<semaphore_mem>>
      %dma_start3A_294 = tpu.memref_squeeze %dma_start3A_293 : memref<1x!tpu.dma_semaphore, #tpu.memory_space<semaphore_mem>> -> memref<!tpu.dma_semaphore, #tpu.memory_space<semaphore_mem>>
      tpu.enqueue_indirect_dma source(%arg14 : memref<80x16xf32, #tpu.memory_space<vmem>>) target(%dma_start3A_292 : memref<10000x16xf32, #tpu.memory_space<vmem_shared>>) offsets(%dma_start3A_289 : memref<80xi32, #tpu.memory_space<vmem>>) semaphore(%dma_start3A_294 : memref<!tpu.dma_semaphore, #tpu.memory_space<semaphore_mem>>) {add = true}
      %while3A_295 = arith.constant 0 : i32
      scf.yield %while3A_295 : i32
    }
    %while3A_53 = arith.constant 1 : i32
    %while3A_54 = scf.for %while3A_80 = %while3A_50 to %while3A_46 step %while3A_53 iter_args(%while3A_81 = %while3A_52) -> (i32)  : i32 {
      %add3A_82 = arith.constant 3 : i32
      %add3A_83 = arith.addi %while3A_80, %add3A_82 : i32
      %sub3A_84 = arith.constant 1 : i32
      %sub3A_85 = arith.subi %add3A_83, %sub3A_84 : i32
      %jit3A_86 = arith.constant 5 : i32
      %eq3A_87 = arith.constant 0 : i32
      %eq3A_88 = arith.cmpi eq, %jit3A_86, %eq3A_87 : i32
      %jit3A_89 = arith.constant 1 : i32
      %select_n3A_90 = arith.select %eq3A_88, %jit3A_89, %jit3A_86 : i32
      %rem3A = arith.remsi %sub3A_85, %select_n3A_90 : i32
      %ne3A = arith.constant 0 : i32
      %ne3A_91 = arith.cmpi ne, %rem3A, %ne3A : i32
      %lt3A_92 = arith.constant 0 : i32
      %lt3A_93 = arith.cmpi slt, %rem3A, %lt3A_92 : i32
      %lt3A_94 = arith.constant 0 : i32
      %lt3A_95 = arith.cmpi slt, %select_n3A_90, %lt3A_94 : i32
      %ne3A_96 = arith.xori %lt3A_93, %lt3A_95 : i1
      %and3A = arith.andi %ne3A_96, %ne3A_91 : i1
      %add3A_97 = arith.addi %rem3A, %select_n3A_90 : i32
      %select_n3A_98 = arith.select %and3A, %add3A_97, %rem3A : i32
      %eq3A_99 = arith.constant 0 : i32
      %eq3A_100 = arith.cmpi eq, %select_n3A_98, %eq3A_99 : i32
      %lt3A_101 = arith.cmpi slt, %sub3A_85, %add3A_15 : i32
      %and3A_102 = arith.andi %eq3A_100, %lt3A_101 : i1
      %convert_element_type3A_103 = arith.extui %and3A_102 : i1 to i32
      %cond3A_104 = arith.constant 0 : i32
      %cond3A_105 = arith.cmpi ne, %convert_element_type3A_103, %cond3A_104 : i32
      scf.if %cond3A_105 {
        %jit3A_296 = arith.constant 5 : i32
        %div3A_297 = arith.divsi %sub3A_85, %jit3A_296 : i32
        %sign3A_298 = arith.constant 0 : i32
        %sign3A_299 = arith.cmpi sgt, %sub3A_85, %sign3A_298 : i32
        %sign3A_300 = arith.extui %sign3A_299 : i1 to i32
        %sign3A_301 = arith.constant 0 : i32
        %sign3A_302 = arith.cmpi slt, %sub3A_85, %sign3A_301 : i32
        %sign3A_303 = arith.extui %sign3A_302 : i1 to i32
        %sign3A_304 = arith.subi %sign3A_300, %sign3A_303 : i32
        %sign3A_305 = arith.constant 0 : i32
        %sign3A_306 = arith.cmpi sgt, %jit3A_296, %sign3A_305 : i32
        %sign3A_307 = arith.extui %sign3A_306 : i1 to i32
        %sign3A_308 = arith.constant 0 : i32
        %sign3A_309 = arith.cmpi slt, %jit3A_296, %sign3A_308 : i32
        %sign3A_310 = arith.extui %sign3A_309 : i1 to i32
        %sign3A_311 = arith.subi %sign3A_307, %sign3A_310 : i32
        %ne3A_312 = arith.cmpi ne, %sign3A_304, %sign3A_311 : i32
        %rem3A_313 = arith.remsi %sub3A_85, %jit3A_296 : i32
        %ne3A_314 = arith.constant 0 : i32
        %ne3A_315 = arith.cmpi ne, %rem3A_313, %ne3A_314 : i32
        %and3A_316 = arith.andi %ne3A_312, %ne3A_315 : i1
        %sub3A_317 = arith.constant 1 : i32
        %sub3A_318 = arith.subi %div3A_297, %sub3A_317 : i32
        %select_n3A_319 = arith.select %and3A_316, %sub3A_318, %div3A_297 : i32
        %jit3A_320 = arith.constant 2 : i32
        %eq3A_321 = arith.constant 0 : i32
        %eq3A_322 = arith.cmpi eq, %jit3A_320, %eq3A_321 : i32
        %jit3A_323 = arith.constant 1 : i32
        %select_n3A_324 = arith.select %eq3A_322, %jit3A_323, %jit3A_320 : i32
        %rem3A_325 = arith.remsi %select_n3A_319, %select_n3A_324 : i32
        %ne3A_326 = arith.constant 0 : i32
        %ne3A_327 = arith.cmpi ne, %rem3A_325, %ne3A_326 : i32
        %lt3A_328 = arith.constant 0 : i32
        %lt3A_329 = arith.cmpi slt, %rem3A_325, %lt3A_328 : i32
        %lt3A_330 = arith.constant 0 : i32
        %lt3A_331 = arith.cmpi slt, %select_n3A_324, %lt3A_330 : i32
        %ne3A_332 = arith.xori %lt3A_329, %lt3A_331 : i1
        %and3A_333 = arith.andi %ne3A_332, %ne3A_327 : i1
        %add3A_334 = arith.addi %rem3A_325, %select_n3A_324 : i32
        %select_n3A_335 = arith.select %and3A_333, %add3A_334, %rem3A_325 : i32
        %mul3A_336 = arith.constant 5 : i32
        %mul3A_337 = arith.muli %select_n3A_319, %mul3A_336 : i32
        %add3A_338 = arith.addi %add3A_19, %mul3A_337 : i32
        "tpu.region"() ({
          %run_scoped3A_342 = tpu.sem_alloc : memref<!tpu.dma_semaphore, #tpu.memory_space<semaphore_mem>>
          %dma_start3A_343 = arith.constant 0 : i32
          %dma_start3A_344 = arith.constant 0 : i32
          %dma_start3A_345 = tpu.memref_slice %arg11[%select_n3A_335, %dma_start3A_343, %dma_start3A_344] : memref<2x5x80xi32, #tpu.memory_space<vmem>> -> memref<1x5x80xi32, #tpu.memory_space<vmem>>
          %dma_start3A_346 = tpu.memref_squeeze %dma_start3A_345 : memref<1x5x80xi32, #tpu.memory_space<vmem>> -> memref<5x80xi32, #tpu.memory_space<vmem>>
          %dma_start3A_347 = arith.constant 0 : i32
          %dma_start3A_348 = tpu.memref_slice %arg3[%add3A_338, %dma_start3A_347] : memref<4000x80xi32, #tpu.memory_space<hbm>> -> memref<5x80xi32, #tpu.memory_space<hbm>>
          %dma_start3A_349 = arith.constant 0 : i32
          %dma_start3A_350 = arith.constant 0 : i32
          %dma_start3A_351 = tpu.memref_slice %arg11[%select_n3A_335, %dma_start3A_349, %dma_start3A_350] : memref<2x5x80xi32, #tpu.memory_space<vmem>> -> memref<1x5x80xi32, #tpu.memory_space<vmem>>
          %dma_start3A_352 = tpu.memref_squeeze %dma_start3A_351 : memref<1x5x80xi32, #tpu.memory_space<vmem>> -> memref<5x80xi32, #tpu.memory_space<vmem>>
          %dma_start3A_353 = arith.constant 0 : i32
          %dma_start3A_354 = tpu.memref_slice %arg3[%add3A_338, %dma_start3A_353] : memref<4000x80xi32, #tpu.memory_space<hbm>> -> memref<5x80xi32, #tpu.memory_space<hbm>>
          tpu.enqueue_dma source(%dma_start3A_354 : memref<5x80xi32, #tpu.memory_space<hbm>>) target(%dma_start3A_352 : memref<5x80xi32, #tpu.memory_space<vmem>>) target_semaphore(%run_scoped3A_342 : memref<!tpu.dma_semaphore, #tpu.memory_space<semaphore_mem>>)
          %dma_wait3A_355 = arith.constant 0 : i32
          %dma_wait3A_356 = arith.constant 0 : i32
          %dma_wait3A_357 = tpu.memref_slice %arg11[%select_n3A_335, %dma_wait3A_355, %dma_wait3A_356] : memref<2x5x80xi32, #tpu.memory_space<vmem>> -> memref<1x5x80xi32, #tpu.memory_space<vmem>>
          %dma_wait3A_358 = tpu.memref_squeeze %dma_wait3A_357 : memref<1x5x80xi32, #tpu.memory_space<vmem>> -> memref<5x80xi32, #tpu.memory_space<vmem>>
          %dma_wait3A_359 = arith.constant 0 : i32
          %dma_wait3A_360 = tpu.memref_slice %arg3[%add3A_338, %dma_wait3A_359] : memref<4000x80xi32, #tpu.memory_space<hbm>> -> memref<5x80xi32, #tpu.memory_space<hbm>>
          %dma_wait3A_361 = arith.constant 0 : i32
          %dma_wait3A_362 = arith.constant 0 : i32
          %dma_wait3A_363 = tpu.memref_slice %arg11[%select_n3A_335, %dma_wait3A_361, %dma_wait3A_362] : memref<2x5x80xi32, #tpu.memory_space<vmem>> -> memref<1x5x80xi32, #tpu.memory_space<vmem>>
          %dma_wait3A_364 = tpu.memref_squeeze %dma_wait3A_363 : memref<1x5x80xi32, #tpu.memory_space<vmem>> -> memref<5x80xi32, #tpu.memory_space<vmem>>
          %dma_wait3A_365 = arith.constant 0 : i32
          %dma_wait3A_366 = tpu.memref_slice %arg3[%add3A_338, %dma_wait3A_365] : memref<4000x80xi32, #tpu.memory_space<hbm>> -> memref<5x80xi32, #tpu.memory_space<hbm>>
          tpu.wait_dma2 semaphore(%run_scoped3A_342 : memref<!tpu.dma_semaphore, #tpu.memory_space<semaphore_mem>>) src(%dma_wait3A_366 : memref<5x80xi32, #tpu.memory_space<hbm>>) dst(%dma_wait3A_364 : memref<5x80xi32, #tpu.memory_space<vmem>>)
          tpu.yield
        }) : () -> ()
        %mul3A_339 = arith.constant 5 : i32
        %mul3A_340 = arith.muli %select_n3A_319, %mul3A_339 : i32
        %add3A_341 = arith.addi %add3A_19, %mul3A_340 : i32
        "tpu.region"() ({
          %run_scoped3A_342 = tpu.sem_alloc : memref<!tpu.dma_semaphore, #tpu.memory_space<semaphore_mem>>
          %dma_start3A_343 = arith.constant 0 : i32
          %dma_start3A_344 = arith.constant 0 : i32
          %dma_start3A_345 = tpu.memref_slice %arg12[%select_n3A_335, %dma_start3A_343, %dma_start3A_344] : memref<2x5x80xi32, #tpu.memory_space<vmem>> -> memref<1x5x80xi32, #tpu.memory_space<vmem>>
          %dma_start3A_346 = tpu.memref_squeeze %dma_start3A_345 : memref<1x5x80xi32, #tpu.memory_space<vmem>> -> memref<5x80xi32, #tpu.memory_space<vmem>>
          %dma_start3A_347 = arith.constant 0 : i32
          %dma_start3A_348 = tpu.memref_slice %arg4[%add3A_341, %dma_start3A_347] : memref<4000x80xi32, #tpu.memory_space<hbm>> -> memref<5x80xi32, #tpu.memory_space<hbm>>
          %dma_start3A_349 = arith.constant 0 : i32
          %dma_start3A_350 = arith.constant 0 : i32
          %dma_start3A_351 = tpu.memref_slice %arg12[%select_n3A_335, %dma_start3A_349, %dma_start3A_350] : memref<2x5x80xi32, #tpu.memory_space<vmem>> -> memref<1x5x80xi32, #tpu.memory_space<vmem>>
          %dma_start3A_352 = tpu.memref_squeeze %dma_start3A_351 : memref<1x5x80xi32, #tpu.memory_space<vmem>> -> memref<5x80xi32, #tpu.memory_space<vmem>>
          %dma_start3A_353 = arith.constant 0 : i32
          %dma_start3A_354 = tpu.memref_slice %arg4[%add3A_341, %dma_start3A_353] : memref<4000x80xi32, #tpu.memory_space<hbm>> -> memref<5x80xi32, #tpu.memory_space<hbm>>
          tpu.enqueue_dma source(%dma_start3A_354 : memref<5x80xi32, #tpu.memory_space<hbm>>) target(%dma_start3A_352 : memref<5x80xi32, #tpu.memory_space<vmem>>) target_semaphore(%run_scoped3A_342 : memref<!tpu.dma_semaphore, #tpu.memory_space<semaphore_mem>>)
          %dma_wait3A_355 = arith.constant 0 : i32
          %dma_wait3A_356 = arith.constant 0 : i32
          %dma_wait3A_357 = tpu.memref_slice %arg12[%select_n3A_335, %dma_wait3A_355, %dma_wait3A_356] : memref<2x5x80xi32, #tpu.memory_space<vmem>> -> memref<1x5x80xi32, #tpu.memory_space<vmem>>
          %dma_wait3A_358 = tpu.memref_squeeze %dma_wait3A_357 : memref<1x5x80xi32, #tpu.memory_space<vmem>> -> memref<5x80xi32, #tpu.memory_space<vmem>>
          %dma_wait3A_359 = arith.constant 0 : i32
          %dma_wait3A_360 = tpu.memref_slice %arg4[%add3A_341, %dma_wait3A_359] : memref<4000x80xi32, #tpu.memory_space<hbm>> -> memref<5x80xi32, #tpu.memory_space<hbm>>
          %dma_wait3A_361 = arith.constant 0 : i32
          %dma_wait3A_362 = arith.constant 0 : i32
          %dma_wait3A_363 = tpu.memref_slice %arg12[%select_n3A_335, %dma_wait3A_361, %dma_wait3A_362] : memref<2x5x80xi32, #tpu.memory_space<vmem>> -> memref<1x5x80xi32, #tpu.memory_space<vmem>>
          %dma_wait3A_364 = tpu.memref_squeeze %dma_wait3A_363 : memref<1x5x80xi32, #tpu.memory_space<vmem>> -> memref<5x80xi32, #tpu.memory_space<vmem>>
          %dma_wait3A_365 = arith.constant 0 : i32
          %dma_wait3A_366 = tpu.memref_slice %arg4[%add3A_341, %dma_wait3A_365] : memref<4000x80xi32, #tpu.memory_space<hbm>> -> memref<5x80xi32, #tpu.memory_space<hbm>>
          tpu.wait_dma2 semaphore(%run_scoped3A_342 : memref<!tpu.dma_semaphore, #tpu.memory_space<semaphore_mem>>) src(%dma_wait3A_366 : memref<5x80xi32, #tpu.memory_space<hbm>>) dst(%dma_wait3A_364 : memref<5x80xi32, #tpu.memory_space<vmem>>)
          tpu.yield
        }) : () -> ()
      } else {
      }
      %lt3A_106 = arith.cmpi slt, %sub3A_85, %add3A_15 : i32
      %convert_element_type3A_107 = arith.extui %lt3A_106 : i1 to i32
      %cond3A_108 = arith.constant 0 : i32
      %cond3A_109 = arith.cmpi ne, %convert_element_type3A_107, %cond3A_108 : i32
      scf.if %cond3A_109 {
        %ge3A_296 = arith.constant 3 : i32
        %ge3A_297 = arith.cmpi sge, %sub3A_85, %ge3A_296 : i32
        %convert_element_type3A_298 = arith.extui %ge3A_297 : i1 to i32
        %cond3A_299 = arith.constant 0 : i32
        %cond3A_300 = arith.cmpi ne, %convert_element_type3A_298, %cond3A_299 : i32
        scf.if %cond3A_300 {
          %sub3A_401 = arith.constant 3 : i32
          %sub3A_402 = arith.subi %sub3A_85, %sub3A_401 : i32
          %jit3A_403 = arith.constant 3 : i32
          %eq3A_404 = arith.constant 0 : i32
          %eq3A_405 = arith.cmpi eq, %jit3A_403, %eq3A_404 : i32
          %jit3A_406 = arith.constant 1 : i32
          %select_n3A_407 = arith.select %eq3A_405, %jit3A_406, %jit3A_403 : i32
          %rem3A_408 = arith.remsi %sub3A_402, %select_n3A_407 : i32
          %ne3A_409 = arith.constant 0 : i32
          %ne3A_410 = arith.cmpi ne, %rem3A_408, %ne3A_409 : i32
          %lt3A_411 = arith.constant 0 : i32
          %lt3A_412 = arith.cmpi slt, %rem3A_408, %lt3A_411 : i32
          %lt3A_413 = arith.constant 0 : i32
          %lt3A_414 = arith.cmpi slt, %select_n3A_407, %lt3A_413 : i32
          %ne3A_415 = arith.xori %lt3A_412, %lt3A_414 : i1
          %and3A_416 = arith.andi %ne3A_415, %ne3A_410 : i1
          %add3A_417 = arith.addi %rem3A_408, %select_n3A_407 : i32
          %select_n3A_418 = arith.select %and3A_416, %add3A_417, %rem3A_408 : i32
          %jit3A_419 = arith.constant 3 : i32
          %eq3A_420 = arith.constant 0 : i32
          %eq3A_421 = arith.cmpi eq, %jit3A_419, %eq3A_420 : i32
          %jit3A_422 = arith.constant 1 : i32
          %select_n3A_423 = arith.select %eq3A_421, %jit3A_422, %jit3A_419 : i32
          %rem3A_424 = arith.remsi %sub3A_402, %select_n3A_423 : i32
          %ne3A_425 = arith.constant 0 : i32
          %ne3A_426 = arith.cmpi ne, %rem3A_424, %ne3A_425 : i32
          %lt3A_427 = arith.constant 0 : i32
          %lt3A_428 = arith.cmpi slt, %rem3A_424, %lt3A_427 : i32
          %lt3A_429 = arith.constant 0 : i32
          %lt3A_430 = arith.cmpi slt, %select_n3A_423, %lt3A_429 : i32
          %ne3A_431 = arith.xori %lt3A_428, %lt3A_430 : i1
          %and3A_432 = arith.andi %ne3A_431, %ne3A_426 : i1
          %add3A_433 = arith.addi %rem3A_424, %select_n3A_423 : i32
          %select_n3A_434 = arith.select %and3A_432, %add3A_433, %rem3A_424 : i32
          %dma_wait3A_435 = arith.constant 0 : i32
          %dma_wait3A_436 = arith.constant 0 : i32
          %dma_wait3A_437 = tpu.memref_slice %arg13[%select_n3A_418, %dma_wait3A_435, %dma_wait3A_436] : memref<3x80x128xf32, #tpu.memory_space<vmem>> -> memref<1x80x128xf32, #tpu.memory_space<vmem>>
          %dma_wait3A_438 = tpu.memref_squeeze %dma_wait3A_437 : memref<1x80x128xf32, #tpu.memory_space<vmem>> -> memref<80x128xf32, #tpu.memory_space<vmem>>
          %dma_wait3A_439 = arith.constant 0 : i32
          %dma_wait3A_440 = arith.constant 0 : i32
          %dma_wait3A_441 = tpu.memref_slice %arg9[%dma_wait3A_439, %dma_wait3A_440] : memref<10000x128xf32, #tpu.memory_space<vmem_shared>> -> memref<80x128xf32, #tpu.memory_space<vmem_shared>>
          %dma_wait3A_442 = tpu.memref_slice %arg16[%select_n3A_434] : memref<3x!tpu.dma_semaphore, #tpu.memory_space<semaphore_mem>> -> memref<1x!tpu.dma_semaphore, #tpu.memory_space<semaphore_mem>>
          %dma_wait3A_443 = tpu.memref_squeeze %dma_wait3A_442 : memref<1x!tpu.dma_semaphore, #tpu.memory_space<semaphore_mem>> -> memref<!tpu.dma_semaphore, #tpu.memory_space<semaphore_mem>>
          %dma_wait3A_444 = arith.constant 0 : i32
          %dma_wait3A_445 = arith.constant 0 : i32
          %dma_wait3A_446 = tpu.memref_slice %arg9[%dma_wait3A_444, %dma_wait3A_445] : memref<10000x128xf32, #tpu.memory_space<vmem_shared>> -> memref<80x128xf32, #tpu.memory_space<vmem_shared>>
          %dma_wait3A_447 = arith.constant 0 : i32
          %dma_wait3A_448 = arith.constant 0 : i32
          %dma_wait3A_449 = tpu.memref_slice %arg13[%select_n3A_418, %dma_wait3A_447, %dma_wait3A_448] : memref<3x80x128xf32, #tpu.memory_space<vmem>> -> memref<1x80x128xf32, #tpu.memory_space<vmem>>
          %dma_wait3A_450 = tpu.memref_squeeze %dma_wait3A_449 : memref<1x80x128xf32, #tpu.memory_space<vmem>> -> memref<80x128xf32, #tpu.memory_space<vmem>>
          tpu.wait_dma2 semaphore(%dma_wait3A_443 : memref<!tpu.dma_semaphore, #tpu.memory_space<semaphore_mem>>) src(%dma_wait3A_450 : memref<80x128xf32, #tpu.memory_space<vmem>>) dst(%dma_wait3A_446 : memref<80x128xf32, #tpu.memory_space<vmem_shared>>)
          %jit3A_451 = arith.constant 3 : i32
          %eq3A_452 = arith.constant 0 : i32
          %eq3A_453 = arith.cmpi eq, %jit3A_451, %eq3A_452 : i32
          %jit3A_454 = arith.constant 1 : i32
          %select_n3A_455 = arith.select %eq3A_453, %jit3A_454, %jit3A_451 : i32
          %rem3A_456 = arith.remsi %sub3A_402, %select_n3A_455 : i32
          %ne3A_457 = arith.constant 0 : i32
          %ne3A_458 = arith.cmpi ne, %rem3A_456, %ne3A_457 : i32
          %lt3A_459 = arith.constant 0 : i32
          %lt3A_460 = arith.cmpi slt, %rem3A_456, %lt3A_459 : i32
          %lt3A_461 = arith.constant 0 : i32
          %lt3A_462 = arith.cmpi slt, %select_n3A_455, %lt3A_461 : i32
          %ne3A_463 = arith.xori %lt3A_460, %lt3A_462 : i1
          %and3A_464 = arith.andi %ne3A_463, %ne3A_458 : i1
          %add3A_465 = arith.addi %rem3A_456, %select_n3A_455 : i32
          %select_n3A_466 = arith.select %and3A_464, %add3A_465, %rem3A_456 : i32
          %dma_wait3A_467 = arith.constant 0 : i32
          %dma_wait3A_468 = arith.constant 0 : i32
          %dma_wait3A_469 = tpu.memref_slice %arg10[%dma_wait3A_467, %dma_wait3A_468] : memref<10000x16xf32, #tpu.memory_space<vmem_shared>> -> memref<80x16xf32, #tpu.memory_space<vmem_shared>>
          %dma_wait3A_470 = tpu.memref_slice %arg16[%select_n3A_466] : memref<3x!tpu.dma_semaphore, #tpu.memory_space<semaphore_mem>> -> memref<1x!tpu.dma_semaphore, #tpu.memory_space<semaphore_mem>>
          %dma_wait3A_471 = tpu.memref_squeeze %dma_wait3A_470 : memref<1x!tpu.dma_semaphore, #tpu.memory_space<semaphore_mem>> -> memref<!tpu.dma_semaphore, #tpu.memory_space<semaphore_mem>>
          %dma_wait3A_472 = arith.constant 0 : i32
          %dma_wait3A_473 = arith.constant 0 : i32
          %dma_wait3A_474 = tpu.memref_slice %arg10[%dma_wait3A_472, %dma_wait3A_473] : memref<10000x16xf32, #tpu.memory_space<vmem_shared>> -> memref<80x16xf32, #tpu.memory_space<vmem_shared>>
          tpu.wait_dma2 semaphore(%dma_wait3A_471 : memref<!tpu.dma_semaphore, #tpu.memory_space<semaphore_mem>>) src(%arg14 : memref<80x16xf32, #tpu.memory_space<vmem>>) dst(%dma_wait3A_474 : memref<80x16xf32, #tpu.memory_space<vmem_shared>>)
        } else {
        }
        %jit3A_301 = arith.constant 5 : i32
        %div3A_302 = arith.divsi %sub3A_85, %jit3A_301 : i32
        %sign3A_303 = arith.constant 0 : i32
        %sign3A_304 = arith.cmpi sgt, %sub3A_85, %sign3A_303 : i32
        %sign3A_305 = arith.extui %sign3A_304 : i1 to i32
        %sign3A_306 = arith.constant 0 : i32
        %sign3A_307 = arith.cmpi slt, %sub3A_85, %sign3A_306 : i32
        %sign3A_308 = arith.extui %sign3A_307 : i1 to i32
        %sign3A_309 = arith.subi %sign3A_305, %sign3A_308 : i32
        %sign3A_310 = arith.constant 0 : i32
        %sign3A_311 = arith.cmpi sgt, %jit3A_301, %sign3A_310 : i32
        %sign3A_312 = arith.extui %sign3A_311 : i1 to i32
        %sign3A_313 = arith.constant 0 : i32
        %sign3A_314 = arith.cmpi slt, %jit3A_301, %sign3A_313 : i32
        %sign3A_315 = arith.extui %sign3A_314 : i1 to i32
        %sign3A_316 = arith.subi %sign3A_312, %sign3A_315 : i32
        %ne3A_317 = arith.cmpi ne, %sign3A_309, %sign3A_316 : i32
        %rem3A_318 = arith.remsi %sub3A_85, %jit3A_301 : i32
        %ne3A_319 = arith.constant 0 : i32
        %ne3A_320 = arith.cmpi ne, %rem3A_318, %ne3A_319 : i32
        %and3A_321 = arith.andi %ne3A_317, %ne3A_320 : i1
        %sub3A_322 = arith.constant 1 : i32
        %sub3A_323 = arith.subi %div3A_302, %sub3A_322 : i32
        %select_n3A_324 = arith.select %and3A_321, %sub3A_323, %div3A_302 : i32
        %jit3A_325 = arith.constant 2 : i32
        %eq3A_326 = arith.constant 0 : i32
        %eq3A_327 = arith.cmpi eq, %jit3A_325, %eq3A_326 : i32
        %jit3A_328 = arith.constant 1 : i32
        %select_n3A_329 = arith.select %eq3A_327, %jit3A_328, %jit3A_325 : i32
        %rem3A_330 = arith.remsi %select_n3A_324, %select_n3A_329 : i32
        %ne3A_331 = arith.constant 0 : i32
        %ne3A_332 = arith.cmpi ne, %rem3A_330, %ne3A_331 : i32
        %lt3A_333 = arith.constant 0 : i32
        %lt3A_334 = arith.cmpi slt, %rem3A_330, %lt3A_333 : i32
        %lt3A_335 = arith.constant 0 : i32
        %lt3A_336 = arith.cmpi slt, %select_n3A_329, %lt3A_335 : i32
        %ne3A_337 = arith.xori %lt3A_334, %lt3A_336 : i1
        %and3A_338 = arith.andi %ne3A_337, %ne3A_332 : i1
        %add3A_339 = arith.addi %rem3A_330, %select_n3A_329 : i32
        %select_n3A_340 = arith.select %and3A_338, %add3A_339, %rem3A_330 : i32
        %jit3A_341 = arith.constant 5 : i32
        %eq3A_342 = arith.constant 0 : i32
        %eq3A_343 = arith.cmpi eq, %jit3A_341, %eq3A_342 : i32
        %jit3A_344 = arith.constant 1 : i32
        %select_n3A_345 = arith.select %eq3A_343, %jit3A_344, %jit3A_341 : i32
        %rem3A_346 = arith.remsi %sub3A_85, %select_n3A_345 : i32
        %ne3A_347 = arith.constant 0 : i32
        %ne3A_348 = arith.cmpi ne, %rem3A_346, %ne3A_347 : i32
        %lt3A_349 = arith.constant 0 : i32
        %lt3A_350 = arith.cmpi slt, %rem3A_346, %lt3A_349 : i32
        %lt3A_351 = arith.constant 0 : i32
        %lt3A_352 = arith.cmpi slt, %select_n3A_345, %lt3A_351 : i32
        %ne3A_353 = arith.xori %lt3A_350, %lt3A_352 : i1
        %and3A_354 = arith.andi %ne3A_353, %ne3A_348 : i1
        %add3A_355 = arith.addi %rem3A_346, %select_n3A_345 : i32
        %select_n3A_356 = arith.select %and3A_354, %add3A_355, %rem3A_346 : i32
        %jit3A_357 = arith.constant 3 : i32
        %eq3A_358 = arith.constant 0 : i32
        %eq3A_359 = arith.cmpi eq, %jit3A_357, %eq3A_358 : i32
        %jit3A_360 = arith.constant 1 : i32
        %select_n3A_361 = arith.select %eq3A_359, %jit3A_360, %jit3A_357 : i32
        %rem3A_362 = arith.remsi %sub3A_85, %select_n3A_361 : i32
        %ne3A_363 = arith.constant 0 : i32
        %ne3A_364 = arith.cmpi ne, %rem3A_362, %ne3A_363 : i32
        %lt3A_365 = arith.constant 0 : i32
        %lt3A_366 = arith.cmpi slt, %rem3A_362, %lt3A_365 : i32
        %lt3A_367 = arith.constant 0 : i32
        %lt3A_368 = arith.cmpi slt, %select_n3A_361, %lt3A_367 : i32
        %ne3A_369 = arith.xori %lt3A_366, %lt3A_368 : i1
        %and3A_370 = arith.andi %ne3A_369, %ne3A_364 : i1
        %add3A_371 = arith.addi %rem3A_362, %select_n3A_361 : i32
        %select_n3A_372 = arith.select %and3A_370, %add3A_371, %rem3A_362 : i32
        %jit3A_373 = arith.constant 3 : i32
        %eq3A_374 = arith.constant 0 : i32
        %eq3A_375 = arith.cmpi eq, %jit3A_373, %eq3A_374 : i32
        %jit3A_376 = arith.constant 1 : i32
        %select_n3A_377 = arith.select %eq3A_375, %jit3A_376, %jit3A_373 : i32
        %rem3A_378 = arith.remsi %sub3A_85, %select_n3A_377 : i32
        %ne3A_379 = arith.constant 0 : i32
        %ne3A_380 = arith.cmpi ne, %rem3A_378, %ne3A_379 : i32
        %lt3A_381 = arith.constant 0 : i32
        %lt3A_382 = arith.cmpi slt, %rem3A_378, %lt3A_381 : i32
        %lt3A_383 = arith.constant 0 : i32
        %lt3A_384 = arith.cmpi slt, %select_n3A_377, %lt3A_383 : i32
        %ne3A_385 = arith.xori %lt3A_382, %lt3A_384 : i1
        %and3A_386 = arith.andi %ne3A_385, %ne3A_380 : i1
        %add3A_387 = arith.addi %rem3A_378, %select_n3A_377 : i32
        %select_n3A_388 = arith.select %and3A_386, %add3A_387, %rem3A_378 : i32
        %dma_start3A_389 = arith.constant 0 : i32
        %dma_start3A_390 = arith.constant 0 : i32
        %dma_start3A_391 = tpu.memref_slice %arg13[%select_n3A_372, %dma_start3A_389, %dma_start3A_390] : memref<3x80x128xf32, #tpu.memory_space<vmem>> -> memref<1x80x128xf32, #tpu.memory_space<vmem>>
        %dma_start3A_392 = tpu.memref_squeeze %dma_start3A_391 : memref<1x80x128xf32, #tpu.memory_space<vmem>> -> memref<80x128xf32, #tpu.memory_space<vmem>>
        %dma_start3A_393 = arith.constant 0 : i32
        %dma_start3A_394 = tpu.memref_slice %arg11[%select_n3A_340, %select_n3A_356, %dma_start3A_393] : memref<2x5x80xi32, #tpu.memory_space<vmem>> -> memref<1x1x80xi32, #tpu.memory_space<vmem>>
        %dma_start3A_395 = tpu.memref_squeeze %dma_start3A_394 : memref<1x1x80xi32, #tpu.memory_space<vmem>> -> memref<80xi32, #tpu.memory_space<vmem>>
        %dma_start3A_396 = arith.constant 0 : i32
        %dma_start3A_397 = arith.constant 0 : i32
        %dma_start3A_398 = tpu.memref_slice %arg2[%dma_start3A_396, %dma_start3A_397] : memref<10000x128xf32, #tpu.memory_space<hbm>> -> memref<10000x128xf32, #tpu.memory_space<hbm>>
        %dma_start3A_399 = tpu.memref_slice %arg15[%select_n3A_388] : memref<3x!tpu.dma_semaphore, #tpu.memory_space<semaphore_mem>> -> memref<1x!tpu.dma_semaphore, #tpu.memory_space<semaphore_mem>>
        %dma_start3A_400 = tpu.memref_squeeze %dma_start3A_399 : memref<1x!tpu.dma_semaphore, #tpu.memory_space<semaphore_mem>> -> memref<!tpu.dma_semaphore, #tpu.memory_space<semaphore_mem>>
        tpu.enqueue_indirect_dma source(%dma_start3A_398 : memref<10000x128xf32, #tpu.memory_space<hbm>>) target(%dma_start3A_392 : memref<80x128xf32, #tpu.memory_space<vmem>>) offsets(%dma_start3A_395 : memref<80xi32, #tpu.memory_space<vmem>>) semaphore(%dma_start3A_400 : memref<!tpu.dma_semaphore, #tpu.memory_space<semaphore_mem>>)
      } else {
      }
      %jit3A_110 = arith.constant 5 : i32
      %div3A = arith.divsi %while3A_80, %jit3A_110 : i32
      %sign3A = arith.constant 0 : i32
      %sign3A_111 = arith.cmpi sgt, %while3A_80, %sign3A : i32
      %sign3A_112 = arith.extui %sign3A_111 : i1 to i32
      %sign3A_113 = arith.constant 0 : i32
      %sign3A_114 = arith.cmpi slt, %while3A_80, %sign3A_113 : i32
      %sign3A_115 = arith.extui %sign3A_114 : i1 to i32
      %sign3A_116 = arith.subi %sign3A_112, %sign3A_115 : i32
      %sign3A_117 = arith.constant 0 : i32
      %sign3A_118 = arith.cmpi sgt, %jit3A_110, %sign3A_117 : i32
      %sign3A_119 = arith.extui %sign3A_118 : i1 to i32
      %sign3A_120 = arith.constant 0 : i32
      %sign3A_121 = arith.cmpi slt, %jit3A_110, %sign3A_120 : i32
      %sign3A_122 = arith.extui %sign3A_121 : i1 to i32
      %sign3A_123 = arith.subi %sign3A_119, %sign3A_122 : i32
      %ne3A_124 = arith.cmpi ne, %sign3A_116, %sign3A_123 : i32
      %rem3A_125 = arith.remsi %while3A_80, %jit3A_110 : i32
      %ne3A_126 = arith.constant 0 : i32
      %ne3A_127 = arith.cmpi ne, %rem3A_125, %ne3A_126 : i32
      %and3A_128 = arith.andi %ne3A_124, %ne3A_127 : i1
      %sub3A_129 = arith.constant 1 : i32
      %sub3A_130 = arith.subi %div3A, %sub3A_129 : i32
      %select_n3A_131 = arith.select %and3A_128, %sub3A_130, %div3A : i32
      %jit3A_132 = arith.constant 2 : i32
      %eq3A_133 = arith.constant 0 : i32
      %eq3A_134 = arith.cmpi eq, %jit3A_132, %eq3A_133 : i32
      %jit3A_135 = arith.constant 1 : i32
      %select_n3A_136 = arith.select %eq3A_134, %jit3A_135, %jit3A_132 : i32
      %rem3A_137 = arith.remsi %select_n3A_131, %select_n3A_136 : i32
      %ne3A_138 = arith.constant 0 : i32
      %ne3A_139 = arith.cmpi ne, %rem3A_137, %ne3A_138 : i32
      %lt3A_140 = arith.constant 0 : i32
      %lt3A_141 = arith.cmpi slt, %rem3A_137, %lt3A_140 : i32
      %lt3A_142 = arith.constant 0 : i32
      %lt3A_143 = arith.cmpi slt, %select_n3A_136, %lt3A_142 : i32
      %ne3A_144 = arith.xori %lt3A_141, %lt3A_143 : i1
      %and3A_145 = arith.andi %ne3A_144, %ne3A_139 : i1
      %add3A_146 = arith.addi %rem3A_137, %select_n3A_136 : i32
      %select_n3A_147 = arith.select %and3A_145, %add3A_146, %rem3A_137 : i32
      %jit3A_148 = arith.constant 3 : i32
      %eq3A_149 = arith.constant 0 : i32
      %eq3A_150 = arith.cmpi eq, %jit3A_148, %eq3A_149 : i32
      %jit3A_151 = arith.constant 1 : i32
      %select_n3A_152 = arith.select %eq3A_150, %jit3A_151, %jit3A_148 : i32
      %rem3A_153 = arith.remsi %while3A_80, %select_n3A_152 : i32
      %ne3A_154 = arith.constant 0 : i32
      %ne3A_155 = arith.cmpi ne, %rem3A_153, %ne3A_154 : i32
      %lt3A_156 = arith.constant 0 : i32
      %lt3A_157 = arith.cmpi slt, %rem3A_153, %lt3A_156 : i32
      %lt3A_158 = arith.constant 0 : i32
      %lt3A_159 = arith.cmpi slt, %select_n3A_152, %lt3A_158 : i32
      %ne3A_160 = arith.xori %lt3A_157, %lt3A_159 : i1
      %and3A_161 = arith.andi %ne3A_160, %ne3A_155 : i1
      %add3A_162 = arith.addi %rem3A_153, %select_n3A_152 : i32
      %select_n3A_163 = arith.select %and3A_161, %add3A_162, %rem3A_153 : i32
      %jit3A_164 = arith.constant 3 : i32
      %eq3A_165 = arith.constant 0 : i32
      %eq3A_166 = arith.cmpi eq, %jit3A_164, %eq3A_165 : i32
      %jit3A_167 = arith.constant 1 : i32
      %select_n3A_168 = arith.select %eq3A_166, %jit3A_167, %jit3A_164 : i32
      %rem3A_169 = arith.remsi %while3A_80, %select_n3A_168 : i32
      %ne3A_170 = arith.constant 0 : i32
      %ne3A_171 = arith.cmpi ne, %rem3A_169, %ne3A_170 : i32
      %lt3A_172 = arith.constant 0 : i32
      %lt3A_173 = arith.cmpi slt, %rem3A_169, %lt3A_172 : i32
      %lt3A_174 = arith.constant 0 : i32
      %lt3A_175 = arith.cmpi slt, %select_n3A_168, %lt3A_174 : i32
      %ne3A_176 = arith.xori %lt3A_173, %lt3A_175 : i1
      %and3A_177 = arith.andi %ne3A_176, %ne3A_171 : i1
      %add3A_178 = arith.addi %rem3A_169, %select_n3A_168 : i32
      %select_n3A_179 = arith.select %and3A_177, %add3A_178, %rem3A_169 : i32
      %dma_wait3A = arith.constant 0 : i32
      %dma_wait3A_180 = arith.constant 0 : i32
      %dma_wait3A_181 = tpu.memref_slice %arg13[%select_n3A_163, %dma_wait3A, %dma_wait3A_180] : memref<3x80x128xf32, #tpu.memory_space<vmem>> -> memref<1x80x128xf32, #tpu.memory_space<vmem>>
      %dma_wait3A_182 = tpu.memref_squeeze %dma_wait3A_181 : memref<1x80x128xf32, #tpu.memory_space<vmem>> -> memref<80x128xf32, #tpu.memory_space<vmem>>
      %dma_wait3A_183 = arith.constant 0 : i32
      %dma_wait3A_184 = arith.constant 0 : i32
      %dma_wait3A_185 = tpu.memref_slice %arg2[%dma_wait3A_183, %dma_wait3A_184] : memref<10000x128xf32, #tpu.memory_space<hbm>> -> memref<80x128xf32, #tpu.memory_space<hbm>>
      %dma_wait3A_186 = tpu.memref_slice %arg15[%select_n3A_179] : memref<3x!tpu.dma_semaphore, #tpu.memory_space<semaphore_mem>> -> memref<1x!tpu.dma_semaphore, #tpu.memory_space<semaphore_mem>>
      %dma_wait3A_187 = tpu.memref_squeeze %dma_wait3A_186 : memref<1x!tpu.dma_semaphore, #tpu.memory_space<semaphore_mem>> -> memref<!tpu.dma_semaphore, #tpu.memory_space<semaphore_mem>>
      %dma_wait3A_188 = arith.constant 0 : i32
      %dma_wait3A_189 = arith.constant 0 : i32
      %dma_wait3A_190 = tpu.memref_slice %arg13[%select_n3A_163, %dma_wait3A_188, %dma_wait3A_189] : memref<3x80x128xf32, #tpu.memory_space<vmem>> -> memref<1x80x128xf32, #tpu.memory_space<vmem>>
      %dma_wait3A_191 = tpu.memref_squeeze %dma_wait3A_190 : memref<1x80x128xf32, #tpu.memory_space<vmem>> -> memref<80x128xf32, #tpu.memory_space<vmem>>
      %dma_wait3A_192 = arith.constant 0 : i32
      %dma_wait3A_193 = arith.constant 0 : i32
      %dma_wait3A_194 = tpu.memref_slice %arg2[%dma_wait3A_192, %dma_wait3A_193] : memref<10000x128xf32, #tpu.memory_space<hbm>> -> memref<80x128xf32, #tpu.memory_space<hbm>>
      tpu.wait_dma2 semaphore(%dma_wait3A_187 : memref<!tpu.dma_semaphore, #tpu.memory_space<semaphore_mem>>) src(%dma_wait3A_194 : memref<80x128xf32, #tpu.memory_space<hbm>>) dst(%dma_wait3A_191 : memref<80x128xf32, #tpu.memory_space<vmem>>)
      %jit3A_195 = arith.constant 3 : i32
      %eq3A_196 = arith.constant 0 : i32
      %eq3A_197 = arith.cmpi eq, %jit3A_195, %eq3A_196 : i32
      %jit3A_198 = arith.constant 1 : i32
      %select_n3A_199 = arith.select %eq3A_197, %jit3A_198, %jit3A_195 : i32
      %rem3A_200 = arith.remsi %while3A_80, %select_n3A_199 : i32
      %ne3A_201 = arith.constant 0 : i32
      %ne3A_202 = arith.cmpi ne, %rem3A_200, %ne3A_201 : i32
      %lt3A_203 = arith.constant 0 : i32
      %lt3A_204 = arith.cmpi slt, %rem3A_200, %lt3A_203 : i32
      %lt3A_205 = arith.constant 0 : i32
      %lt3A_206 = arith.cmpi slt, %select_n3A_199, %lt3A_205 : i32
      %ne3A_207 = arith.xori %lt3A_204, %lt3A_206 : i1
      %and3A_208 = arith.andi %ne3A_207, %ne3A_202 : i1
      %add3A_209 = arith.addi %rem3A_200, %select_n3A_199 : i32
      %select_n3A_210 = arith.select %and3A_208, %add3A_209, %rem3A_200 : i32
      %jit3A_211 = arith.constant 5 : i32
      %eq3A_212 = arith.constant 0 : i32
      %eq3A_213 = arith.cmpi eq, %jit3A_211, %eq3A_212 : i32
      %jit3A_214 = arith.constant 1 : i32
      %select_n3A_215 = arith.select %eq3A_213, %jit3A_214, %jit3A_211 : i32
      %rem3A_216 = arith.remsi %while3A_80, %select_n3A_215 : i32
      %ne3A_217 = arith.constant 0 : i32
      %ne3A_218 = arith.cmpi ne, %rem3A_216, %ne3A_217 : i32
      %lt3A_219 = arith.constant 0 : i32
      %lt3A_220 = arith.cmpi slt, %rem3A_216, %lt3A_219 : i32
      %lt3A_221 = arith.constant 0 : i32
      %lt3A_222 = arith.cmpi slt, %select_n3A_215, %lt3A_221 : i32
      %ne3A_223 = arith.xori %lt3A_220, %lt3A_222 : i1
      %and3A_224 = arith.andi %ne3A_223, %ne3A_218 : i1
      %add3A_225 = arith.addi %rem3A_216, %select_n3A_215 : i32
      %select_n3A_226 = arith.select %and3A_224, %add3A_225, %rem3A_216 : i32
      %jit3A_227 = arith.constant 3 : i32
      %eq3A_228 = arith.constant 0 : i32
      %eq3A_229 = arith.cmpi eq, %jit3A_227, %eq3A_228 : i32
      %jit3A_230 = arith.constant 1 : i32
      %select_n3A_231 = arith.select %eq3A_229, %jit3A_230, %jit3A_227 : i32
      %rem3A_232 = arith.remsi %while3A_80, %select_n3A_231 : i32
      %ne3A_233 = arith.constant 0 : i32
      %ne3A_234 = arith.cmpi ne, %rem3A_232, %ne3A_233 : i32
      %lt3A_235 = arith.constant 0 : i32
      %lt3A_236 = arith.cmpi slt, %rem3A_232, %lt3A_235 : i32
      %lt3A_237 = arith.constant 0 : i32
      %lt3A_238 = arith.cmpi slt, %select_n3A_231, %lt3A_237 : i32
      %ne3A_239 = arith.xori %lt3A_236, %lt3A_238 : i1
      %and3A_240 = arith.andi %ne3A_239, %ne3A_234 : i1
      %add3A_241 = arith.addi %rem3A_232, %select_n3A_231 : i32
      %select_n3A_242 = arith.select %and3A_240, %add3A_241, %rem3A_232 : i32
      %dma_start3A_243 = arith.constant 0 : i32
      %dma_start3A_244 = arith.constant 0 : i32
      %dma_start3A_245 = tpu.memref_slice %arg13[%select_n3A_210, %dma_start3A_243, %dma_start3A_244] : memref<3x80x128xf32, #tpu.memory_space<vmem>> -> memref<1x80x128xf32, #tpu.memory_space<vmem>>
      %dma_start3A_246 = tpu.memref_squeeze %dma_start3A_245 : memref<1x80x128xf32, #tpu.memory_space<vmem>> -> memref<80x128xf32, #tpu.memory_space<vmem>>
      %dma_start3A_247 = arith.constant 0 : i32
      %dma_start3A_248 = tpu.memref_slice %arg12[%select_n3A_147, %select_n3A_226, %dma_start3A_247] : memref<2x5x80xi32, #tpu.memory_space<vmem>> -> memref<1x1x80xi32, #tpu.memory_space<vmem>>
      %dma_start3A_249 = tpu.memref_squeeze %dma_start3A_248 : memref<1x1x80xi32, #tpu.memory_space<vmem>> -> memref<80xi32, #tpu.memory_space<vmem>>
      %dma_start3A_250 = arith.constant 0 : i32
      %dma_start3A_251 = arith.constant 0 : i32
      %dma_start3A_252 = tpu.memref_slice %arg9[%dma_start3A_250, %dma_start3A_251] : memref<10000x128xf32, #tpu.memory_space<vmem_shared>> -> memref<10000x128xf32, #tpu.memory_space<vmem_shared>>
      %dma_start3A_253 = tpu.memref_slice %arg16[%select_n3A_242] : memref<3x!tpu.dma_semaphore, #tpu.memory_space<semaphore_mem>> -> memref<1x!tpu.dma_semaphore, #tpu.memory_space<semaphore_mem>>
      %dma_start3A_254 = tpu.memref_squeeze %dma_start3A_253 : memref<1x!tpu.dma_semaphore, #tpu.memory_space<semaphore_mem>> -> memref<!tpu.dma_semaphore, #tpu.memory_space<semaphore_mem>>
      tpu.enqueue_indirect_dma source(%dma_start3A_246 : memref<80x128xf32, #tpu.memory_space<vmem>>) target(%dma_start3A_252 : memref<10000x128xf32, #tpu.memory_space<vmem_shared>>) offsets(%dma_start3A_249 : memref<80xi32, #tpu.memory_space<vmem>>) semaphore(%dma_start3A_254 : memref<!tpu.dma_semaphore, #tpu.memory_space<semaphore_mem>>) {add = true}
      %jit3A_255 = arith.constant 5 : i32
      %eq3A_256 = arith.constant 0 : i32
      %eq3A_257 = arith.cmpi eq, %jit3A_255, %eq3A_256 : i32
      %jit3A_258 = arith.constant 1 : i32
      %select_n3A_259 = arith.select %eq3A_257, %jit3A_258, %jit3A_255 : i32
      %rem3A_260 = arith.remsi %while3A_80, %select_n3A_259 : i32
      %ne3A_261 = arith.constant 0 : i32
      %ne3A_262 = arith.cmpi ne, %rem3A_260, %ne3A_261 : i32
      %lt3A_263 = arith.constant 0 : i32
      %lt3A_264 = arith.cmpi slt, %rem3A_260, %lt3A_263 : i32
      %lt3A_265 = arith.constant 0 : i32
      %lt3A_266 = arith.cmpi slt, %select_n3A_259, %lt3A_265 : i32
      %ne3A_267 = arith.xori %lt3A_264, %lt3A_266 : i1
      %and3A_268 = arith.andi %ne3A_267, %ne3A_262 : i1
      %add3A_269 = arith.addi %rem3A_260, %select_n3A_259 : i32
      %select_n3A_270 = arith.select %and3A_268, %add3A_269, %rem3A_260 : i32
      %jit3A_271 = arith.constant 3 : i32
      %eq3A_272 = arith.constant 0 : i32
      %eq3A_273 = arith.cmpi eq, %jit3A_271, %eq3A_272 : i32
      %jit3A_274 = arith.constant 1 : i32
      %select_n3A_275 = arith.select %eq3A_273, %jit3A_274, %jit3A_271 : i32
      %rem3A_276 = arith.remsi %while3A_80, %select_n3A_275 : i32
      %ne3A_277 = arith.constant 0 : i32
      %ne3A_278 = arith.cmpi ne, %rem3A_276, %ne3A_277 : i32
      %lt3A_279 = arith.constant 0 : i32
      %lt3A_280 = arith.cmpi slt, %rem3A_276, %lt3A_279 : i32
      %lt3A_281 = arith.constant 0 : i32
      %lt3A_282 = arith.cmpi slt, %select_n3A_275, %lt3A_281 : i32
      %ne3A_283 = arith.xori %lt3A_280, %lt3A_282 : i1
      %and3A_284 = arith.andi %ne3A_283, %ne3A_278 : i1
      %add3A_285 = arith.addi %rem3A_276, %select_n3A_275 : i32
      %select_n3A_286 = arith.select %and3A_284, %add3A_285, %rem3A_276 : i32
      %dma_start3A_287 = arith.constant 0 : i32
      %dma_start3A_288 = tpu.memref_slice %arg12[%select_n3A_147, %select_n3A_270, %dma_start3A_287] : memref<2x5x80xi32, #tpu.memory_space<vmem>> -> memref<1x1x80xi32, #tpu.memory_space<vmem>>
      %dma_start3A_289 = tpu.memref_squeeze %dma_start3A_288 : memref<1x1x80xi32, #tpu.memory_space<vmem>> -> memref<80xi32, #tpu.memory_space<vmem>>
      %dma_start3A_290 = arith.constant 0 : i32
      %dma_start3A_291 = arith.constant 0 : i32
      %dma_start3A_292 = tpu.memref_slice %arg10[%dma_start3A_290, %dma_start3A_291] : memref<10000x16xf32, #tpu.memory_space<vmem_shared>> -> memref<10000x16xf32, #tpu.memory_space<vmem_shared>>
      %dma_start3A_293 = tpu.memref_slice %arg16[%select_n3A_286] : memref<3x!tpu.dma_semaphore, #tpu.memory_space<semaphore_mem>> -> memref<1x!tpu.dma_semaphore, #tpu.memory_space<semaphore_mem>>
      %dma_start3A_294 = tpu.memref_squeeze %dma_start3A_293 : memref<1x!tpu.dma_semaphore, #tpu.memory_space<semaphore_mem>> -> memref<!tpu.dma_semaphore, #tpu.memory_space<semaphore_mem>>
      tpu.enqueue_indirect_dma source(%arg14 : memref<80x16xf32, #tpu.memory_space<vmem>>) target(%dma_start3A_292 : memref<10000x16xf32, #tpu.memory_space<vmem_shared>>) offsets(%dma_start3A_289 : memref<80xi32, #tpu.memory_space<vmem>>) semaphore(%dma_start3A_294 : memref<!tpu.dma_semaphore, #tpu.memory_space<semaphore_mem>>) {add = true}
      %while3A_295 = arith.constant 0 : i32
      scf.yield %while3A_295 : i32
    }
    %sub3A = arith.constant 1 : i32
    %sub3A_55 = arith.subi %add3A_15, %sub3A : i32
    %ge3A = arith.constant 0 : i32
    %ge3A_56 = arith.cmpi sge, %sub3A_55, %ge3A : i32
    %convert_element_type3A_57 = arith.extui %ge3A_56 : i1 to i32
    %cond3A_58 = arith.constant 0 : i32
    %cond3A_59 = arith.cmpi ne, %convert_element_type3A_57, %cond3A_58 : i32
    scf.if %cond3A_59 {
      %sub3A_80 = arith.constant 1 : i32
      %sub3A_81 = arith.subi %add3A_15, %sub3A_80 : i32
      %jit3A_82 = arith.constant 3 : i32
      %eq3A_83 = arith.constant 0 : i32
      %eq3A_84 = arith.cmpi eq, %jit3A_82, %eq3A_83 : i32
      %jit3A_85 = arith.constant 1 : i32
      %select_n3A_86 = arith.select %eq3A_84, %jit3A_85, %jit3A_82 : i32
      %rem3A = arith.remsi %sub3A_81, %select_n3A_86 : i32
      %ne3A = arith.constant 0 : i32
      %ne3A_87 = arith.cmpi ne, %rem3A, %ne3A : i32
      %lt3A_88 = arith.constant 0 : i32
      %lt3A_89 = arith.cmpi slt, %rem3A, %lt3A_88 : i32
      %lt3A_90 = arith.constant 0 : i32
      %lt3A_91 = arith.cmpi slt, %select_n3A_86, %lt3A_90 : i32
      %ne3A_92 = arith.xori %lt3A_89, %lt3A_91 : i1
      %and3A = arith.andi %ne3A_92, %ne3A_87 : i1
      %add3A_93 = arith.addi %rem3A, %select_n3A_86 : i32
      %select_n3A_94 = arith.select %and3A, %add3A_93, %rem3A : i32
      %jit3A_95 = arith.constant 3 : i32
      %eq3A_96 = arith.constant 0 : i32
      %eq3A_97 = arith.cmpi eq, %jit3A_95, %eq3A_96 : i32
      %jit3A_98 = arith.constant 1 : i32
      %select_n3A_99 = arith.select %eq3A_97, %jit3A_98, %jit3A_95 : i32
      %rem3A_100 = arith.remsi %sub3A_81, %select_n3A_99 : i32
      %ne3A_101 = arith.constant 0 : i32
      %ne3A_102 = arith.cmpi ne, %rem3A_100, %ne3A_101 : i32
      %lt3A_103 = arith.constant 0 : i32
      %lt3A_104 = arith.cmpi slt, %rem3A_100, %lt3A_103 : i32
      %lt3A_105 = arith.constant 0 : i32
      %lt3A_106 = arith.cmpi slt, %select_n3A_99, %lt3A_105 : i32
      %ne3A_107 = arith.xori %lt3A_104, %lt3A_106 : i1
      %and3A_108 = arith.andi %ne3A_107, %ne3A_102 : i1
      %add3A_109 = arith.addi %rem3A_100, %select_n3A_99 : i32
      %select_n3A_110 = arith.select %and3A_108, %add3A_109, %rem3A_100 : i32
      %dma_wait3A = arith.constant 0 : i32
      %dma_wait3A_111 = arith.constant 0 : i32
      %dma_wait3A_112 = tpu.memref_slice %arg13[%select_n3A_94, %dma_wait3A, %dma_wait3A_111] : memref<3x80x128xf32, #tpu.memory_space<vmem>> -> memref<1x80x128xf32, #tpu.memory_space<vmem>>
      %dma_wait3A_113 = tpu.memref_squeeze %dma_wait3A_112 : memref<1x80x128xf32, #tpu.memory_space<vmem>> -> memref<80x128xf32, #tpu.memory_space<vmem>>
      %dma_wait3A_114 = arith.constant 0 : i32
      %dma_wait3A_115 = arith.constant 0 : i32
      %dma_wait3A_116 = tpu.memref_slice %arg9[%dma_wait3A_114, %dma_wait3A_115] : memref<10000x128xf32, #tpu.memory_space<vmem_shared>> -> memref<80x128xf32, #tpu.memory_space<vmem_shared>>
      %dma_wait3A_117 = tpu.memref_slice %arg16[%select_n3A_110] : memref<3x!tpu.dma_semaphore, #tpu.memory_space<semaphore_mem>> -> memref<1x!tpu.dma_semaphore, #tpu.memory_space<semaphore_mem>>
      %dma_wait3A_118 = tpu.memref_squeeze %dma_wait3A_117 : memref<1x!tpu.dma_semaphore, #tpu.memory_space<semaphore_mem>> -> memref<!tpu.dma_semaphore, #tpu.memory_space<semaphore_mem>>
      %dma_wait3A_119 = arith.constant 0 : i32
      %dma_wait3A_120 = arith.constant 0 : i32
      %dma_wait3A_121 = tpu.memref_slice %arg9[%dma_wait3A_119, %dma_wait3A_120] : memref<10000x128xf32, #tpu.memory_space<vmem_shared>> -> memref<80x128xf32, #tpu.memory_space<vmem_shared>>
      %dma_wait3A_122 = arith.constant 0 : i32
      %dma_wait3A_123 = arith.constant 0 : i32
      %dma_wait3A_124 = tpu.memref_slice %arg13[%select_n3A_94, %dma_wait3A_122, %dma_wait3A_123] : memref<3x80x128xf32, #tpu.memory_space<vmem>> -> memref<1x80x128xf32, #tpu.memory_space<vmem>>
      %dma_wait3A_125 = tpu.memref_squeeze %dma_wait3A_124 : memref<1x80x128xf32, #tpu.memory_space<vmem>> -> memref<80x128xf32, #tpu.memory_space<vmem>>
      tpu.wait_dma2 semaphore(%dma_wait3A_118 : memref<!tpu.dma_semaphore, #tpu.memory_space<semaphore_mem>>) src(%dma_wait3A_125 : memref<80x128xf32, #tpu.memory_space<vmem>>) dst(%dma_wait3A_121 : memref<80x128xf32, #tpu.memory_space<vmem_shared>>)
      %jit3A_126 = arith.constant 3 : i32
      %eq3A_127 = arith.constant 0 : i32
      %eq3A_128 = arith.cmpi eq, %jit3A_126, %eq3A_127 : i32
      %jit3A_129 = arith.constant 1 : i32
      %select_n3A_130 = arith.select %eq3A_128, %jit3A_129, %jit3A_126 : i32
      %rem3A_131 = arith.remsi %sub3A_81, %select_n3A_130 : i32
      %ne3A_132 = arith.constant 0 : i32
      %ne3A_133 = arith.cmpi ne, %rem3A_131, %ne3A_132 : i32
      %lt3A_134 = arith.constant 0 : i32
      %lt3A_135 = arith.cmpi slt, %rem3A_131, %lt3A_134 : i32
      %lt3A_136 = arith.constant 0 : i32
      %lt3A_137 = arith.cmpi slt, %select_n3A_130, %lt3A_136 : i32
      %ne3A_138 = arith.xori %lt3A_135, %lt3A_137 : i1
      %and3A_139 = arith.andi %ne3A_138, %ne3A_133 : i1
      %add3A_140 = arith.addi %rem3A_131, %select_n3A_130 : i32
      %select_n3A_141 = arith.select %and3A_139, %add3A_140, %rem3A_131 : i32
      %dma_wait3A_142 = arith.constant 0 : i32
      %dma_wait3A_143 = arith.constant 0 : i32
      %dma_wait3A_144 = tpu.memref_slice %arg10[%dma_wait3A_142, %dma_wait3A_143] : memref<10000x16xf32, #tpu.memory_space<vmem_shared>> -> memref<80x16xf32, #tpu.memory_space<vmem_shared>>
      %dma_wait3A_145 = tpu.memref_slice %arg16[%select_n3A_141] : memref<3x!tpu.dma_semaphore, #tpu.memory_space<semaphore_mem>> -> memref<1x!tpu.dma_semaphore, #tpu.memory_space<semaphore_mem>>
      %dma_wait3A_146 = tpu.memref_squeeze %dma_wait3A_145 : memref<1x!tpu.dma_semaphore, #tpu.memory_space<semaphore_mem>> -> memref<!tpu.dma_semaphore, #tpu.memory_space<semaphore_mem>>
      %dma_wait3A_147 = arith.constant 0 : i32
      %dma_wait3A_148 = arith.constant 0 : i32
      %dma_wait3A_149 = tpu.memref_slice %arg10[%dma_wait3A_147, %dma_wait3A_148] : memref<10000x16xf32, #tpu.memory_space<vmem_shared>> -> memref<80x16xf32, #tpu.memory_space<vmem_shared>>
      tpu.wait_dma2 semaphore(%dma_wait3A_146 : memref<!tpu.dma_semaphore, #tpu.memory_space<semaphore_mem>>) src(%arg14 : memref<80x16xf32, #tpu.memory_space<vmem>>) dst(%dma_wait3A_149 : memref<80x16xf32, #tpu.memory_space<vmem_shared>>)
    } else {
    }
    %sub3A_60 = arith.constant 2 : i32
    %sub3A_61 = arith.subi %add3A_15, %sub3A_60 : i32
    %ge3A_62 = arith.constant 0 : i32
    %ge3A_63 = arith.cmpi sge, %sub3A_61, %ge3A_62 : i32
    %convert_element_type3A_64 = arith.extui %ge3A_63 : i1 to i32
    %cond3A_65 = arith.constant 0 : i32
    %cond3A_66 = arith.cmpi ne, %convert_element_type3A_64, %cond3A_65 : i32
    scf.if %cond3A_66 {
      %sub3A_80 = arith.constant 2 : i32
      %sub3A_81 = arith.subi %add3A_15, %sub3A_80 : i32
      %jit3A_82 = arith.constant 3 : i32
      %eq3A_83 = arith.constant 0 : i32
      %eq3A_84 = arith.cmpi eq, %jit3A_82, %eq3A_83 : i32
      %jit3A_85 = arith.constant 1 : i32
      %select_n3A_86 = arith.select %eq3A_84, %jit3A_85, %jit3A_82 : i32
      %rem3A = arith.remsi %sub3A_81, %select_n3A_86 : i32
      %ne3A = arith.constant 0 : i32
      %ne3A_87 = arith.cmpi ne, %rem3A, %ne3A : i32
      %lt3A_88 = arith.constant 0 : i32
      %lt3A_89 = arith.cmpi slt, %rem3A, %lt3A_88 : i32
      %lt3A_90 = arith.constant 0 : i32
      %lt3A_91 = arith.cmpi slt, %select_n3A_86, %lt3A_90 : i32
      %ne3A_92 = arith.xori %lt3A_89, %lt3A_91 : i1
      %and3A = arith.andi %ne3A_92, %ne3A_87 : i1
      %add3A_93 = arith.addi %rem3A, %select_n3A_86 : i32
      %select_n3A_94 = arith.select %and3A, %add3A_93, %rem3A : i32
      %jit3A_95 = arith.constant 3 : i32
      %eq3A_96 = arith.constant 0 : i32
      %eq3A_97 = arith.cmpi eq, %jit3A_95, %eq3A_96 : i32
      %jit3A_98 = arith.constant 1 : i32
      %select_n3A_99 = arith.select %eq3A_97, %jit3A_98, %jit3A_95 : i32
      %rem3A_100 = arith.remsi %sub3A_81, %select_n3A_99 : i32
      %ne3A_101 = arith.constant 0 : i32
      %ne3A_102 = arith.cmpi ne, %rem3A_100, %ne3A_101 : i32
      %lt3A_103 = arith.constant 0 : i32
      %lt3A_104 = arith.cmpi slt, %rem3A_100, %lt3A_103 : i32
      %lt3A_105 = arith.constant 0 : i32
      %lt3A_106 = arith.cmpi slt, %select_n3A_99, %lt3A_105 : i32
      %ne3A_107 = arith.xori %lt3A_104, %lt3A_106 : i1
      %and3A_108 = arith.andi %ne3A_107, %ne3A_102 : i1
      %add3A_109 = arith.addi %rem3A_100, %select_n3A_99 : i32
      %select_n3A_110 = arith.select %and3A_108, %add3A_109, %rem3A_100 : i32
      %dma_wait3A = arith.constant 0 : i32
      %dma_wait3A_111 = arith.constant 0 : i32
      %dma_wait3A_112 = tpu.memref_slice %arg13[%select_n3A_94, %dma_wait3A, %dma_wait3A_111] : memref<3x80x128xf32, #tpu.memory_space<vmem>> -> memref<1x80x128xf32, #tpu.memory_space<vmem>>
      %dma_wait3A_113 = tpu.memref_squeeze %dma_wait3A_112 : memref<1x80x128xf32, #tpu.memory_space<vmem>> -> memref<80x128xf32, #tpu.memory_space<vmem>>
      %dma_wait3A_114 = arith.constant 0 : i32
      %dma_wait3A_115 = arith.constant 0 : i32
      %dma_wait3A_116 = tpu.memref_slice %arg9[%dma_wait3A_114, %dma_wait3A_115] : memref<10000x128xf32, #tpu.memory_space<vmem_shared>> -> memref<80x128xf32, #tpu.memory_space<vmem_shared>>
      %dma_wait3A_117 = tpu.memref_slice %arg16[%select_n3A_110] : memref<3x!tpu.dma_semaphore, #tpu.memory_space<semaphore_mem>> -> memref<1x!tpu.dma_semaphore, #tpu.memory_space<semaphore_mem>>
      %dma_wait3A_118 = tpu.memref_squeeze %dma_wait3A_117 : memref<1x!tpu.dma_semaphore, #tpu.memory_space<semaphore_mem>> -> memref<!tpu.dma_semaphore, #tpu.memory_space<semaphore_mem>>
      %dma_wait3A_119 = arith.constant 0 : i32
      %dma_wait3A_120 = arith.constant 0 : i32
      %dma_wait3A_121 = tpu.memref_slice %arg9[%dma_wait3A_119, %dma_wait3A_120] : memref<10000x128xf32, #tpu.memory_space<vmem_shared>> -> memref<80x128xf32, #tpu.memory_space<vmem_shared>>
      %dma_wait3A_122 = arith.constant 0 : i32
      %dma_wait3A_123 = arith.constant 0 : i32
      %dma_wait3A_124 = tpu.memref_slice %arg13[%select_n3A_94, %dma_wait3A_122, %dma_wait3A_123] : memref<3x80x128xf32, #tpu.memory_space<vmem>> -> memref<1x80x128xf32, #tpu.memory_space<vmem>>
      %dma_wait3A_125 = tpu.memref_squeeze %dma_wait3A_124 : memref<1x80x128xf32, #tpu.memory_space<vmem>> -> memref<80x128xf32, #tpu.memory_space<vmem>>
      tpu.wait_dma2 semaphore(%dma_wait3A_118 : memref<!tpu.dma_semaphore, #tpu.memory_space<semaphore_mem>>) src(%dma_wait3A_125 : memref<80x128xf32, #tpu.memory_space<vmem>>) dst(%dma_wait3A_121 : memref<80x128xf32, #tpu.memory_space<vmem_shared>>)
      %jit3A_126 = arith.constant 3 : i32
      %eq3A_127 = arith.constant 0 : i32
      %eq3A_128 = arith.cmpi eq, %jit3A_126, %eq3A_127 : i32
      %jit3A_129 = arith.constant 1 : i32
      %select_n3A_130 = arith.select %eq3A_128, %jit3A_129, %jit3A_126 : i32
      %rem3A_131 = arith.remsi %sub3A_81, %select_n3A_130 : i32
      %ne3A_132 = arith.constant 0 : i32
      %ne3A_133 = arith.cmpi ne, %rem3A_131, %ne3A_132 : i32
      %lt3A_134 = arith.constant 0 : i32
      %lt3A_135 = arith.cmpi slt, %rem3A_131, %lt3A_134 : i32
      %lt3A_136 = arith.constant 0 : i32
      %lt3A_137 = arith.cmpi slt, %select_n3A_130, %lt3A_136 : i32
      %ne3A_138 = arith.xori %lt3A_135, %lt3A_137 : i1
      %and3A_139 = arith.andi %ne3A_138, %ne3A_133 : i1
      %add3A_140 = arith.addi %rem3A_131, %select_n3A_130 : i32
      %select_n3A_141 = arith.select %and3A_139, %add3A_140, %rem3A_131 : i32
      %dma_wait3A_142 = arith.constant 0 : i32
      %dma_wait3A_143 = arith.constant 0 : i32
      %dma_wait3A_144 = tpu.memref_slice %arg10[%dma_wait3A_142, %dma_wait3A_143] : memref<10000x16xf32, #tpu.memory_space<vmem_shared>> -> memref<80x16xf32, #tpu.memory_space<vmem_shared>>
      %dma_wait3A_145 = tpu.memref_slice %arg16[%select_n3A_141] : memref<3x!tpu.dma_semaphore, #tpu.memory_space<semaphore_mem>> -> memref<1x!tpu.dma_semaphore, #tpu.memory_space<semaphore_mem>>
      %dma_wait3A_146 = tpu.memref_squeeze %dma_wait3A_145 : memref<1x!tpu.dma_semaphore, #tpu.memory_space<semaphore_mem>> -> memref<!tpu.dma_semaphore, #tpu.memory_space<semaphore_mem>>
      %dma_wait3A_147 = arith.constant 0 : i32
      %dma_wait3A_148 = arith.constant 0 : i32
      %dma_wait3A_149 = tpu.memref_slice %arg10[%dma_wait3A_147, %dma_wait3A_148] : memref<10000x16xf32, #tpu.memory_space<vmem_shared>> -> memref<80x16xf32, #tpu.memory_space<vmem_shared>>
      tpu.wait_dma2 semaphore(%dma_wait3A_146 : memref<!tpu.dma_semaphore, #tpu.memory_space<semaphore_mem>>) src(%arg14 : memref<80x16xf32, #tpu.memory_space<vmem>>) dst(%dma_wait3A_149 : memref<80x16xf32, #tpu.memory_space<vmem_shared>>)
    } else {
    }
    %sub3A_67 = arith.constant 3 : i32
    %sub3A_68 = arith.subi %add3A_15, %sub3A_67 : i32
    %ge3A_69 = arith.constant 0 : i32
    %ge3A_70 = arith.cmpi sge, %sub3A_68, %ge3A_69 : i32
    %convert_element_type3A_71 = arith.extui %ge3A_70 : i1 to i32
    %cond3A_72 = arith.constant 0 : i32
    %cond3A_73 = arith.cmpi ne, %convert_element_type3A_71, %cond3A_72 : i32
    scf.if %cond3A_73 {
      %sub3A_80 = arith.constant 3 : i32
      %sub3A_81 = arith.subi %add3A_15, %sub3A_80 : i32
      %jit3A_82 = arith.constant 3 : i32
      %eq3A_83 = arith.constant 0 : i32
      %eq3A_84 = arith.cmpi eq, %jit3A_82, %eq3A_83 : i32
      %jit3A_85 = arith.constant 1 : i32
      %select_n3A_86 = arith.select %eq3A_84, %jit3A_85, %jit3A_82 : i32
      %rem3A = arith.remsi %sub3A_81, %select_n3A_86 : i32
      %ne3A = arith.constant 0 : i32
      %ne3A_87 = arith.cmpi ne, %rem3A, %ne3A : i32
      %lt3A_88 = arith.constant 0 : i32
      %lt3A_89 = arith.cmpi slt, %rem3A, %lt3A_88 : i32
      %lt3A_90 = arith.constant 0 : i32
      %lt3A_91 = arith.cmpi slt, %select_n3A_86, %lt3A_90 : i32
      %ne3A_92 = arith.xori %lt3A_89, %lt3A_91 : i1
      %and3A = arith.andi %ne3A_92, %ne3A_87 : i1
      %add3A_93 = arith.addi %rem3A, %select_n3A_86 : i32
      %select_n3A_94 = arith.select %and3A, %add3A_93, %rem3A : i32
      %jit3A_95 = arith.constant 3 : i32
      %eq3A_96 = arith.constant 0 : i32
      %eq3A_97 = arith.cmpi eq, %jit3A_95, %eq3A_96 : i32
      %jit3A_98 = arith.constant 1 : i32
      %select_n3A_99 = arith.select %eq3A_97, %jit3A_98, %jit3A_95 : i32
      %rem3A_100 = arith.remsi %sub3A_81, %select_n3A_99 : i32
      %ne3A_101 = arith.constant 0 : i32
      %ne3A_102 = arith.cmpi ne, %rem3A_100, %ne3A_101 : i32
      %lt3A_103 = arith.constant 0 : i32
      %lt3A_104 = arith.cmpi slt, %rem3A_100, %lt3A_103 : i32
      %lt3A_105 = arith.constant 0 : i32
      %lt3A_106 = arith.cmpi slt, %select_n3A_99, %lt3A_105 : i32
      %ne3A_107 = arith.xori %lt3A_104, %lt3A_106 : i1
      %and3A_108 = arith.andi %ne3A_107, %ne3A_102 : i1
      %add3A_109 = arith.addi %rem3A_100, %select_n3A_99 : i32
      %select_n3A_110 = arith.select %and3A_108, %add3A_109, %rem3A_100 : i32
      %dma_wait3A = arith.constant 0 : i32
      %dma_wait3A_111 = arith.constant 0 : i32
      %dma_wait3A_112 = tpu.memref_slice %arg13[%select_n3A_94, %dma_wait3A, %dma_wait3A_111] : memref<3x80x128xf32, #tpu.memory_space<vmem>> -> memref<1x80x128xf32, #tpu.memory_space<vmem>>
      %dma_wait3A_113 = tpu.memref_squeeze %dma_wait3A_112 : memref<1x80x128xf32, #tpu.memory_space<vmem>> -> memref<80x128xf32, #tpu.memory_space<vmem>>
      %dma_wait3A_114 = arith.constant 0 : i32
      %dma_wait3A_115 = arith.constant 0 : i32
      %dma_wait3A_116 = tpu.memref_slice %arg9[%dma_wait3A_114, %dma_wait3A_115] : memref<10000x128xf32, #tpu.memory_space<vmem_shared>> -> memref<80x128xf32, #tpu.memory_space<vmem_shared>>
      %dma_wait3A_117 = tpu.memref_slice %arg16[%select_n3A_110] : memref<3x!tpu.dma_semaphore, #tpu.memory_space<semaphore_mem>> -> memref<1x!tpu.dma_semaphore, #tpu.memory_space<semaphore_mem>>
      %dma_wait3A_118 = tpu.memref_squeeze %dma_wait3A_117 : memref<1x!tpu.dma_semaphore, #tpu.memory_space<semaphore_mem>> -> memref<!tpu.dma_semaphore, #tpu.memory_space<semaphore_mem>>
      %dma_wait3A_119 = arith.constant 0 : i32
      %dma_wait3A_120 = arith.constant 0 : i32
      %dma_wait3A_121 = tpu.memref_slice %arg9[%dma_wait3A_119, %dma_wait3A_120] : memref<10000x128xf32, #tpu.memory_space<vmem_shared>> -> memref<80x128xf32, #tpu.memory_space<vmem_shared>>
      %dma_wait3A_122 = arith.constant 0 : i32
      %dma_wait3A_123 = arith.constant 0 : i32
      %dma_wait3A_124 = tpu.memref_slice %arg13[%select_n3A_94, %dma_wait3A_122, %dma_wait3A_123] : memref<3x80x128xf32, #tpu.memory_space<vmem>> -> memref<1x80x128xf32, #tpu.memory_space<vmem>>
      %dma_wait3A_125 = tpu.memref_squeeze %dma_wait3A_124 : memref<1x80x128xf32, #tpu.memory_space<vmem>> -> memref<80x128xf32, #tpu.memory_space<vmem>>
      tpu.wait_dma2 semaphore(%dma_wait3A_118 : memref<!tpu.dma_semaphore, #tpu.memory_space<semaphore_mem>>) src(%dma_wait3A_125 : memref<80x128xf32, #tpu.memory_space<vmem>>) dst(%dma_wait3A_121 : memref<80x128xf32, #tpu.memory_space<vmem_shared>>)
      %jit3A_126 = arith.constant 3 : i32
      %eq3A_127 = arith.constant 0 : i32
      %eq3A_128 = arith.cmpi eq, %jit3A_126, %eq3A_127 : i32
      %jit3A_129 = arith.constant 1 : i32
      %select_n3A_130 = arith.select %eq3A_128, %jit3A_129, %jit3A_126 : i32
      %rem3A_131 = arith.remsi %sub3A_81, %select_n3A_130 : i32
      %ne3A_132 = arith.constant 0 : i32
      %ne3A_133 = arith.cmpi ne, %rem3A_131, %ne3A_132 : i32
      %lt3A_134 = arith.constant 0 : i32
      %lt3A_135 = arith.cmpi slt, %rem3A_131, %lt3A_134 : i32
      %lt3A_136 = arith.constant 0 : i32
      %lt3A_137 = arith.cmpi slt, %select_n3A_130, %lt3A_136 : i32
      %ne3A_138 = arith.xori %lt3A_135, %lt3A_137 : i1
      %and3A_139 = arith.andi %ne3A_138, %ne3A_133 : i1
      %add3A_140 = arith.addi %rem3A_131, %select_n3A_130 : i32
      %select_n3A_141 = arith.select %and3A_139, %add3A_140, %rem3A_131 : i32
      %dma_wait3A_142 = arith.constant 0 : i32
      %dma_wait3A_143 = arith.constant 0 : i32
      %dma_wait3A_144 = tpu.memref_slice %arg10[%dma_wait3A_142, %dma_wait3A_143] : memref<10000x16xf32, #tpu.memory_space<vmem_shared>> -> memref<80x16xf32, #tpu.memory_space<vmem_shared>>
      %dma_wait3A_145 = tpu.memref_slice %arg16[%select_n3A_141] : memref<3x!tpu.dma_semaphore, #tpu.memory_space<semaphore_mem>> -> memref<1x!tpu.dma_semaphore, #tpu.memory_space<semaphore_mem>>
      %dma_wait3A_146 = tpu.memref_squeeze %dma_wait3A_145 : memref<1x!tpu.dma_semaphore, #tpu.memory_space<semaphore_mem>> -> memref<!tpu.dma_semaphore, #tpu.memory_space<semaphore_mem>>
      %dma_wait3A_147 = arith.constant 0 : i32
      %dma_wait3A_148 = arith.constant 0 : i32
      %dma_wait3A_149 = tpu.memref_slice %arg10[%dma_wait3A_147, %dma_wait3A_148] : memref<10000x16xf32, #tpu.memory_space<vmem_shared>> -> memref<80x16xf32, #tpu.memory_space<vmem_shared>>
      tpu.wait_dma2 semaphore(%dma_wait3A_146 : memref<!tpu.dma_semaphore, #tpu.memory_space<semaphore_mem>>) src(%arg14 : memref<80x16xf32, #tpu.memory_space<vmem>>) dst(%dma_wait3A_149 : memref<80x16xf32, #tpu.memory_space<vmem_shared>>)
    } else {
    }
    %barrier3A_74 = arith.constant 0 : index
    tpu.barrier barrier_id(%barrier3A_74)
    "tpu.region"() ({
      %run_scoped3A_80 = tpu.sem_alloc : memref<!tpu.dma_semaphore, #tpu.memory_space<semaphore_mem>>
      %dma_start3A_81 = arith.constant 0 : i32
      %dma_start3A_82 = tpu.memref_slice %arg7[%arg0, %mul3A_2, %dma_start3A_81] : memref<2x10000x128xf32, #tpu.memory_space<hbm>> -> memref<1x624x128xf32, #tpu.memory_space<hbm>>
      %dma_start3A_83 = tpu.memref_squeeze %dma_start3A_82 : memref<1x624x128xf32, #tpu.memory_space<hbm>> -> memref<624x128xf32, #tpu.memory_space<hbm>>
      %dma_start3A_84 = arith.constant 0 : i32
      %dma_start3A_85 = tpu.memref_slice %arg9[%mul3A_2, %dma_start3A_84] : memref<10000x128xf32, #tpu.memory_space<vmem_shared>> -> memref<624x128xf32, #tpu.memory_space<vmem_shared>>
      tpu.enqueue_dma source(%dma_start3A_85 : memref<624x128xf32, #tpu.memory_space<vmem_shared>>) target(%dma_start3A_83 : memref<624x128xf32, #tpu.memory_space<hbm>>) target_semaphore(%run_scoped3A_80 : memref<!tpu.dma_semaphore, #tpu.memory_space<semaphore_mem>>)
      %dma_wait3A = arith.constant 0 : i32
      %dma_wait3A_86 = tpu.memref_slice %arg7[%arg0, %mul3A_2, %dma_wait3A] : memref<2x10000x128xf32, #tpu.memory_space<hbm>> -> memref<1x624x128xf32, #tpu.memory_space<hbm>>
      %dma_wait3A_87 = tpu.memref_squeeze %dma_wait3A_86 : memref<1x624x128xf32, #tpu.memory_space<hbm>> -> memref<624x128xf32, #tpu.memory_space<hbm>>
      %dma_wait3A_88 = arith.constant 0 : i32
      %dma_wait3A_89 = tpu.memref_slice %arg9[%mul3A_2, %dma_wait3A_88] : memref<10000x128xf32, #tpu.memory_space<vmem_shared>> -> memref<624x128xf32, #tpu.memory_space<vmem_shared>>
      tpu.wait_dma2 semaphore(%run_scoped3A_80 : memref<!tpu.dma_semaphore, #tpu.memory_space<semaphore_mem>>) src(%dma_wait3A_89 : memref<624x128xf32, #tpu.memory_space<vmem_shared>>) dst(%dma_wait3A_87 : memref<624x128xf32, #tpu.memory_space<hbm>>)
      tpu.yield
    }) : () -> ()
    "tpu.region"() ({
      %run_scoped3A_80 = tpu.sem_alloc : memref<!tpu.dma_semaphore, #tpu.memory_space<semaphore_mem>>
      %dma_start3A_81 = arith.constant 0 : i32
      %dma_start3A_82 = tpu.memref_slice %arg8[%arg0, %mul3A_2, %dma_start3A_81] : memref<2x10000x16xf32, #tpu.memory_space<hbm>> -> memref<1x624x16xf32, #tpu.memory_space<hbm>>
      %dma_start3A_83 = tpu.memref_squeeze %dma_start3A_82 : memref<1x624x16xf32, #tpu.memory_space<hbm>> -> memref<624x16xf32, #tpu.memory_space<hbm>>
      %dma_start3A_84 = arith.constant 0 : i32
      %dma_start3A_85 = tpu.memref_slice %arg10[%mul3A_2, %dma_start3A_84] : memref<10000x16xf32, #tpu.memory_space<vmem_shared>> -> memref<624x16xf32, #tpu.memory_space<vmem_shared>>
      tpu.enqueue_dma source(%dma_start3A_85 : memref<624x16xf32, #tpu.memory_space<vmem_shared>>) target(%dma_start3A_83 : memref<624x16xf32, #tpu.memory_space<hbm>>) target_semaphore(%run_scoped3A_80 : memref<!tpu.dma_semaphore, #tpu.memory_space<semaphore_mem>>)
      %dma_wait3A = arith.constant 0 : i32
      %dma_wait3A_86 = tpu.memref_slice %arg8[%arg0, %mul3A_2, %dma_wait3A] : memref<2x10000x16xf32, #tpu.memory_space<hbm>> -> memref<1x624x16xf32, #tpu.memory_space<hbm>>
      %dma_wait3A_87 = tpu.memref_squeeze %dma_wait3A_86 : memref<1x624x16xf32, #tpu.memory_space<hbm>> -> memref<624x16xf32, #tpu.memory_space<hbm>>
      %dma_wait3A_88 = arith.constant 0 : i32
      %dma_wait3A_89 = tpu.memref_slice %arg10[%mul3A_2, %dma_wait3A_88] : memref<10000x16xf32, #tpu.memory_space<vmem_shared>> -> memref<624x16xf32, #tpu.memory_space<vmem_shared>>
      tpu.wait_dma2 semaphore(%run_scoped3A_80 : memref<!tpu.dma_semaphore, #tpu.memory_space<semaphore_mem>>) src(%dma_wait3A_89 : memref<624x16xf32, #tpu.memory_space<vmem_shared>>) dst(%dma_wait3A_87 : memref<624x16xf32, #tpu.memory_space<hbm>>)
      tpu.yield
    }) : () -> ()
    %eq3A_75 = arith.constant 15 : i32
    %eq3A_76 = arith.cmpi eq, %arg1, %eq3A_75 : i32
    %convert_element_type3A_77 = arith.extui %eq3A_76 : i1 to i32
    %cond3A_78 = arith.constant 0 : i32
    %cond3A_79 = arith.cmpi ne, %convert_element_type3A_77, %cond3A_78 : i32
    scf.if %cond3A_79 {
      "tpu.region"() ({
        %run_scoped3A_80 = tpu.sem_alloc : memref<!tpu.dma_semaphore, #tpu.memory_space<semaphore_mem>>
        %dma_start3A_81 = arith.constant 9984 : i32
        %dma_start3A_82 = arith.constant 0 : i32
        %dma_start3A_83 = tpu.memref_slice %arg7[%arg0, %dma_start3A_81, %dma_start3A_82] : memref<2x10000x128xf32, #tpu.memory_space<hbm>> -> memref<1x16x128xf32, #tpu.memory_space<hbm>>
        %dma_start3A_84 = tpu.memref_squeeze %dma_start3A_83 : memref<1x16x128xf32, #tpu.memory_space<hbm>> -> memref<16x128xf32, #tpu.memory_space<hbm>>
        %dma_start3A_85 = arith.constant 9984 : i32
        %dma_start3A_86 = arith.constant 0 : i32
        %dma_start3A_87 = tpu.memref_slice %arg9[%dma_start3A_85, %dma_start3A_86] : memref<10000x128xf32, #tpu.memory_space<vmem_shared>> -> memref<16x128xf32, #tpu.memory_space<vmem_shared>>
        tpu.enqueue_dma source(%dma_start3A_87 : memref<16x128xf32, #tpu.memory_space<vmem_shared>>) target(%dma_start3A_84 : memref<16x128xf32, #tpu.memory_space<hbm>>) target_semaphore(%run_scoped3A_80 : memref<!tpu.dma_semaphore, #tpu.memory_space<semaphore_mem>>)
        %dma_wait3A = arith.constant 9984 : i32
        %dma_wait3A_88 = arith.constant 0 : i32
        %dma_wait3A_89 = tpu.memref_slice %arg7[%arg0, %dma_wait3A, %dma_wait3A_88] : memref<2x10000x128xf32, #tpu.memory_space<hbm>> -> memref<1x16x128xf32, #tpu.memory_space<hbm>>
        %dma_wait3A_90 = tpu.memref_squeeze %dma_wait3A_89 : memref<1x16x128xf32, #tpu.memory_space<hbm>> -> memref<16x128xf32, #tpu.memory_space<hbm>>
        %dma_wait3A_91 = arith.constant 9984 : i32
        %dma_wait3A_92 = arith.constant 0 : i32
        %dma_wait3A_93 = tpu.memref_slice %arg9[%dma_wait3A_91, %dma_wait3A_92] : memref<10000x128xf32, #tpu.memory_space<vmem_shared>> -> memref<16x128xf32, #tpu.memory_space<vmem_shared>>
        tpu.wait_dma2 semaphore(%run_scoped3A_80 : memref<!tpu.dma_semaphore, #tpu.memory_space<semaphore_mem>>) src(%dma_wait3A_93 : memref<16x128xf32, #tpu.memory_space<vmem_shared>>) dst(%dma_wait3A_90 : memref<16x128xf32, #tpu.memory_space<hbm>>)
        tpu.yield
      }) : () -> ()
      "tpu.region"() ({
        %run_scoped3A_80 = tpu.sem_alloc : memref<!tpu.dma_semaphore, #tpu.memory_space<semaphore_mem>>
        %dma_start3A_81 = arith.constant 9984 : i32
        %dma_start3A_82 = arith.constant 0 : i32
        %dma_start3A_83 = tpu.memref_slice %arg8[%arg0, %dma_start3A_81, %dma_start3A_82] : memref<2x10000x16xf32, #tpu.memory_space<hbm>> -> memref<1x16x16xf32, #tpu.memory_space<hbm>>
        %dma_start3A_84 = tpu.memref_squeeze %dma_start3A_83 : memref<1x16x16xf32, #tpu.memory_space<hbm>> -> memref<16x16xf32, #tpu.memory_space<hbm>>
        %dma_start3A_85 = arith.constant 9984 : i32
        %dma_start3A_86 = arith.constant 0 : i32
        %dma_start3A_87 = tpu.memref_slice %arg10[%dma_start3A_85, %dma_start3A_86] : memref<10000x16xf32, #tpu.memory_space<vmem_shared>> -> memref<16x16xf32, #tpu.memory_space<vmem_shared>>
        tpu.enqueue_dma source(%dma_start3A_87 : memref<16x16xf32, #tpu.memory_space<vmem_shared>>) target(%dma_start3A_84 : memref<16x16xf32, #tpu.memory_space<hbm>>) target_semaphore(%run_scoped3A_80 : memref<!tpu.dma_semaphore, #tpu.memory_space<semaphore_mem>>)
        %dma_wait3A = arith.constant 9984 : i32
        %dma_wait3A_88 = arith.constant 0 : i32
        %dma_wait3A_89 = tpu.memref_slice %arg8[%arg0, %dma_wait3A, %dma_wait3A_88] : memref<2x10000x16xf32, #tpu.memory_space<hbm>> -> memref<1x16x16xf32, #tpu.memory_space<hbm>>
        %dma_wait3A_90 = tpu.memref_squeeze %dma_wait3A_89 : memref<1x16x16xf32, #tpu.memory_space<hbm>> -> memref<16x16xf32, #tpu.memory_space<hbm>>
        %dma_wait3A_91 = arith.constant 9984 : i32
        %dma_wait3A_92 = arith.constant 0 : i32
        %dma_wait3A_93 = tpu.memref_slice %arg10[%dma_wait3A_91, %dma_wait3A_92] : memref<10000x16xf32, #tpu.memory_space<vmem_shared>> -> memref<16x16xf32, #tpu.memory_space<vmem_shared>>
        tpu.wait_dma2 semaphore(%run_scoped3A_80 : memref<!tpu.dma_semaphore, #tpu.memory_space<semaphore_mem>>) src(%dma_wait3A_93 : memref<16x16xf32, #tpu.memory_space<vmem_shared>>) dst(%dma_wait3A_90 : memref<16x16xf32, #tpu.memory_space<hbm>>)
        tpu.yield
      }) : () -> ()
    } else {
    }
    return
  }
}

#map = affine_map<(d0, d1) -> (0, 0)>
#map1 = affine_map<(d0, d1) -> (0, 0, 0)>
module attributes {stable_mosaic.version = 14 : i64} {
  func.func @body(%arg0: i32, %arg1: i32, %arg2: memref<10000x128xf32, #tpu.memory_space<hbm>>, %arg3: memref<2500x128xi32, #tpu.memory_space<hbm>>, %arg4: memref<2500x128xi32, #tpu.memory_space<hbm>>, %arg5: memref<10000x128xf32, #tpu.memory_space<hbm>>, %arg6: memref<2x10000x128xf32, #tpu.memory_space<hbm>>, %arg7: memref<10000x128xf32, #tpu.memory_space<vmem_shared>>, %arg8: memref<2x3x128xi32, #tpu.memory_space<vmem>>, %arg9: memref<2x3x128xi32, #tpu.memory_space<vmem>>, %arg10: memref<3x128x128xf32, #tpu.memory_space<vmem>>, %arg11: memref<3x!tpu.dma_semaphore, #tpu.memory_space<semaphore_mem>>, %arg12: memref<3x!tpu.dma_semaphore, #tpu.memory_space<semaphore_mem>>) attributes {dimension_semantics = [#tpu.dimension_semantics<core_parallel>, #tpu.dimension_semantics<subcore_parallel>], iteration_bounds = array<i64: 2, 16>, scalar_prefetch = 0 : i64, scratch_operands = 6 : i64, tpu.core_type = #tpu.core_type<sc_vector_subcore>, window_params = [{transform_indices = #map}, {transform_indices = #map}, {transform_indices = #map}, {transform_indices = #map}, {transform_indices = #map1}]} {
    %mul3A = arith.constant 16 : i32
    %mul3A_0 = arith.muli %arg0, %mul3A : i32
    %add3A = arith.addi %mul3A_0, %arg1 : i32
    %mul3A_1 = arith.constant 624 : i32
    %mul3A_2 = arith.muli %arg1, %mul3A_1 : i32
    "tpu.region"() ({
      %run_scoped3A_73 = tpu.sem_alloc : memref<!tpu.dma_semaphore, #tpu.memory_space<semaphore_mem>>
      %dma_start3A_74 = arith.constant 0 : i32
      %dma_start3A_75 = tpu.memref_slice %arg7[%mul3A_2, %dma_start3A_74] : memref<10000x128xf32, #tpu.memory_space<vmem_shared>> -> memref<624x128xf32, #tpu.memory_space<vmem_shared>>
      %dma_start3A_76 = arith.constant 0 : i32
      %dma_start3A_77 = tpu.memref_slice %arg5[%mul3A_2, %dma_start3A_76] : memref<10000x128xf32, #tpu.memory_space<hbm>> -> memref<624x128xf32, #tpu.memory_space<hbm>>
      tpu.enqueue_dma source(%dma_start3A_77 : memref<624x128xf32, #tpu.memory_space<hbm>>) target(%dma_start3A_75 : memref<624x128xf32, #tpu.memory_space<vmem_shared>>) target_semaphore(%run_scoped3A_73 : memref<!tpu.dma_semaphore, #tpu.memory_space<semaphore_mem>>)
      %dma_wait3A = arith.constant 0 : i32
      %dma_wait3A_78 = tpu.memref_slice %arg7[%mul3A_2, %dma_wait3A] : memref<10000x128xf32, #tpu.memory_space<vmem_shared>> -> memref<624x128xf32, #tpu.memory_space<vmem_shared>>
      %dma_wait3A_79 = arith.constant 0 : i32
      %dma_wait3A_80 = tpu.memref_slice %arg5[%mul3A_2, %dma_wait3A_79] : memref<10000x128xf32, #tpu.memory_space<hbm>> -> memref<624x128xf32, #tpu.memory_space<hbm>>
      tpu.wait_dma2 semaphore(%run_scoped3A_73 : memref<!tpu.dma_semaphore, #tpu.memory_space<semaphore_mem>>) src(%dma_wait3A_80 : memref<624x128xf32, #tpu.memory_space<hbm>>) dst(%dma_wait3A_78 : memref<624x128xf32, #tpu.memory_space<vmem_shared>>)
      tpu.yield
    }) : () -> ()
    %eq3A = arith.constant 15 : i32
    %eq3A_3 = arith.cmpi eq, %arg1, %eq3A : i32
    %convert_element_type3A = arith.extui %eq3A_3 : i1 to i32
    %cond3A = arith.constant 0 : i32
    %cond3A_4 = arith.cmpi ne, %convert_element_type3A, %cond3A : i32
    scf.if %cond3A_4 {
      "tpu.region"() ({
        %run_scoped3A_73 = tpu.sem_alloc : memref<!tpu.dma_semaphore, #tpu.memory_space<semaphore_mem>>
        %dma_start3A_74 = arith.constant 9984 : i32
        %dma_start3A_75 = arith.constant 0 : i32
        %dma_start3A_76 = tpu.memref_slice %arg7[%dma_start3A_74, %dma_start3A_75] : memref<10000x128xf32, #tpu.memory_space<vmem_shared>> -> memref<16x128xf32, #tpu.memory_space<vmem_shared>>
        %dma_start3A_77 = arith.constant 9984 : i32
        %dma_start3A_78 = arith.constant 0 : i32
        %dma_start3A_79 = tpu.memref_slice %arg5[%dma_start3A_77, %dma_start3A_78] : memref<10000x128xf32, #tpu.memory_space<hbm>> -> memref<16x128xf32, #tpu.memory_space<hbm>>
        tpu.enqueue_dma source(%dma_start3A_79 : memref<16x128xf32, #tpu.memory_space<hbm>>) target(%dma_start3A_76 : memref<16x128xf32, #tpu.memory_space<vmem_shared>>) target_semaphore(%run_scoped3A_73 : memref<!tpu.dma_semaphore, #tpu.memory_space<semaphore_mem>>)
        %dma_wait3A = arith.constant 9984 : i32
        %dma_wait3A_80 = arith.constant 0 : i32
        %dma_wait3A_81 = tpu.memref_slice %arg7[%dma_wait3A, %dma_wait3A_80] : memref<10000x128xf32, #tpu.memory_space<vmem_shared>> -> memref<16x128xf32, #tpu.memory_space<vmem_shared>>
        %dma_wait3A_82 = arith.constant 9984 : i32
        %dma_wait3A_83 = arith.constant 0 : i32
        %dma_wait3A_84 = tpu.memref_slice %arg5[%dma_wait3A_82, %dma_wait3A_83] : memref<10000x128xf32, #tpu.memory_space<hbm>> -> memref<16x128xf32, #tpu.memory_space<hbm>>
        tpu.wait_dma2 semaphore(%run_scoped3A_73 : memref<!tpu.dma_semaphore, #tpu.memory_space<semaphore_mem>>) src(%dma_wait3A_84 : memref<16x128xf32, #tpu.memory_space<hbm>>) dst(%dma_wait3A_81 : memref<16x128xf32, #tpu.memory_space<vmem_shared>>)
        tpu.yield
      }) : () -> ()
    } else {
    }
    %barrier3A = arith.constant 0 : index
    tpu.barrier barrier_id(%barrier3A)
    %lt3A = arith.constant 4 : i32
    %lt3A_5 = arith.cmpi slt, %add3A, %lt3A : i32
    %jit3A = arith.constant 1 : i32
    %jit3A_6 = arith.constant 0 : i32
    %select_n3A = arith.select %lt3A_5, %jit3A, %jit3A_6 : i32
    %add3A_7 = arith.constant 78 : i32
    %add3A_8 = arith.addi %add3A_7, %select_n3A : i32
    %mul3A_9 = arith.constant 78 : i32
    %mul3A_10 = arith.muli %add3A, %mul3A_9 : i32
    %min3A = arith.constant 4 : i32
    %min3A_11 = arith.minsi %add3A, %min3A : i32
    %add3A_12 = arith.addi %mul3A_10, %min3A_11 : i32
    %add3A_13 = arith.constant 0 : i32
    %add3A_14 = arith.addi %add3A_12, %add3A_13 : i32
    %run_scoped3A = arith.constant 0 : i32
    "tpu.region"() ({
      %run_scoped3A_73 = tpu.sem_alloc : memref<!tpu.dma_semaphore, #tpu.memory_space<semaphore_mem>>
      %dma_start3A_74 = arith.constant 0 : i32
      %dma_start3A_75 = arith.constant 0 : i32
      %dma_start3A_76 = tpu.memref_slice %arg8[%run_scoped3A, %dma_start3A_74, %dma_start3A_75] : memref<2x3x128xi32, #tpu.memory_space<vmem>> -> memref<1x3x128xi32, #tpu.memory_space<vmem>>
      %dma_start3A_77 = tpu.memref_squeeze %dma_start3A_76 : memref<1x3x128xi32, #tpu.memory_space<vmem>> -> memref<3x128xi32, #tpu.memory_space<vmem>>
      %dma_start3A_78 = arith.constant 0 : i32
      %dma_start3A_79 = tpu.memref_slice %arg3[%add3A_14, %dma_start3A_78] : memref<2500x128xi32, #tpu.memory_space<hbm>> -> memref<3x128xi32, #tpu.memory_space<hbm>>
      %dma_start3A_80 = arith.constant 0 : i32
      %dma_start3A_81 = arith.constant 0 : i32
      %dma_start3A_82 = tpu.memref_slice %arg8[%run_scoped3A, %dma_start3A_80, %dma_start3A_81] : memref<2x3x128xi32, #tpu.memory_space<vmem>> -> memref<1x3x128xi32, #tpu.memory_space<vmem>>
      %dma_start3A_83 = tpu.memref_squeeze %dma_start3A_82 : memref<1x3x128xi32, #tpu.memory_space<vmem>> -> memref<3x128xi32, #tpu.memory_space<vmem>>
      %dma_start3A_84 = arith.constant 0 : i32
      %dma_start3A_85 = tpu.memref_slice %arg3[%add3A_14, %dma_start3A_84] : memref<2500x128xi32, #tpu.memory_space<hbm>> -> memref<3x128xi32, #tpu.memory_space<hbm>>
      tpu.enqueue_dma source(%dma_start3A_85 : memref<3x128xi32, #tpu.memory_space<hbm>>) target(%dma_start3A_83 : memref<3x128xi32, #tpu.memory_space<vmem>>) target_semaphore(%run_scoped3A_73 : memref<!tpu.dma_semaphore, #tpu.memory_space<semaphore_mem>>)
      %dma_wait3A = arith.constant 0 : i32
      %dma_wait3A_86 = arith.constant 0 : i32
      %dma_wait3A_87 = tpu.memref_slice %arg8[%run_scoped3A, %dma_wait3A, %dma_wait3A_86] : memref<2x3x128xi32, #tpu.memory_space<vmem>> -> memref<1x3x128xi32, #tpu.memory_space<vmem>>
      %dma_wait3A_88 = tpu.memref_squeeze %dma_wait3A_87 : memref<1x3x128xi32, #tpu.memory_space<vmem>> -> memref<3x128xi32, #tpu.memory_space<vmem>>
      %dma_wait3A_89 = arith.constant 0 : i32
      %dma_wait3A_90 = tpu.memref_slice %arg3[%add3A_14, %dma_wait3A_89] : memref<2500x128xi32, #tpu.memory_space<hbm>> -> memref<3x128xi32, #tpu.memory_space<hbm>>
      %dma_wait3A_91 = arith.constant 0 : i32
      %dma_wait3A_92 = arith.constant 0 : i32
      %dma_wait3A_93 = tpu.memref_slice %arg8[%run_scoped3A, %dma_wait3A_91, %dma_wait3A_92] : memref<2x3x128xi32, #tpu.memory_space<vmem>> -> memref<1x3x128xi32, #tpu.memory_space<vmem>>
      %dma_wait3A_94 = tpu.memref_squeeze %dma_wait3A_93 : memref<1x3x128xi32, #tpu.memory_space<vmem>> -> memref<3x128xi32, #tpu.memory_space<vmem>>
      %dma_wait3A_95 = arith.constant 0 : i32
      %dma_wait3A_96 = tpu.memref_slice %arg3[%add3A_14, %dma_wait3A_95] : memref<2500x128xi32, #tpu.memory_space<hbm>> -> memref<3x128xi32, #tpu.memory_space<hbm>>
      tpu.wait_dma2 semaphore(%run_scoped3A_73 : memref<!tpu.dma_semaphore, #tpu.memory_space<semaphore_mem>>) src(%dma_wait3A_96 : memref<3x128xi32, #tpu.memory_space<hbm>>) dst(%dma_wait3A_94 : memref<3x128xi32, #tpu.memory_space<vmem>>)
      tpu.yield
    }) : () -> ()
    %add3A_15 = arith.constant 0 : i32
    %add3A_16 = arith.addi %add3A_12, %add3A_15 : i32
    %run_scoped3A_17 = arith.constant 0 : i32
    "tpu.region"() ({
      %run_scoped3A_73 = tpu.sem_alloc : memref<!tpu.dma_semaphore, #tpu.memory_space<semaphore_mem>>
      %dma_start3A_74 = arith.constant 0 : i32
      %dma_start3A_75 = arith.constant 0 : i32
      %dma_start3A_76 = tpu.memref_slice %arg9[%run_scoped3A_17, %dma_start3A_74, %dma_start3A_75] : memref<2x3x128xi32, #tpu.memory_space<vmem>> -> memref<1x3x128xi32, #tpu.memory_space<vmem>>
      %dma_start3A_77 = tpu.memref_squeeze %dma_start3A_76 : memref<1x3x128xi32, #tpu.memory_space<vmem>> -> memref<3x128xi32, #tpu.memory_space<vmem>>
      %dma_start3A_78 = arith.constant 0 : i32
      %dma_start3A_79 = tpu.memref_slice %arg4[%add3A_16, %dma_start3A_78] : memref<2500x128xi32, #tpu.memory_space<hbm>> -> memref<3x128xi32, #tpu.memory_space<hbm>>
      %dma_start3A_80 = arith.constant 0 : i32
      %dma_start3A_81 = arith.constant 0 : i32
      %dma_start3A_82 = tpu.memref_slice %arg9[%run_scoped3A_17, %dma_start3A_80, %dma_start3A_81] : memref<2x3x128xi32, #tpu.memory_space<vmem>> -> memref<1x3x128xi32, #tpu.memory_space<vmem>>
      %dma_start3A_83 = tpu.memref_squeeze %dma_start3A_82 : memref<1x3x128xi32, #tpu.memory_space<vmem>> -> memref<3x128xi32, #tpu.memory_space<vmem>>
      %dma_start3A_84 = arith.constant 0 : i32
      %dma_start3A_85 = tpu.memref_slice %arg4[%add3A_16, %dma_start3A_84] : memref<2500x128xi32, #tpu.memory_space<hbm>> -> memref<3x128xi32, #tpu.memory_space<hbm>>
      tpu.enqueue_dma source(%dma_start3A_85 : memref<3x128xi32, #tpu.memory_space<hbm>>) target(%dma_start3A_83 : memref<3x128xi32, #tpu.memory_space<vmem>>) target_semaphore(%run_scoped3A_73 : memref<!tpu.dma_semaphore, #tpu.memory_space<semaphore_mem>>)
      %dma_wait3A = arith.constant 0 : i32
      %dma_wait3A_86 = arith.constant 0 : i32
      %dma_wait3A_87 = tpu.memref_slice %arg9[%run_scoped3A_17, %dma_wait3A, %dma_wait3A_86] : memref<2x3x128xi32, #tpu.memory_space<vmem>> -> memref<1x3x128xi32, #tpu.memory_space<vmem>>
      %dma_wait3A_88 = tpu.memref_squeeze %dma_wait3A_87 : memref<1x3x128xi32, #tpu.memory_space<vmem>> -> memref<3x128xi32, #tpu.memory_space<vmem>>
      %dma_wait3A_89 = arith.constant 0 : i32
      %dma_wait3A_90 = tpu.memref_slice %arg4[%add3A_16, %dma_wait3A_89] : memref<2500x128xi32, #tpu.memory_space<hbm>> -> memref<3x128xi32, #tpu.memory_space<hbm>>
      %dma_wait3A_91 = arith.constant 0 : i32
      %dma_wait3A_92 = arith.constant 0 : i32
      %dma_wait3A_93 = tpu.memref_slice %arg9[%run_scoped3A_17, %dma_wait3A_91, %dma_wait3A_92] : memref<2x3x128xi32, #tpu.memory_space<vmem>> -> memref<1x3x128xi32, #tpu.memory_space<vmem>>
      %dma_wait3A_94 = tpu.memref_squeeze %dma_wait3A_93 : memref<1x3x128xi32, #tpu.memory_space<vmem>> -> memref<3x128xi32, #tpu.memory_space<vmem>>
      %dma_wait3A_95 = arith.constant 0 : i32
      %dma_wait3A_96 = tpu.memref_slice %arg4[%add3A_16, %dma_wait3A_95] : memref<2500x128xi32, #tpu.memory_space<hbm>> -> memref<3x128xi32, #tpu.memory_space<hbm>>
      tpu.wait_dma2 semaphore(%run_scoped3A_73 : memref<!tpu.dma_semaphore, #tpu.memory_space<semaphore_mem>>) src(%dma_wait3A_96 : memref<3x128xi32, #tpu.memory_space<hbm>>) dst(%dma_wait3A_94 : memref<3x128xi32, #tpu.memory_space<vmem>>)
      tpu.yield
    }) : () -> ()
    %dma_start3A = arith.constant 0 : i32
    %dma_start3A_18 = arith.constant 0 : i32
    %dma_start3A_19 = arith.constant 0 : i32
    %dma_start3A_20 = arith.constant 0 : i32
    %dma_start3A_21 = arith.constant 0 : i32
    %dma_start3A_22 = arith.constant 0 : i32
    %dma_start3A_23 = tpu.memref_slice %arg10[%dma_start3A_19, %dma_start3A_21, %dma_start3A_22] : memref<3x128x128xf32, #tpu.memory_space<vmem>> -> memref<1x128x128xf32, #tpu.memory_space<vmem>>
    %dma_start3A_24 = tpu.memref_squeeze %dma_start3A_23 : memref<1x128x128xf32, #tpu.memory_space<vmem>> -> memref<128x128xf32, #tpu.memory_space<vmem>>
    %dma_start3A_25 = arith.constant 0 : i32
    %dma_start3A_26 = tpu.memref_slice %arg8[%dma_start3A, %dma_start3A_18, %dma_start3A_25] : memref<2x3x128xi32, #tpu.memory_space<vmem>> -> memref<1x1x128xi32, #tpu.memory_space<vmem>>
    %dma_start3A_27 = tpu.memref_squeeze %dma_start3A_26 : memref<1x1x128xi32, #tpu.memory_space<vmem>> -> memref<128xi32, #tpu.memory_space<vmem>>
    %dma_start3A_28 = arith.constant 0 : i32
    %dma_start3A_29 = arith.constant 0 : i32
    %dma_start3A_30 = tpu.memref_slice %arg2[%dma_start3A_28, %dma_start3A_29] : memref<10000x128xf32, #tpu.memory_space<hbm>> -> memref<10000x128xf32, #tpu.memory_space<hbm>>
    %dma_start3A_31 = tpu.memref_slice %arg11[%dma_start3A_20] : memref<3x!tpu.dma_semaphore, #tpu.memory_space<semaphore_mem>> -> memref<1x!tpu.dma_semaphore, #tpu.memory_space<semaphore_mem>>
    %dma_start3A_32 = tpu.memref_squeeze %dma_start3A_31 : memref<1x!tpu.dma_semaphore, #tpu.memory_space<semaphore_mem>> -> memref<!tpu.dma_semaphore, #tpu.memory_space<semaphore_mem>>
    tpu.enqueue_indirect_dma source(%dma_start3A_30 : memref<10000x128xf32, #tpu.memory_space<hbm>>) target(%dma_start3A_24 : memref<128x128xf32, #tpu.memory_space<vmem>>) offsets(%dma_start3A_27 : memref<128xi32, #tpu.memory_space<vmem>>) semaphore(%dma_start3A_32 : memref<!tpu.dma_semaphore, #tpu.memory_space<semaphore_mem>>)
    %gt3A = arith.constant 1 : i32
    %gt3A_33 = arith.cmpi sgt, %add3A_8, %gt3A : i32
    %convert_element_type3A_34 = arith.extui %gt3A_33 : i1 to i32
    %cond3A_35 = arith.constant 0 : i32
    %cond3A_36 = arith.cmpi ne, %convert_element_type3A_34, %cond3A_35 : i32
    scf.if %cond3A_36 {
      %dma_start3A_73 = arith.constant 0 : i32
      %dma_start3A_74 = arith.constant 1 : i32
      %dma_start3A_75 = arith.constant 1 : i32
      %dma_start3A_76 = arith.constant 1 : i32
      %dma_start3A_77 = arith.constant 0 : i32
      %dma_start3A_78 = arith.constant 0 : i32
      %dma_start3A_79 = tpu.memref_slice %arg10[%dma_start3A_75, %dma_start3A_77, %dma_start3A_78] : memref<3x128x128xf32, #tpu.memory_space<vmem>> -> memref<1x128x128xf32, #tpu.memory_space<vmem>>
      %dma_start3A_80 = tpu.memref_squeeze %dma_start3A_79 : memref<1x128x128xf32, #tpu.memory_space<vmem>> -> memref<128x128xf32, #tpu.memory_space<vmem>>
      %dma_start3A_81 = arith.constant 0 : i32
      %dma_start3A_82 = tpu.memref_slice %arg8[%dma_start3A_73, %dma_start3A_74, %dma_start3A_81] : memref<2x3x128xi32, #tpu.memory_space<vmem>> -> memref<1x1x128xi32, #tpu.memory_space<vmem>>
      %dma_start3A_83 = tpu.memref_squeeze %dma_start3A_82 : memref<1x1x128xi32, #tpu.memory_space<vmem>> -> memref<128xi32, #tpu.memory_space<vmem>>
      %dma_start3A_84 = arith.constant 0 : i32
      %dma_start3A_85 = arith.constant 0 : i32
      %dma_start3A_86 = tpu.memref_slice %arg2[%dma_start3A_84, %dma_start3A_85] : memref<10000x128xf32, #tpu.memory_space<hbm>> -> memref<10000x128xf32, #tpu.memory_space<hbm>>
      %dma_start3A_87 = tpu.memref_slice %arg11[%dma_start3A_76] : memref<3x!tpu.dma_semaphore, #tpu.memory_space<semaphore_mem>> -> memref<1x!tpu.dma_semaphore, #tpu.memory_space<semaphore_mem>>
      %dma_start3A_88 = tpu.memref_squeeze %dma_start3A_87 : memref<1x!tpu.dma_semaphore, #tpu.memory_space<semaphore_mem>> -> memref<!tpu.dma_semaphore, #tpu.memory_space<semaphore_mem>>
      tpu.enqueue_indirect_dma source(%dma_start3A_86 : memref<10000x128xf32, #tpu.memory_space<hbm>>) target(%dma_start3A_80 : memref<128x128xf32, #tpu.memory_space<vmem>>) offsets(%dma_start3A_83 : memref<128xi32, #tpu.memory_space<vmem>>) semaphore(%dma_start3A_88 : memref<!tpu.dma_semaphore, #tpu.memory_space<semaphore_mem>>)
    } else {
    }
    %while3A = arith.constant 0 : i32
    %while3A_37 = arith.constant 0 : i32
    %while3A_38 = arith.subi %add3A_8, %while3A : i32
    %while3A_39 = arith.addi %while3A, %while3A_38 : i32
    %while3A_40 = arith.constant 1 : i32
    %while3A_41 = arith.divsi %while3A_38, %while3A_40 : i32
    %while3A_42 = arith.muli %while3A_41, %while3A_40 : i32
    %while3A_43 = arith.addi %while3A, %while3A_42 : i32
    %while3A_44 = arith.constant 1 : i32
    %while3A_45 = scf.for %while3A_73 = %while3A to %while3A_43 step %while3A_44 iter_args(%while3A_74 = %while3A_37) -> (i32)  : i32 {
      %add3A_75 = arith.constant 3 : i32
      %add3A_76 = arith.addi %while3A_73, %add3A_75 : i32
      %sub3A_77 = arith.constant 1 : i32
      %sub3A_78 = arith.subi %add3A_76, %sub3A_77 : i32
      %jit3A_79 = arith.constant 3 : i32
      %eq3A_80 = arith.constant 0 : i32
      %eq3A_81 = arith.cmpi eq, %jit3A_79, %eq3A_80 : i32
      %jit3A_82 = arith.constant 1 : i32
      %select_n3A_83 = arith.select %eq3A_81, %jit3A_82, %jit3A_79 : i32
      %rem3A = arith.remsi %sub3A_78, %select_n3A_83 : i32
      %ne3A = arith.constant 0 : i32
      %ne3A_84 = arith.cmpi ne, %rem3A, %ne3A : i32
      %lt3A_85 = arith.constant 0 : i32
      %lt3A_86 = arith.cmpi slt, %rem3A, %lt3A_85 : i32
      %lt3A_87 = arith.constant 0 : i32
      %lt3A_88 = arith.cmpi slt, %select_n3A_83, %lt3A_87 : i32
      %ne3A_89 = arith.xori %lt3A_86, %lt3A_88 : i1
      %and3A = arith.andi %ne3A_89, %ne3A_84 : i1
      %add3A_90 = arith.addi %rem3A, %select_n3A_83 : i32
      %select_n3A_91 = arith.select %and3A, %add3A_90, %rem3A : i32
      %eq3A_92 = arith.constant 0 : i32
      %eq3A_93 = arith.cmpi eq, %select_n3A_91, %eq3A_92 : i32
      %lt3A_94 = arith.cmpi slt, %sub3A_78, %add3A_8 : i32
      %and3A_95 = arith.andi %eq3A_93, %lt3A_94 : i1
      %convert_element_type3A_96 = arith.extui %and3A_95 : i1 to i32
      %cond3A_97 = arith.constant 0 : i32
      %cond3A_98 = arith.cmpi ne, %convert_element_type3A_96, %cond3A_97 : i32
      scf.if %cond3A_98 {
        %jit3A_249 = arith.constant 3 : i32
        %div3A_250 = arith.divsi %sub3A_78, %jit3A_249 : i32
        %sign3A_251 = arith.constant 0 : i32
        %sign3A_252 = arith.cmpi sgt, %sub3A_78, %sign3A_251 : i32
        %sign3A_253 = arith.extui %sign3A_252 : i1 to i32
        %sign3A_254 = arith.constant 0 : i32
        %sign3A_255 = arith.cmpi slt, %sub3A_78, %sign3A_254 : i32
        %sign3A_256 = arith.extui %sign3A_255 : i1 to i32
        %sign3A_257 = arith.subi %sign3A_253, %sign3A_256 : i32
        %sign3A_258 = arith.constant 0 : i32
        %sign3A_259 = arith.cmpi sgt, %jit3A_249, %sign3A_258 : i32
        %sign3A_260 = arith.extui %sign3A_259 : i1 to i32
        %sign3A_261 = arith.constant 0 : i32
        %sign3A_262 = arith.cmpi slt, %jit3A_249, %sign3A_261 : i32
        %sign3A_263 = arith.extui %sign3A_262 : i1 to i32
        %sign3A_264 = arith.subi %sign3A_260, %sign3A_263 : i32
        %ne3A_265 = arith.cmpi ne, %sign3A_257, %sign3A_264 : i32
        %rem3A_266 = arith.remsi %sub3A_78, %jit3A_249 : i32
        %ne3A_267 = arith.constant 0 : i32
        %ne3A_268 = arith.cmpi ne, %rem3A_266, %ne3A_267 : i32
        %and3A_269 = arith.andi %ne3A_265, %ne3A_268 : i1
        %sub3A_270 = arith.constant 1 : i32
        %sub3A_271 = arith.subi %div3A_250, %sub3A_270 : i32
        %select_n3A_272 = arith.select %and3A_269, %sub3A_271, %div3A_250 : i32
        %jit3A_273 = arith.constant 2 : i32
        %eq3A_274 = arith.constant 0 : i32
        %eq3A_275 = arith.cmpi eq, %jit3A_273, %eq3A_274 : i32
        %jit3A_276 = arith.constant 1 : i32
        %select_n3A_277 = arith.select %eq3A_275, %jit3A_276, %jit3A_273 : i32
        %rem3A_278 = arith.remsi %select_n3A_272, %select_n3A_277 : i32
        %ne3A_279 = arith.constant 0 : i32
        %ne3A_280 = arith.cmpi ne, %rem3A_278, %ne3A_279 : i32
        %lt3A_281 = arith.constant 0 : i32
        %lt3A_282 = arith.cmpi slt, %rem3A_278, %lt3A_281 : i32
        %lt3A_283 = arith.constant 0 : i32
        %lt3A_284 = arith.cmpi slt, %select_n3A_277, %lt3A_283 : i32
        %ne3A_285 = arith.xori %lt3A_282, %lt3A_284 : i1
        %and3A_286 = arith.andi %ne3A_285, %ne3A_280 : i1
        %add3A_287 = arith.addi %rem3A_278, %select_n3A_277 : i32
        %select_n3A_288 = arith.select %and3A_286, %add3A_287, %rem3A_278 : i32
        %mul3A_289 = arith.constant 3 : i32
        %mul3A_290 = arith.muli %select_n3A_272, %mul3A_289 : i32
        %add3A_291 = arith.addi %add3A_12, %mul3A_290 : i32
        "tpu.region"() ({
          %run_scoped3A_295 = tpu.sem_alloc : memref<!tpu.dma_semaphore, #tpu.memory_space<semaphore_mem>>
          %dma_start3A_296 = arith.constant 0 : i32
          %dma_start3A_297 = arith.constant 0 : i32
          %dma_start3A_298 = tpu.memref_slice %arg8[%select_n3A_288, %dma_start3A_296, %dma_start3A_297] : memref<2x3x128xi32, #tpu.memory_space<vmem>> -> memref<1x3x128xi32, #tpu.memory_space<vmem>>
          %dma_start3A_299 = tpu.memref_squeeze %dma_start3A_298 : memref<1x3x128xi32, #tpu.memory_space<vmem>> -> memref<3x128xi32, #tpu.memory_space<vmem>>
          %dma_start3A_300 = arith.constant 0 : i32
          %dma_start3A_301 = tpu.memref_slice %arg3[%add3A_291, %dma_start3A_300] : memref<2500x128xi32, #tpu.memory_space<hbm>> -> memref<3x128xi32, #tpu.memory_space<hbm>>
          %dma_start3A_302 = arith.constant 0 : i32
          %dma_start3A_303 = arith.constant 0 : i32
          %dma_start3A_304 = tpu.memref_slice %arg8[%select_n3A_288, %dma_start3A_302, %dma_start3A_303] : memref<2x3x128xi32, #tpu.memory_space<vmem>> -> memref<1x3x128xi32, #tpu.memory_space<vmem>>
          %dma_start3A_305 = tpu.memref_squeeze %dma_start3A_304 : memref<1x3x128xi32, #tpu.memory_space<vmem>> -> memref<3x128xi32, #tpu.memory_space<vmem>>
          %dma_start3A_306 = arith.constant 0 : i32
          %dma_start3A_307 = tpu.memref_slice %arg3[%add3A_291, %dma_start3A_306] : memref<2500x128xi32, #tpu.memory_space<hbm>> -> memref<3x128xi32, #tpu.memory_space<hbm>>
          tpu.enqueue_dma source(%dma_start3A_307 : memref<3x128xi32, #tpu.memory_space<hbm>>) target(%dma_start3A_305 : memref<3x128xi32, #tpu.memory_space<vmem>>) target_semaphore(%run_scoped3A_295 : memref<!tpu.dma_semaphore, #tpu.memory_space<semaphore_mem>>)
          %dma_wait3A_308 = arith.constant 0 : i32
          %dma_wait3A_309 = arith.constant 0 : i32
          %dma_wait3A_310 = tpu.memref_slice %arg8[%select_n3A_288, %dma_wait3A_308, %dma_wait3A_309] : memref<2x3x128xi32, #tpu.memory_space<vmem>> -> memref<1x3x128xi32, #tpu.memory_space<vmem>>
          %dma_wait3A_311 = tpu.memref_squeeze %dma_wait3A_310 : memref<1x3x128xi32, #tpu.memory_space<vmem>> -> memref<3x128xi32, #tpu.memory_space<vmem>>
          %dma_wait3A_312 = arith.constant 0 : i32
          %dma_wait3A_313 = tpu.memref_slice %arg3[%add3A_291, %dma_wait3A_312] : memref<2500x128xi32, #tpu.memory_space<hbm>> -> memref<3x128xi32, #tpu.memory_space<hbm>>
          %dma_wait3A_314 = arith.constant 0 : i32
          %dma_wait3A_315 = arith.constant 0 : i32
          %dma_wait3A_316 = tpu.memref_slice %arg8[%select_n3A_288, %dma_wait3A_314, %dma_wait3A_315] : memref<2x3x128xi32, #tpu.memory_space<vmem>> -> memref<1x3x128xi32, #tpu.memory_space<vmem>>
          %dma_wait3A_317 = tpu.memref_squeeze %dma_wait3A_316 : memref<1x3x128xi32, #tpu.memory_space<vmem>> -> memref<3x128xi32, #tpu.memory_space<vmem>>
          %dma_wait3A_318 = arith.constant 0 : i32
          %dma_wait3A_319 = tpu.memref_slice %arg3[%add3A_291, %dma_wait3A_318] : memref<2500x128xi32, #tpu.memory_space<hbm>> -> memref<3x128xi32, #tpu.memory_space<hbm>>
          tpu.wait_dma2 semaphore(%run_scoped3A_295 : memref<!tpu.dma_semaphore, #tpu.memory_space<semaphore_mem>>) src(%dma_wait3A_319 : memref<3x128xi32, #tpu.memory_space<hbm>>) dst(%dma_wait3A_317 : memref<3x128xi32, #tpu.memory_space<vmem>>)
          tpu.yield
        }) : () -> ()
        %mul3A_292 = arith.constant 3 : i32
        %mul3A_293 = arith.muli %select_n3A_272, %mul3A_292 : i32
        %add3A_294 = arith.addi %add3A_12, %mul3A_293 : i32
        "tpu.region"() ({
          %run_scoped3A_295 = tpu.sem_alloc : memref<!tpu.dma_semaphore, #tpu.memory_space<semaphore_mem>>
          %dma_start3A_296 = arith.constant 0 : i32
          %dma_start3A_297 = arith.constant 0 : i32
          %dma_start3A_298 = tpu.memref_slice %arg9[%select_n3A_288, %dma_start3A_296, %dma_start3A_297] : memref<2x3x128xi32, #tpu.memory_space<vmem>> -> memref<1x3x128xi32, #tpu.memory_space<vmem>>
          %dma_start3A_299 = tpu.memref_squeeze %dma_start3A_298 : memref<1x3x128xi32, #tpu.memory_space<vmem>> -> memref<3x128xi32, #tpu.memory_space<vmem>>
          %dma_start3A_300 = arith.constant 0 : i32
          %dma_start3A_301 = tpu.memref_slice %arg4[%add3A_294, %dma_start3A_300] : memref<2500x128xi32, #tpu.memory_space<hbm>> -> memref<3x128xi32, #tpu.memory_space<hbm>>
          %dma_start3A_302 = arith.constant 0 : i32
          %dma_start3A_303 = arith.constant 0 : i32
          %dma_start3A_304 = tpu.memref_slice %arg9[%select_n3A_288, %dma_start3A_302, %dma_start3A_303] : memref<2x3x128xi32, #tpu.memory_space<vmem>> -> memref<1x3x128xi32, #tpu.memory_space<vmem>>
          %dma_start3A_305 = tpu.memref_squeeze %dma_start3A_304 : memref<1x3x128xi32, #tpu.memory_space<vmem>> -> memref<3x128xi32, #tpu.memory_space<vmem>>
          %dma_start3A_306 = arith.constant 0 : i32
          %dma_start3A_307 = tpu.memref_slice %arg4[%add3A_294, %dma_start3A_306] : memref<2500x128xi32, #tpu.memory_space<hbm>> -> memref<3x128xi32, #tpu.memory_space<hbm>>
          tpu.enqueue_dma source(%dma_start3A_307 : memref<3x128xi32, #tpu.memory_space<hbm>>) target(%dma_start3A_305 : memref<3x128xi32, #tpu.memory_space<vmem>>) target_semaphore(%run_scoped3A_295 : memref<!tpu.dma_semaphore, #tpu.memory_space<semaphore_mem>>)
          %dma_wait3A_308 = arith.constant 0 : i32
          %dma_wait3A_309 = arith.constant 0 : i32
          %dma_wait3A_310 = tpu.memref_slice %arg9[%select_n3A_288, %dma_wait3A_308, %dma_wait3A_309] : memref<2x3x128xi32, #tpu.memory_space<vmem>> -> memref<1x3x128xi32, #tpu.memory_space<vmem>>
          %dma_wait3A_311 = tpu.memref_squeeze %dma_wait3A_310 : memref<1x3x128xi32, #tpu.memory_space<vmem>> -> memref<3x128xi32, #tpu.memory_space<vmem>>
          %dma_wait3A_312 = arith.constant 0 : i32
          %dma_wait3A_313 = tpu.memref_slice %arg4[%add3A_294, %dma_wait3A_312] : memref<2500x128xi32, #tpu.memory_space<hbm>> -> memref<3x128xi32, #tpu.memory_space<hbm>>
          %dma_wait3A_314 = arith.constant 0 : i32
          %dma_wait3A_315 = arith.constant 0 : i32
          %dma_wait3A_316 = tpu.memref_slice %arg9[%select_n3A_288, %dma_wait3A_314, %dma_wait3A_315] : memref<2x3x128xi32, #tpu.memory_space<vmem>> -> memref<1x3x128xi32, #tpu.memory_space<vmem>>
          %dma_wait3A_317 = tpu.memref_squeeze %dma_wait3A_316 : memref<1x3x128xi32, #tpu.memory_space<vmem>> -> memref<3x128xi32, #tpu.memory_space<vmem>>
          %dma_wait3A_318 = arith.constant 0 : i32
          %dma_wait3A_319 = tpu.memref_slice %arg4[%add3A_294, %dma_wait3A_318] : memref<2500x128xi32, #tpu.memory_space<hbm>> -> memref<3x128xi32, #tpu.memory_space<hbm>>
          tpu.wait_dma2 semaphore(%run_scoped3A_295 : memref<!tpu.dma_semaphore, #tpu.memory_space<semaphore_mem>>) src(%dma_wait3A_319 : memref<3x128xi32, #tpu.memory_space<hbm>>) dst(%dma_wait3A_317 : memref<3x128xi32, #tpu.memory_space<vmem>>)
          tpu.yield
        }) : () -> ()
      } else {
      }
      %lt3A_99 = arith.cmpi slt, %sub3A_78, %add3A_8 : i32
      %convert_element_type3A_100 = arith.extui %lt3A_99 : i1 to i32
      %cond3A_101 = arith.constant 0 : i32
      %cond3A_102 = arith.cmpi ne, %convert_element_type3A_100, %cond3A_101 : i32
      scf.if %cond3A_102 {
        %ge3A_249 = arith.constant 3 : i32
        %ge3A_250 = arith.cmpi sge, %sub3A_78, %ge3A_249 : i32
        %convert_element_type3A_251 = arith.extui %ge3A_250 : i1 to i32
        %cond3A_252 = arith.constant 0 : i32
        %cond3A_253 = arith.cmpi ne, %convert_element_type3A_251, %cond3A_252 : i32
        scf.if %cond3A_253 {
          %sub3A_354 = arith.constant 3 : i32
          %sub3A_355 = arith.subi %sub3A_78, %sub3A_354 : i32
          %jit3A_356 = arith.constant 3 : i32
          %eq3A_357 = arith.constant 0 : i32
          %eq3A_358 = arith.cmpi eq, %jit3A_356, %eq3A_357 : i32
          %jit3A_359 = arith.constant 1 : i32
          %select_n3A_360 = arith.select %eq3A_358, %jit3A_359, %jit3A_356 : i32
          %rem3A_361 = arith.remsi %sub3A_355, %select_n3A_360 : i32
          %ne3A_362 = arith.constant 0 : i32
          %ne3A_363 = arith.cmpi ne, %rem3A_361, %ne3A_362 : i32
          %lt3A_364 = arith.constant 0 : i32
          %lt3A_365 = arith.cmpi slt, %rem3A_361, %lt3A_364 : i32
          %lt3A_366 = arith.constant 0 : i32
          %lt3A_367 = arith.cmpi slt, %select_n3A_360, %lt3A_366 : i32
          %ne3A_368 = arith.xori %lt3A_365, %lt3A_367 : i1
          %and3A_369 = arith.andi %ne3A_368, %ne3A_363 : i1
          %add3A_370 = arith.addi %rem3A_361, %select_n3A_360 : i32
          %select_n3A_371 = arith.select %and3A_369, %add3A_370, %rem3A_361 : i32
          %jit3A_372 = arith.constant 3 : i32
          %eq3A_373 = arith.constant 0 : i32
          %eq3A_374 = arith.cmpi eq, %jit3A_372, %eq3A_373 : i32
          %jit3A_375 = arith.constant 1 : i32
          %select_n3A_376 = arith.select %eq3A_374, %jit3A_375, %jit3A_372 : i32
          %rem3A_377 = arith.remsi %sub3A_355, %select_n3A_376 : i32
          %ne3A_378 = arith.constant 0 : i32
          %ne3A_379 = arith.cmpi ne, %rem3A_377, %ne3A_378 : i32
          %lt3A_380 = arith.constant 0 : i32
          %lt3A_381 = arith.cmpi slt, %rem3A_377, %lt3A_380 : i32
          %lt3A_382 = arith.constant 0 : i32
          %lt3A_383 = arith.cmpi slt, %select_n3A_376, %lt3A_382 : i32
          %ne3A_384 = arith.xori %lt3A_381, %lt3A_383 : i1
          %and3A_385 = arith.andi %ne3A_384, %ne3A_379 : i1
          %add3A_386 = arith.addi %rem3A_377, %select_n3A_376 : i32
          %select_n3A_387 = arith.select %and3A_385, %add3A_386, %rem3A_377 : i32
          %dma_wait3A_388 = arith.constant 0 : i32
          %dma_wait3A_389 = arith.constant 0 : i32
          %dma_wait3A_390 = tpu.memref_slice %arg10[%select_n3A_371, %dma_wait3A_388, %dma_wait3A_389] : memref<3x128x128xf32, #tpu.memory_space<vmem>> -> memref<1x128x128xf32, #tpu.memory_space<vmem>>
          %dma_wait3A_391 = tpu.memref_squeeze %dma_wait3A_390 : memref<1x128x128xf32, #tpu.memory_space<vmem>> -> memref<128x128xf32, #tpu.memory_space<vmem>>
          %dma_wait3A_392 = arith.constant 0 : i32
          %dma_wait3A_393 = arith.constant 0 : i32
          %dma_wait3A_394 = tpu.memref_slice %arg7[%dma_wait3A_392, %dma_wait3A_393] : memref<10000x128xf32, #tpu.memory_space<vmem_shared>> -> memref<128x128xf32, #tpu.memory_space<vmem_shared>>
          %dma_wait3A_395 = tpu.memref_slice %arg12[%select_n3A_387] : memref<3x!tpu.dma_semaphore, #tpu.memory_space<semaphore_mem>> -> memref<1x!tpu.dma_semaphore, #tpu.memory_space<semaphore_mem>>
          %dma_wait3A_396 = tpu.memref_squeeze %dma_wait3A_395 : memref<1x!tpu.dma_semaphore, #tpu.memory_space<semaphore_mem>> -> memref<!tpu.dma_semaphore, #tpu.memory_space<semaphore_mem>>
          %dma_wait3A_397 = arith.constant 0 : i32
          %dma_wait3A_398 = arith.constant 0 : i32
          %dma_wait3A_399 = tpu.memref_slice %arg7[%dma_wait3A_397, %dma_wait3A_398] : memref<10000x128xf32, #tpu.memory_space<vmem_shared>> -> memref<128x128xf32, #tpu.memory_space<vmem_shared>>
          %dma_wait3A_400 = arith.constant 0 : i32
          %dma_wait3A_401 = arith.constant 0 : i32
          %dma_wait3A_402 = tpu.memref_slice %arg10[%select_n3A_371, %dma_wait3A_400, %dma_wait3A_401] : memref<3x128x128xf32, #tpu.memory_space<vmem>> -> memref<1x128x128xf32, #tpu.memory_space<vmem>>
          %dma_wait3A_403 = tpu.memref_squeeze %dma_wait3A_402 : memref<1x128x128xf32, #tpu.memory_space<vmem>> -> memref<128x128xf32, #tpu.memory_space<vmem>>
          tpu.wait_dma2 semaphore(%dma_wait3A_396 : memref<!tpu.dma_semaphore, #tpu.memory_space<semaphore_mem>>) src(%dma_wait3A_403 : memref<128x128xf32, #tpu.memory_space<vmem>>) dst(%dma_wait3A_399 : memref<128x128xf32, #tpu.memory_space<vmem_shared>>)
        } else {
        }
        %jit3A_254 = arith.constant 3 : i32
        %div3A_255 = arith.divsi %sub3A_78, %jit3A_254 : i32
        %sign3A_256 = arith.constant 0 : i32
        %sign3A_257 = arith.cmpi sgt, %sub3A_78, %sign3A_256 : i32
        %sign3A_258 = arith.extui %sign3A_257 : i1 to i32
        %sign3A_259 = arith.constant 0 : i32
        %sign3A_260 = arith.cmpi slt, %sub3A_78, %sign3A_259 : i32
        %sign3A_261 = arith.extui %sign3A_260 : i1 to i32
        %sign3A_262 = arith.subi %sign3A_258, %sign3A_261 : i32
        %sign3A_263 = arith.constant 0 : i32
        %sign3A_264 = arith.cmpi sgt, %jit3A_254, %sign3A_263 : i32
        %sign3A_265 = arith.extui %sign3A_264 : i1 to i32
        %sign3A_266 = arith.constant 0 : i32
        %sign3A_267 = arith.cmpi slt, %jit3A_254, %sign3A_266 : i32
        %sign3A_268 = arith.extui %sign3A_267 : i1 to i32
        %sign3A_269 = arith.subi %sign3A_265, %sign3A_268 : i32
        %ne3A_270 = arith.cmpi ne, %sign3A_262, %sign3A_269 : i32
        %rem3A_271 = arith.remsi %sub3A_78, %jit3A_254 : i32
        %ne3A_272 = arith.constant 0 : i32
        %ne3A_273 = arith.cmpi ne, %rem3A_271, %ne3A_272 : i32
        %and3A_274 = arith.andi %ne3A_270, %ne3A_273 : i1
        %sub3A_275 = arith.constant 1 : i32
        %sub3A_276 = arith.subi %div3A_255, %sub3A_275 : i32
        %select_n3A_277 = arith.select %and3A_274, %sub3A_276, %div3A_255 : i32
        %jit3A_278 = arith.constant 2 : i32
        %eq3A_279 = arith.constant 0 : i32
        %eq3A_280 = arith.cmpi eq, %jit3A_278, %eq3A_279 : i32
        %jit3A_281 = arith.constant 1 : i32
        %select_n3A_282 = arith.select %eq3A_280, %jit3A_281, %jit3A_278 : i32
        %rem3A_283 = arith.remsi %select_n3A_277, %select_n3A_282 : i32
        %ne3A_284 = arith.constant 0 : i32
        %ne3A_285 = arith.cmpi ne, %rem3A_283, %ne3A_284 : i32
        %lt3A_286 = arith.constant 0 : i32
        %lt3A_287 = arith.cmpi slt, %rem3A_283, %lt3A_286 : i32
        %lt3A_288 = arith.constant 0 : i32
        %lt3A_289 = arith.cmpi slt, %select_n3A_282, %lt3A_288 : i32
        %ne3A_290 = arith.xori %lt3A_287, %lt3A_289 : i1
        %and3A_291 = arith.andi %ne3A_290, %ne3A_285 : i1
        %add3A_292 = arith.addi %rem3A_283, %select_n3A_282 : i32
        %select_n3A_293 = arith.select %and3A_291, %add3A_292, %rem3A_283 : i32
        %jit3A_294 = arith.constant 3 : i32
        %eq3A_295 = arith.constant 0 : i32
        %eq3A_296 = arith.cmpi eq, %jit3A_294, %eq3A_295 : i32
        %jit3A_297 = arith.constant 1 : i32
        %select_n3A_298 = arith.select %eq3A_296, %jit3A_297, %jit3A_294 : i32
        %rem3A_299 = arith.remsi %sub3A_78, %select_n3A_298 : i32
        %ne3A_300 = arith.constant 0 : i32
        %ne3A_301 = arith.cmpi ne, %rem3A_299, %ne3A_300 : i32
        %lt3A_302 = arith.constant 0 : i32
        %lt3A_303 = arith.cmpi slt, %rem3A_299, %lt3A_302 : i32
        %lt3A_304 = arith.constant 0 : i32
        %lt3A_305 = arith.cmpi slt, %select_n3A_298, %lt3A_304 : i32
        %ne3A_306 = arith.xori %lt3A_303, %lt3A_305 : i1
        %and3A_307 = arith.andi %ne3A_306, %ne3A_301 : i1
        %add3A_308 = arith.addi %rem3A_299, %select_n3A_298 : i32
        %select_n3A_309 = arith.select %and3A_307, %add3A_308, %rem3A_299 : i32
        %jit3A_310 = arith.constant 3 : i32
        %eq3A_311 = arith.constant 0 : i32
        %eq3A_312 = arith.cmpi eq, %jit3A_310, %eq3A_311 : i32
        %jit3A_313 = arith.constant 1 : i32
        %select_n3A_314 = arith.select %eq3A_312, %jit3A_313, %jit3A_310 : i32
        %rem3A_315 = arith.remsi %sub3A_78, %select_n3A_314 : i32
        %ne3A_316 = arith.constant 0 : i32
        %ne3A_317 = arith.cmpi ne, %rem3A_315, %ne3A_316 : i32
        %lt3A_318 = arith.constant 0 : i32
        %lt3A_319 = arith.cmpi slt, %rem3A_315, %lt3A_318 : i32
        %lt3A_320 = arith.constant 0 : i32
        %lt3A_321 = arith.cmpi slt, %select_n3A_314, %lt3A_320 : i32
        %ne3A_322 = arith.xori %lt3A_319, %lt3A_321 : i1
        %and3A_323 = arith.andi %ne3A_322, %ne3A_317 : i1
        %add3A_324 = arith.addi %rem3A_315, %select_n3A_314 : i32
        %select_n3A_325 = arith.select %and3A_323, %add3A_324, %rem3A_315 : i32
        %jit3A_326 = arith.constant 3 : i32
        %eq3A_327 = arith.constant 0 : i32
        %eq3A_328 = arith.cmpi eq, %jit3A_326, %eq3A_327 : i32
        %jit3A_329 = arith.constant 1 : i32
        %select_n3A_330 = arith.select %eq3A_328, %jit3A_329, %jit3A_326 : i32
        %rem3A_331 = arith.remsi %sub3A_78, %select_n3A_330 : i32
        %ne3A_332 = arith.constant 0 : i32
        %ne3A_333 = arith.cmpi ne, %rem3A_331, %ne3A_332 : i32
        %lt3A_334 = arith.constant 0 : i32
        %lt3A_335 = arith.cmpi slt, %rem3A_331, %lt3A_334 : i32
        %lt3A_336 = arith.constant 0 : i32
        %lt3A_337 = arith.cmpi slt, %select_n3A_330, %lt3A_336 : i32
        %ne3A_338 = arith.xori %lt3A_335, %lt3A_337 : i1
        %and3A_339 = arith.andi %ne3A_338, %ne3A_333 : i1
        %add3A_340 = arith.addi %rem3A_331, %select_n3A_330 : i32
        %select_n3A_341 = arith.select %and3A_339, %add3A_340, %rem3A_331 : i32
        %dma_start3A_342 = arith.constant 0 : i32
        %dma_start3A_343 = arith.constant 0 : i32
        %dma_start3A_344 = tpu.memref_slice %arg10[%select_n3A_325, %dma_start3A_342, %dma_start3A_343] : memref<3x128x128xf32, #tpu.memory_space<vmem>> -> memref<1x128x128xf32, #tpu.memory_space<vmem>>
        %dma_start3A_345 = tpu.memref_squeeze %dma_start3A_344 : memref<1x128x128xf32, #tpu.memory_space<vmem>> -> memref<128x128xf32, #tpu.memory_space<vmem>>
        %dma_start3A_346 = arith.constant 0 : i32
        %dma_start3A_347 = tpu.memref_slice %arg8[%select_n3A_293, %select_n3A_309, %dma_start3A_346] : memref<2x3x128xi32, #tpu.memory_space<vmem>> -> memref<1x1x128xi32, #tpu.memory_space<vmem>>
        %dma_start3A_348 = tpu.memref_squeeze %dma_start3A_347 : memref<1x1x128xi32, #tpu.memory_space<vmem>> -> memref<128xi32, #tpu.memory_space<vmem>>
        %dma_start3A_349 = arith.constant 0 : i32
        %dma_start3A_350 = arith.constant 0 : i32
        %dma_start3A_351 = tpu.memref_slice %arg2[%dma_start3A_349, %dma_start3A_350] : memref<10000x128xf32, #tpu.memory_space<hbm>> -> memref<10000x128xf32, #tpu.memory_space<hbm>>
        %dma_start3A_352 = tpu.memref_slice %arg11[%select_n3A_341] : memref<3x!tpu.dma_semaphore, #tpu.memory_space<semaphore_mem>> -> memref<1x!tpu.dma_semaphore, #tpu.memory_space<semaphore_mem>>
        %dma_start3A_353 = tpu.memref_squeeze %dma_start3A_352 : memref<1x!tpu.dma_semaphore, #tpu.memory_space<semaphore_mem>> -> memref<!tpu.dma_semaphore, #tpu.memory_space<semaphore_mem>>
        tpu.enqueue_indirect_dma source(%dma_start3A_351 : memref<10000x128xf32, #tpu.memory_space<hbm>>) target(%dma_start3A_345 : memref<128x128xf32, #tpu.memory_space<vmem>>) offsets(%dma_start3A_348 : memref<128xi32, #tpu.memory_space<vmem>>) semaphore(%dma_start3A_353 : memref<!tpu.dma_semaphore, #tpu.memory_space<semaphore_mem>>)
      } else {
      }
      %jit3A_103 = arith.constant 3 : i32
      %div3A = arith.divsi %while3A_73, %jit3A_103 : i32
      %sign3A = arith.constant 0 : i32
      %sign3A_104 = arith.cmpi sgt, %while3A_73, %sign3A : i32
      %sign3A_105 = arith.extui %sign3A_104 : i1 to i32
      %sign3A_106 = arith.constant 0 : i32
      %sign3A_107 = arith.cmpi slt, %while3A_73, %sign3A_106 : i32
      %sign3A_108 = arith.extui %sign3A_107 : i1 to i32
      %sign3A_109 = arith.subi %sign3A_105, %sign3A_108 : i32
      %sign3A_110 = arith.constant 0 : i32
      %sign3A_111 = arith.cmpi sgt, %jit3A_103, %sign3A_110 : i32
      %sign3A_112 = arith.extui %sign3A_111 : i1 to i32
      %sign3A_113 = arith.constant 0 : i32
      %sign3A_114 = arith.cmpi slt, %jit3A_103, %sign3A_113 : i32
      %sign3A_115 = arith.extui %sign3A_114 : i1 to i32
      %sign3A_116 = arith.subi %sign3A_112, %sign3A_115 : i32
      %ne3A_117 = arith.cmpi ne, %sign3A_109, %sign3A_116 : i32
      %rem3A_118 = arith.remsi %while3A_73, %jit3A_103 : i32
      %ne3A_119 = arith.constant 0 : i32
      %ne3A_120 = arith.cmpi ne, %rem3A_118, %ne3A_119 : i32
      %and3A_121 = arith.andi %ne3A_117, %ne3A_120 : i1
      %sub3A_122 = arith.constant 1 : i32
      %sub3A_123 = arith.subi %div3A, %sub3A_122 : i32
      %select_n3A_124 = arith.select %and3A_121, %sub3A_123, %div3A : i32
      %jit3A_125 = arith.constant 2 : i32
      %eq3A_126 = arith.constant 0 : i32
      %eq3A_127 = arith.cmpi eq, %jit3A_125, %eq3A_126 : i32
      %jit3A_128 = arith.constant 1 : i32
      %select_n3A_129 = arith.select %eq3A_127, %jit3A_128, %jit3A_125 : i32
      %rem3A_130 = arith.remsi %select_n3A_124, %select_n3A_129 : i32
      %ne3A_131 = arith.constant 0 : i32
      %ne3A_132 = arith.cmpi ne, %rem3A_130, %ne3A_131 : i32
      %lt3A_133 = arith.constant 0 : i32
      %lt3A_134 = arith.cmpi slt, %rem3A_130, %lt3A_133 : i32
      %lt3A_135 = arith.constant 0 : i32
      %lt3A_136 = arith.cmpi slt, %select_n3A_129, %lt3A_135 : i32
      %ne3A_137 = arith.xori %lt3A_134, %lt3A_136 : i1
      %and3A_138 = arith.andi %ne3A_137, %ne3A_132 : i1
      %add3A_139 = arith.addi %rem3A_130, %select_n3A_129 : i32
      %select_n3A_140 = arith.select %and3A_138, %add3A_139, %rem3A_130 : i32
      %jit3A_141 = arith.constant 3 : i32
      %eq3A_142 = arith.constant 0 : i32
      %eq3A_143 = arith.cmpi eq, %jit3A_141, %eq3A_142 : i32
      %jit3A_144 = arith.constant 1 : i32
      %select_n3A_145 = arith.select %eq3A_143, %jit3A_144, %jit3A_141 : i32
      %rem3A_146 = arith.remsi %while3A_73, %select_n3A_145 : i32
      %ne3A_147 = arith.constant 0 : i32
      %ne3A_148 = arith.cmpi ne, %rem3A_146, %ne3A_147 : i32
      %lt3A_149 = arith.constant 0 : i32
      %lt3A_150 = arith.cmpi slt, %rem3A_146, %lt3A_149 : i32
      %lt3A_151 = arith.constant 0 : i32
      %lt3A_152 = arith.cmpi slt, %select_n3A_145, %lt3A_151 : i32
      %ne3A_153 = arith.xori %lt3A_150, %lt3A_152 : i1
      %and3A_154 = arith.andi %ne3A_153, %ne3A_148 : i1
      %add3A_155 = arith.addi %rem3A_146, %select_n3A_145 : i32
      %select_n3A_156 = arith.select %and3A_154, %add3A_155, %rem3A_146 : i32
      %jit3A_157 = arith.constant 3 : i32
      %eq3A_158 = arith.constant 0 : i32
      %eq3A_159 = arith.cmpi eq, %jit3A_157, %eq3A_158 : i32
      %jit3A_160 = arith.constant 1 : i32
      %select_n3A_161 = arith.select %eq3A_159, %jit3A_160, %jit3A_157 : i32
      %rem3A_162 = arith.remsi %while3A_73, %select_n3A_161 : i32
      %ne3A_163 = arith.constant 0 : i32
      %ne3A_164 = arith.cmpi ne, %rem3A_162, %ne3A_163 : i32
      %lt3A_165 = arith.constant 0 : i32
      %lt3A_166 = arith.cmpi slt, %rem3A_162, %lt3A_165 : i32
      %lt3A_167 = arith.constant 0 : i32
      %lt3A_168 = arith.cmpi slt, %select_n3A_161, %lt3A_167 : i32
      %ne3A_169 = arith.xori %lt3A_166, %lt3A_168 : i1
      %and3A_170 = arith.andi %ne3A_169, %ne3A_164 : i1
      %add3A_171 = arith.addi %rem3A_162, %select_n3A_161 : i32
      %select_n3A_172 = arith.select %and3A_170, %add3A_171, %rem3A_162 : i32
      %dma_wait3A = arith.constant 0 : i32
      %dma_wait3A_173 = arith.constant 0 : i32
      %dma_wait3A_174 = tpu.memref_slice %arg10[%select_n3A_156, %dma_wait3A, %dma_wait3A_173] : memref<3x128x128xf32, #tpu.memory_space<vmem>> -> memref<1x128x128xf32, #tpu.memory_space<vmem>>
      %dma_wait3A_175 = tpu.memref_squeeze %dma_wait3A_174 : memref<1x128x128xf32, #tpu.memory_space<vmem>> -> memref<128x128xf32, #tpu.memory_space<vmem>>
      %dma_wait3A_176 = arith.constant 0 : i32
      %dma_wait3A_177 = arith.constant 0 : i32
      %dma_wait3A_178 = tpu.memref_slice %arg2[%dma_wait3A_176, %dma_wait3A_177] : memref<10000x128xf32, #tpu.memory_space<hbm>> -> memref<128x128xf32, #tpu.memory_space<hbm>>
      %dma_wait3A_179 = tpu.memref_slice %arg11[%select_n3A_172] : memref<3x!tpu.dma_semaphore, #tpu.memory_space<semaphore_mem>> -> memref<1x!tpu.dma_semaphore, #tpu.memory_space<semaphore_mem>>
      %dma_wait3A_180 = tpu.memref_squeeze %dma_wait3A_179 : memref<1x!tpu.dma_semaphore, #tpu.memory_space<semaphore_mem>> -> memref<!tpu.dma_semaphore, #tpu.memory_space<semaphore_mem>>
      %dma_wait3A_181 = arith.constant 0 : i32
      %dma_wait3A_182 = arith.constant 0 : i32
      %dma_wait3A_183 = tpu.memref_slice %arg10[%select_n3A_156, %dma_wait3A_181, %dma_wait3A_182] : memref<3x128x128xf32, #tpu.memory_space<vmem>> -> memref<1x128x128xf32, #tpu.memory_space<vmem>>
      %dma_wait3A_184 = tpu.memref_squeeze %dma_wait3A_183 : memref<1x128x128xf32, #tpu.memory_space<vmem>> -> memref<128x128xf32, #tpu.memory_space<vmem>>
      %dma_wait3A_185 = arith.constant 0 : i32
      %dma_wait3A_186 = arith.constant 0 : i32
      %dma_wait3A_187 = tpu.memref_slice %arg2[%dma_wait3A_185, %dma_wait3A_186] : memref<10000x128xf32, #tpu.memory_space<hbm>> -> memref<128x128xf32, #tpu.memory_space<hbm>>
      tpu.wait_dma2 semaphore(%dma_wait3A_180 : memref<!tpu.dma_semaphore, #tpu.memory_space<semaphore_mem>>) src(%dma_wait3A_187 : memref<128x128xf32, #tpu.memory_space<hbm>>) dst(%dma_wait3A_184 : memref<128x128xf32, #tpu.memory_space<vmem>>)
      %jit3A_188 = arith.constant 3 : i32
      %eq3A_189 = arith.constant 0 : i32
      %eq3A_190 = arith.cmpi eq, %jit3A_188, %eq3A_189 : i32
      %jit3A_191 = arith.constant 1 : i32
      %select_n3A_192 = arith.select %eq3A_190, %jit3A_191, %jit3A_188 : i32
      %rem3A_193 = arith.remsi %while3A_73, %select_n3A_192 : i32
      %ne3A_194 = arith.constant 0 : i32
      %ne3A_195 = arith.cmpi ne, %rem3A_193, %ne3A_194 : i32
      %lt3A_196 = arith.constant 0 : i32
      %lt3A_197 = arith.cmpi slt, %rem3A_193, %lt3A_196 : i32
      %lt3A_198 = arith.constant 0 : i32
      %lt3A_199 = arith.cmpi slt, %select_n3A_192, %lt3A_198 : i32
      %ne3A_200 = arith.xori %lt3A_197, %lt3A_199 : i1
      %and3A_201 = arith.andi %ne3A_200, %ne3A_195 : i1
      %add3A_202 = arith.addi %rem3A_193, %select_n3A_192 : i32
      %select_n3A_203 = arith.select %and3A_201, %add3A_202, %rem3A_193 : i32
      %jit3A_204 = arith.constant 3 : i32
      %eq3A_205 = arith.constant 0 : i32
      %eq3A_206 = arith.cmpi eq, %jit3A_204, %eq3A_205 : i32
      %jit3A_207 = arith.constant 1 : i32
      %select_n3A_208 = arith.select %eq3A_206, %jit3A_207, %jit3A_204 : i32
      %rem3A_209 = arith.remsi %while3A_73, %select_n3A_208 : i32
      %ne3A_210 = arith.constant 0 : i32
      %ne3A_211 = arith.cmpi ne, %rem3A_209, %ne3A_210 : i32
      %lt3A_212 = arith.constant 0 : i32
      %lt3A_213 = arith.cmpi slt, %rem3A_209, %lt3A_212 : i32
      %lt3A_214 = arith.constant 0 : i32
      %lt3A_215 = arith.cmpi slt, %select_n3A_208, %lt3A_214 : i32
      %ne3A_216 = arith.xori %lt3A_213, %lt3A_215 : i1
      %and3A_217 = arith.andi %ne3A_216, %ne3A_211 : i1
      %add3A_218 = arith.addi %rem3A_209, %select_n3A_208 : i32
      %select_n3A_219 = arith.select %and3A_217, %add3A_218, %rem3A_209 : i32
      %jit3A_220 = arith.constant 3 : i32
      %eq3A_221 = arith.constant 0 : i32
      %eq3A_222 = arith.cmpi eq, %jit3A_220, %eq3A_221 : i32
      %jit3A_223 = arith.constant 1 : i32
      %select_n3A_224 = arith.select %eq3A_222, %jit3A_223, %jit3A_220 : i32
      %rem3A_225 = arith.remsi %while3A_73, %select_n3A_224 : i32
      %ne3A_226 = arith.constant 0 : i32
      %ne3A_227 = arith.cmpi ne, %rem3A_225, %ne3A_226 : i32
      %lt3A_228 = arith.constant 0 : i32
      %lt3A_229 = arith.cmpi slt, %rem3A_225, %lt3A_228 : i32
      %lt3A_230 = arith.constant 0 : i32
      %lt3A_231 = arith.cmpi slt, %select_n3A_224, %lt3A_230 : i32
      %ne3A_232 = arith.xori %lt3A_229, %lt3A_231 : i1
      %and3A_233 = arith.andi %ne3A_232, %ne3A_227 : i1
      %add3A_234 = arith.addi %rem3A_225, %select_n3A_224 : i32
      %select_n3A_235 = arith.select %and3A_233, %add3A_234, %rem3A_225 : i32
      %dma_start3A_236 = arith.constant 0 : i32
      %dma_start3A_237 = arith.constant 0 : i32
      %dma_start3A_238 = tpu.memref_slice %arg10[%select_n3A_203, %dma_start3A_236, %dma_start3A_237] : memref<3x128x128xf32, #tpu.memory_space<vmem>> -> memref<1x128x128xf32, #tpu.memory_space<vmem>>
      %dma_start3A_239 = tpu.memref_squeeze %dma_start3A_238 : memref<1x128x128xf32, #tpu.memory_space<vmem>> -> memref<128x128xf32, #tpu.memory_space<vmem>>
      %dma_start3A_240 = arith.constant 0 : i32
      %dma_start3A_241 = tpu.memref_slice %arg9[%select_n3A_140, %select_n3A_219, %dma_start3A_240] : memref<2x3x128xi32, #tpu.memory_space<vmem>> -> memref<1x1x128xi32, #tpu.memory_space<vmem>>
      %dma_start3A_242 = tpu.memref_squeeze %dma_start3A_241 : memref<1x1x128xi32, #tpu.memory_space<vmem>> -> memref<128xi32, #tpu.memory_space<vmem>>
      %dma_start3A_243 = arith.constant 0 : i32
      %dma_start3A_244 = arith.constant 0 : i32
      %dma_start3A_245 = tpu.memref_slice %arg7[%dma_start3A_243, %dma_start3A_244] : memref<10000x128xf32, #tpu.memory_space<vmem_shared>> -> memref<10000x128xf32, #tpu.memory_space<vmem_shared>>
      %dma_start3A_246 = tpu.memref_slice %arg12[%select_n3A_235] : memref<3x!tpu.dma_semaphore, #tpu.memory_space<semaphore_mem>> -> memref<1x!tpu.dma_semaphore, #tpu.memory_space<semaphore_mem>>
      %dma_start3A_247 = tpu.memref_squeeze %dma_start3A_246 : memref<1x!tpu.dma_semaphore, #tpu.memory_space<semaphore_mem>> -> memref<!tpu.dma_semaphore, #tpu.memory_space<semaphore_mem>>
      tpu.enqueue_indirect_dma source(%dma_start3A_239 : memref<128x128xf32, #tpu.memory_space<vmem>>) target(%dma_start3A_245 : memref<10000x128xf32, #tpu.memory_space<vmem_shared>>) offsets(%dma_start3A_242 : memref<128xi32, #tpu.memory_space<vmem>>) semaphore(%dma_start3A_247 : memref<!tpu.dma_semaphore, #tpu.memory_space<semaphore_mem>>) {add = true}
      %while3A_248 = arith.constant 0 : i32
      scf.yield %while3A_248 : i32
    }
    %while3A_46 = arith.constant 1 : i32
    %while3A_47 = scf.for %while3A_73 = %while3A_43 to %while3A_39 step %while3A_46 iter_args(%while3A_74 = %while3A_45) -> (i32)  : i32 {
      %add3A_75 = arith.constant 3 : i32
      %add3A_76 = arith.addi %while3A_73, %add3A_75 : i32
      %sub3A_77 = arith.constant 1 : i32
      %sub3A_78 = arith.subi %add3A_76, %sub3A_77 : i32
      %jit3A_79 = arith.constant 3 : i32
      %eq3A_80 = arith.constant 0 : i32
      %eq3A_81 = arith.cmpi eq, %jit3A_79, %eq3A_80 : i32
      %jit3A_82 = arith.constant 1 : i32
      %select_n3A_83 = arith.select %eq3A_81, %jit3A_82, %jit3A_79 : i32
      %rem3A = arith.remsi %sub3A_78, %select_n3A_83 : i32
      %ne3A = arith.constant 0 : i32
      %ne3A_84 = arith.cmpi ne, %rem3A, %ne3A : i32
      %lt3A_85 = arith.constant 0 : i32
      %lt3A_86 = arith.cmpi slt, %rem3A, %lt3A_85 : i32
      %lt3A_87 = arith.constant 0 : i32
      %lt3A_88 = arith.cmpi slt, %select_n3A_83, %lt3A_87 : i32
      %ne3A_89 = arith.xori %lt3A_86, %lt3A_88 : i1
      %and3A = arith.andi %ne3A_89, %ne3A_84 : i1
      %add3A_90 = arith.addi %rem3A, %select_n3A_83 : i32
      %select_n3A_91 = arith.select %and3A, %add3A_90, %rem3A : i32
      %eq3A_92 = arith.constant 0 : i32
      %eq3A_93 = arith.cmpi eq, %select_n3A_91, %eq3A_92 : i32
      %lt3A_94 = arith.cmpi slt, %sub3A_78, %add3A_8 : i32
      %and3A_95 = arith.andi %eq3A_93, %lt3A_94 : i1
      %convert_element_type3A_96 = arith.extui %and3A_95 : i1 to i32
      %cond3A_97 = arith.constant 0 : i32
      %cond3A_98 = arith.cmpi ne, %convert_element_type3A_96, %cond3A_97 : i32
      scf.if %cond3A_98 {
        %jit3A_249 = arith.constant 3 : i32
        %div3A_250 = arith.divsi %sub3A_78, %jit3A_249 : i32
        %sign3A_251 = arith.constant 0 : i32
        %sign3A_252 = arith.cmpi sgt, %sub3A_78, %sign3A_251 : i32
        %sign3A_253 = arith.extui %sign3A_252 : i1 to i32
        %sign3A_254 = arith.constant 0 : i32
        %sign3A_255 = arith.cmpi slt, %sub3A_78, %sign3A_254 : i32
        %sign3A_256 = arith.extui %sign3A_255 : i1 to i32
        %sign3A_257 = arith.subi %sign3A_253, %sign3A_256 : i32
        %sign3A_258 = arith.constant 0 : i32
        %sign3A_259 = arith.cmpi sgt, %jit3A_249, %sign3A_258 : i32
        %sign3A_260 = arith.extui %sign3A_259 : i1 to i32
        %sign3A_261 = arith.constant 0 : i32
        %sign3A_262 = arith.cmpi slt, %jit3A_249, %sign3A_261 : i32
        %sign3A_263 = arith.extui %sign3A_262 : i1 to i32
        %sign3A_264 = arith.subi %sign3A_260, %sign3A_263 : i32
        %ne3A_265 = arith.cmpi ne, %sign3A_257, %sign3A_264 : i32
        %rem3A_266 = arith.remsi %sub3A_78, %jit3A_249 : i32
        %ne3A_267 = arith.constant 0 : i32
        %ne3A_268 = arith.cmpi ne, %rem3A_266, %ne3A_267 : i32
        %and3A_269 = arith.andi %ne3A_265, %ne3A_268 : i1
        %sub3A_270 = arith.constant 1 : i32
        %sub3A_271 = arith.subi %div3A_250, %sub3A_270 : i32
        %select_n3A_272 = arith.select %and3A_269, %sub3A_271, %div3A_250 : i32
        %jit3A_273 = arith.constant 2 : i32
        %eq3A_274 = arith.constant 0 : i32
        %eq3A_275 = arith.cmpi eq, %jit3A_273, %eq3A_274 : i32
        %jit3A_276 = arith.constant 1 : i32
        %select_n3A_277 = arith.select %eq3A_275, %jit3A_276, %jit3A_273 : i32
        %rem3A_278 = arith.remsi %select_n3A_272, %select_n3A_277 : i32
        %ne3A_279 = arith.constant 0 : i32
        %ne3A_280 = arith.cmpi ne, %rem3A_278, %ne3A_279 : i32
        %lt3A_281 = arith.constant 0 : i32
        %lt3A_282 = arith.cmpi slt, %rem3A_278, %lt3A_281 : i32
        %lt3A_283 = arith.constant 0 : i32
        %lt3A_284 = arith.cmpi slt, %select_n3A_277, %lt3A_283 : i32
        %ne3A_285 = arith.xori %lt3A_282, %lt3A_284 : i1
        %and3A_286 = arith.andi %ne3A_285, %ne3A_280 : i1
        %add3A_287 = arith.addi %rem3A_278, %select_n3A_277 : i32
        %select_n3A_288 = arith.select %and3A_286, %add3A_287, %rem3A_278 : i32
        %mul3A_289 = arith.constant 3 : i32
        %mul3A_290 = arith.muli %select_n3A_272, %mul3A_289 : i32
        %add3A_291 = arith.addi %add3A_12, %mul3A_290 : i32
        "tpu.region"() ({
          %run_scoped3A_295 = tpu.sem_alloc : memref<!tpu.dma_semaphore, #tpu.memory_space<semaphore_mem>>
          %dma_start3A_296 = arith.constant 0 : i32
          %dma_start3A_297 = arith.constant 0 : i32
          %dma_start3A_298 = tpu.memref_slice %arg8[%select_n3A_288, %dma_start3A_296, %dma_start3A_297] : memref<2x3x128xi32, #tpu.memory_space<vmem>> -> memref<1x3x128xi32, #tpu.memory_space<vmem>>
          %dma_start3A_299 = tpu.memref_squeeze %dma_start3A_298 : memref<1x3x128xi32, #tpu.memory_space<vmem>> -> memref<3x128xi32, #tpu.memory_space<vmem>>
          %dma_start3A_300 = arith.constant 0 : i32
          %dma_start3A_301 = tpu.memref_slice %arg3[%add3A_291, %dma_start3A_300] : memref<2500x128xi32, #tpu.memory_space<hbm>> -> memref<3x128xi32, #tpu.memory_space<hbm>>
          %dma_start3A_302 = arith.constant 0 : i32
          %dma_start3A_303 = arith.constant 0 : i32
          %dma_start3A_304 = tpu.memref_slice %arg8[%select_n3A_288, %dma_start3A_302, %dma_start3A_303] : memref<2x3x128xi32, #tpu.memory_space<vmem>> -> memref<1x3x128xi32, #tpu.memory_space<vmem>>
          %dma_start3A_305 = tpu.memref_squeeze %dma_start3A_304 : memref<1x3x128xi32, #tpu.memory_space<vmem>> -> memref<3x128xi32, #tpu.memory_space<vmem>>
          %dma_start3A_306 = arith.constant 0 : i32
          %dma_start3A_307 = tpu.memref_slice %arg3[%add3A_291, %dma_start3A_306] : memref<2500x128xi32, #tpu.memory_space<hbm>> -> memref<3x128xi32, #tpu.memory_space<hbm>>
          tpu.enqueue_dma source(%dma_start3A_307 : memref<3x128xi32, #tpu.memory_space<hbm>>) target(%dma_start3A_305 : memref<3x128xi32, #tpu.memory_space<vmem>>) target_semaphore(%run_scoped3A_295 : memref<!tpu.dma_semaphore, #tpu.memory_space<semaphore_mem>>)
          %dma_wait3A_308 = arith.constant 0 : i32
          %dma_wait3A_309 = arith.constant 0 : i32
          %dma_wait3A_310 = tpu.memref_slice %arg8[%select_n3A_288, %dma_wait3A_308, %dma_wait3A_309] : memref<2x3x128xi32, #tpu.memory_space<vmem>> -> memref<1x3x128xi32, #tpu.memory_space<vmem>>
          %dma_wait3A_311 = tpu.memref_squeeze %dma_wait3A_310 : memref<1x3x128xi32, #tpu.memory_space<vmem>> -> memref<3x128xi32, #tpu.memory_space<vmem>>
          %dma_wait3A_312 = arith.constant 0 : i32
          %dma_wait3A_313 = tpu.memref_slice %arg3[%add3A_291, %dma_wait3A_312] : memref<2500x128xi32, #tpu.memory_space<hbm>> -> memref<3x128xi32, #tpu.memory_space<hbm>>
          %dma_wait3A_314 = arith.constant 0 : i32
          %dma_wait3A_315 = arith.constant 0 : i32
          %dma_wait3A_316 = tpu.memref_slice %arg8[%select_n3A_288, %dma_wait3A_314, %dma_wait3A_315] : memref<2x3x128xi32, #tpu.memory_space<vmem>> -> memref<1x3x128xi32, #tpu.memory_space<vmem>>
          %dma_wait3A_317 = tpu.memref_squeeze %dma_wait3A_316 : memref<1x3x128xi32, #tpu.memory_space<vmem>> -> memref<3x128xi32, #tpu.memory_space<vmem>>
          %dma_wait3A_318 = arith.constant 0 : i32
          %dma_wait3A_319 = tpu.memref_slice %arg3[%add3A_291, %dma_wait3A_318] : memref<2500x128xi32, #tpu.memory_space<hbm>> -> memref<3x128xi32, #tpu.memory_space<hbm>>
          tpu.wait_dma2 semaphore(%run_scoped3A_295 : memref<!tpu.dma_semaphore, #tpu.memory_space<semaphore_mem>>) src(%dma_wait3A_319 : memref<3x128xi32, #tpu.memory_space<hbm>>) dst(%dma_wait3A_317 : memref<3x128xi32, #tpu.memory_space<vmem>>)
          tpu.yield
        }) : () -> ()
        %mul3A_292 = arith.constant 3 : i32
        %mul3A_293 = arith.muli %select_n3A_272, %mul3A_292 : i32
        %add3A_294 = arith.addi %add3A_12, %mul3A_293 : i32
        "tpu.region"() ({
          %run_scoped3A_295 = tpu.sem_alloc : memref<!tpu.dma_semaphore, #tpu.memory_space<semaphore_mem>>
          %dma_start3A_296 = arith.constant 0 : i32
          %dma_start3A_297 = arith.constant 0 : i32
          %dma_start3A_298 = tpu.memref_slice %arg9[%select_n3A_288, %dma_start3A_296, %dma_start3A_297] : memref<2x3x128xi32, #tpu.memory_space<vmem>> -> memref<1x3x128xi32, #tpu.memory_space<vmem>>
          %dma_start3A_299 = tpu.memref_squeeze %dma_start3A_298 : memref<1x3x128xi32, #tpu.memory_space<vmem>> -> memref<3x128xi32, #tpu.memory_space<vmem>>
          %dma_start3A_300 = arith.constant 0 : i32
          %dma_start3A_301 = tpu.memref_slice %arg4[%add3A_294, %dma_start3A_300] : memref<2500x128xi32, #tpu.memory_space<hbm>> -> memref<3x128xi32, #tpu.memory_space<hbm>>
          %dma_start3A_302 = arith.constant 0 : i32
          %dma_start3A_303 = arith.constant 0 : i32
          %dma_start3A_304 = tpu.memref_slice %arg9[%select_n3A_288, %dma_start3A_302, %dma_start3A_303] : memref<2x3x128xi32, #tpu.memory_space<vmem>> -> memref<1x3x128xi32, #tpu.memory_space<vmem>>
          %dma_start3A_305 = tpu.memref_squeeze %dma_start3A_304 : memref<1x3x128xi32, #tpu.memory_space<vmem>> -> memref<3x128xi32, #tpu.memory_space<vmem>>
          %dma_start3A_306 = arith.constant 0 : i32
          %dma_start3A_307 = tpu.memref_slice %arg4[%add3A_294, %dma_start3A_306] : memref<2500x128xi32, #tpu.memory_space<hbm>> -> memref<3x128xi32, #tpu.memory_space<hbm>>
          tpu.enqueue_dma source(%dma_start3A_307 : memref<3x128xi32, #tpu.memory_space<hbm>>) target(%dma_start3A_305 : memref<3x128xi32, #tpu.memory_space<vmem>>) target_semaphore(%run_scoped3A_295 : memref<!tpu.dma_semaphore, #tpu.memory_space<semaphore_mem>>)
          %dma_wait3A_308 = arith.constant 0 : i32
          %dma_wait3A_309 = arith.constant 0 : i32
          %dma_wait3A_310 = tpu.memref_slice %arg9[%select_n3A_288, %dma_wait3A_308, %dma_wait3A_309] : memref<2x3x128xi32, #tpu.memory_space<vmem>> -> memref<1x3x128xi32, #tpu.memory_space<vmem>>
          %dma_wait3A_311 = tpu.memref_squeeze %dma_wait3A_310 : memref<1x3x128xi32, #tpu.memory_space<vmem>> -> memref<3x128xi32, #tpu.memory_space<vmem>>
          %dma_wait3A_312 = arith.constant 0 : i32
          %dma_wait3A_313 = tpu.memref_slice %arg4[%add3A_294, %dma_wait3A_312] : memref<2500x128xi32, #tpu.memory_space<hbm>> -> memref<3x128xi32, #tpu.memory_space<hbm>>
          %dma_wait3A_314 = arith.constant 0 : i32
          %dma_wait3A_315 = arith.constant 0 : i32
          %dma_wait3A_316 = tpu.memref_slice %arg9[%select_n3A_288, %dma_wait3A_314, %dma_wait3A_315] : memref<2x3x128xi32, #tpu.memory_space<vmem>> -> memref<1x3x128xi32, #tpu.memory_space<vmem>>
          %dma_wait3A_317 = tpu.memref_squeeze %dma_wait3A_316 : memref<1x3x128xi32, #tpu.memory_space<vmem>> -> memref<3x128xi32, #tpu.memory_space<vmem>>
          %dma_wait3A_318 = arith.constant 0 : i32
          %dma_wait3A_319 = tpu.memref_slice %arg4[%add3A_294, %dma_wait3A_318] : memref<2500x128xi32, #tpu.memory_space<hbm>> -> memref<3x128xi32, #tpu.memory_space<hbm>>
          tpu.wait_dma2 semaphore(%run_scoped3A_295 : memref<!tpu.dma_semaphore, #tpu.memory_space<semaphore_mem>>) src(%dma_wait3A_319 : memref<3x128xi32, #tpu.memory_space<hbm>>) dst(%dma_wait3A_317 : memref<3x128xi32, #tpu.memory_space<vmem>>)
          tpu.yield
        }) : () -> ()
      } else {
      }
      %lt3A_99 = arith.cmpi slt, %sub3A_78, %add3A_8 : i32
      %convert_element_type3A_100 = arith.extui %lt3A_99 : i1 to i32
      %cond3A_101 = arith.constant 0 : i32
      %cond3A_102 = arith.cmpi ne, %convert_element_type3A_100, %cond3A_101 : i32
      scf.if %cond3A_102 {
        %ge3A_249 = arith.constant 3 : i32
        %ge3A_250 = arith.cmpi sge, %sub3A_78, %ge3A_249 : i32
        %convert_element_type3A_251 = arith.extui %ge3A_250 : i1 to i32
        %cond3A_252 = arith.constant 0 : i32
        %cond3A_253 = arith.cmpi ne, %convert_element_type3A_251, %cond3A_252 : i32
        scf.if %cond3A_253 {
          %sub3A_354 = arith.constant 3 : i32
          %sub3A_355 = arith.subi %sub3A_78, %sub3A_354 : i32
          %jit3A_356 = arith.constant 3 : i32
          %eq3A_357 = arith.constant 0 : i32
          %eq3A_358 = arith.cmpi eq, %jit3A_356, %eq3A_357 : i32
          %jit3A_359 = arith.constant 1 : i32
          %select_n3A_360 = arith.select %eq3A_358, %jit3A_359, %jit3A_356 : i32
          %rem3A_361 = arith.remsi %sub3A_355, %select_n3A_360 : i32
          %ne3A_362 = arith.constant 0 : i32
          %ne3A_363 = arith.cmpi ne, %rem3A_361, %ne3A_362 : i32
          %lt3A_364 = arith.constant 0 : i32
          %lt3A_365 = arith.cmpi slt, %rem3A_361, %lt3A_364 : i32
          %lt3A_366 = arith.constant 0 : i32
          %lt3A_367 = arith.cmpi slt, %select_n3A_360, %lt3A_366 : i32
          %ne3A_368 = arith.xori %lt3A_365, %lt3A_367 : i1
          %and3A_369 = arith.andi %ne3A_368, %ne3A_363 : i1
          %add3A_370 = arith.addi %rem3A_361, %select_n3A_360 : i32
          %select_n3A_371 = arith.select %and3A_369, %add3A_370, %rem3A_361 : i32
          %jit3A_372 = arith.constant 3 : i32
          %eq3A_373 = arith.constant 0 : i32
          %eq3A_374 = arith.cmpi eq, %jit3A_372, %eq3A_373 : i32
          %jit3A_375 = arith.constant 1 : i32
          %select_n3A_376 = arith.select %eq3A_374, %jit3A_375, %jit3A_372 : i32
          %rem3A_377 = arith.remsi %sub3A_355, %select_n3A_376 : i32
          %ne3A_378 = arith.constant 0 : i32
          %ne3A_379 = arith.cmpi ne, %rem3A_377, %ne3A_378 : i32
          %lt3A_380 = arith.constant 0 : i32
          %lt3A_381 = arith.cmpi slt, %rem3A_377, %lt3A_380 : i32
          %lt3A_382 = arith.constant 0 : i32
          %lt3A_383 = arith.cmpi slt, %select_n3A_376, %lt3A_382 : i32
          %ne3A_384 = arith.xori %lt3A_381, %lt3A_383 : i1
          %and3A_385 = arith.andi %ne3A_384, %ne3A_379 : i1
          %add3A_386 = arith.addi %rem3A_377, %select_n3A_376 : i32
          %select_n3A_387 = arith.select %and3A_385, %add3A_386, %rem3A_377 : i32
          %dma_wait3A_388 = arith.constant 0 : i32
          %dma_wait3A_389 = arith.constant 0 : i32
          %dma_wait3A_390 = tpu.memref_slice %arg10[%select_n3A_371, %dma_wait3A_388, %dma_wait3A_389] : memref<3x128x128xf32, #tpu.memory_space<vmem>> -> memref<1x128x128xf32, #tpu.memory_space<vmem>>
          %dma_wait3A_391 = tpu.memref_squeeze %dma_wait3A_390 : memref<1x128x128xf32, #tpu.memory_space<vmem>> -> memref<128x128xf32, #tpu.memory_space<vmem>>
          %dma_wait3A_392 = arith.constant 0 : i32
          %dma_wait3A_393 = arith.constant 0 : i32
          %dma_wait3A_394 = tpu.memref_slice %arg7[%dma_wait3A_392, %dma_wait3A_393] : memref<10000x128xf32, #tpu.memory_space<vmem_shared>> -> memref<128x128xf32, #tpu.memory_space<vmem_shared>>
          %dma_wait3A_395 = tpu.memref_slice %arg12[%select_n3A_387] : memref<3x!tpu.dma_semaphore, #tpu.memory_space<semaphore_mem>> -> memref<1x!tpu.dma_semaphore, #tpu.memory_space<semaphore_mem>>
          %dma_wait3A_396 = tpu.memref_squeeze %dma_wait3A_395 : memref<1x!tpu.dma_semaphore, #tpu.memory_space<semaphore_mem>> -> memref<!tpu.dma_semaphore, #tpu.memory_space<semaphore_mem>>
          %dma_wait3A_397 = arith.constant 0 : i32
          %dma_wait3A_398 = arith.constant 0 : i32
          %dma_wait3A_399 = tpu.memref_slice %arg7[%dma_wait3A_397, %dma_wait3A_398] : memref<10000x128xf32, #tpu.memory_space<vmem_shared>> -> memref<128x128xf32, #tpu.memory_space<vmem_shared>>
          %dma_wait3A_400 = arith.constant 0 : i32
          %dma_wait3A_401 = arith.constant 0 : i32
          %dma_wait3A_402 = tpu.memref_slice %arg10[%select_n3A_371, %dma_wait3A_400, %dma_wait3A_401] : memref<3x128x128xf32, #tpu.memory_space<vmem>> -> memref<1x128x128xf32, #tpu.memory_space<vmem>>
          %dma_wait3A_403 = tpu.memref_squeeze %dma_wait3A_402 : memref<1x128x128xf32, #tpu.memory_space<vmem>> -> memref<128x128xf32, #tpu.memory_space<vmem>>
          tpu.wait_dma2 semaphore(%dma_wait3A_396 : memref<!tpu.dma_semaphore, #tpu.memory_space<semaphore_mem>>) src(%dma_wait3A_403 : memref<128x128xf32, #tpu.memory_space<vmem>>) dst(%dma_wait3A_399 : memref<128x128xf32, #tpu.memory_space<vmem_shared>>)
        } else {
        }
        %jit3A_254 = arith.constant 3 : i32
        %div3A_255 = arith.divsi %sub3A_78, %jit3A_254 : i32
        %sign3A_256 = arith.constant 0 : i32
        %sign3A_257 = arith.cmpi sgt, %sub3A_78, %sign3A_256 : i32
        %sign3A_258 = arith.extui %sign3A_257 : i1 to i32
        %sign3A_259 = arith.constant 0 : i32
        %sign3A_260 = arith.cmpi slt, %sub3A_78, %sign3A_259 : i32
        %sign3A_261 = arith.extui %sign3A_260 : i1 to i32
        %sign3A_262 = arith.subi %sign3A_258, %sign3A_261 : i32
        %sign3A_263 = arith.constant 0 : i32
        %sign3A_264 = arith.cmpi sgt, %jit3A_254, %sign3A_263 : i32
        %sign3A_265 = arith.extui %sign3A_264 : i1 to i32
        %sign3A_266 = arith.constant 0 : i32
        %sign3A_267 = arith.cmpi slt, %jit3A_254, %sign3A_266 : i32
        %sign3A_268 = arith.extui %sign3A_267 : i1 to i32
        %sign3A_269 = arith.subi %sign3A_265, %sign3A_268 : i32
        %ne3A_270 = arith.cmpi ne, %sign3A_262, %sign3A_269 : i32
        %rem3A_271 = arith.remsi %sub3A_78, %jit3A_254 : i32
        %ne3A_272 = arith.constant 0 : i32
        %ne3A_273 = arith.cmpi ne, %rem3A_271, %ne3A_272 : i32
        %and3A_274 = arith.andi %ne3A_270, %ne3A_273 : i1
        %sub3A_275 = arith.constant 1 : i32
        %sub3A_276 = arith.subi %div3A_255, %sub3A_275 : i32
        %select_n3A_277 = arith.select %and3A_274, %sub3A_276, %div3A_255 : i32
        %jit3A_278 = arith.constant 2 : i32
        %eq3A_279 = arith.constant 0 : i32
        %eq3A_280 = arith.cmpi eq, %jit3A_278, %eq3A_279 : i32
        %jit3A_281 = arith.constant 1 : i32
        %select_n3A_282 = arith.select %eq3A_280, %jit3A_281, %jit3A_278 : i32
        %rem3A_283 = arith.remsi %select_n3A_277, %select_n3A_282 : i32
        %ne3A_284 = arith.constant 0 : i32
        %ne3A_285 = arith.cmpi ne, %rem3A_283, %ne3A_284 : i32
        %lt3A_286 = arith.constant 0 : i32
        %lt3A_287 = arith.cmpi slt, %rem3A_283, %lt3A_286 : i32
        %lt3A_288 = arith.constant 0 : i32
        %lt3A_289 = arith.cmpi slt, %select_n3A_282, %lt3A_288 : i32
        %ne3A_290 = arith.xori %lt3A_287, %lt3A_289 : i1
        %and3A_291 = arith.andi %ne3A_290, %ne3A_285 : i1
        %add3A_292 = arith.addi %rem3A_283, %select_n3A_282 : i32
        %select_n3A_293 = arith.select %and3A_291, %add3A_292, %rem3A_283 : i32
        %jit3A_294 = arith.constant 3 : i32
        %eq3A_295 = arith.constant 0 : i32
        %eq3A_296 = arith.cmpi eq, %jit3A_294, %eq3A_295 : i32
        %jit3A_297 = arith.constant 1 : i32
        %select_n3A_298 = arith.select %eq3A_296, %jit3A_297, %jit3A_294 : i32
        %rem3A_299 = arith.remsi %sub3A_78, %select_n3A_298 : i32
        %ne3A_300 = arith.constant 0 : i32
        %ne3A_301 = arith.cmpi ne, %rem3A_299, %ne3A_300 : i32
        %lt3A_302 = arith.constant 0 : i32
        %lt3A_303 = arith.cmpi slt, %rem3A_299, %lt3A_302 : i32
        %lt3A_304 = arith.constant 0 : i32
        %lt3A_305 = arith.cmpi slt, %select_n3A_298, %lt3A_304 : i32
        %ne3A_306 = arith.xori %lt3A_303, %lt3A_305 : i1
        %and3A_307 = arith.andi %ne3A_306, %ne3A_301 : i1
        %add3A_308 = arith.addi %rem3A_299, %select_n3A_298 : i32
        %select_n3A_309 = arith.select %and3A_307, %add3A_308, %rem3A_299 : i32
        %jit3A_310 = arith.constant 3 : i32
        %eq3A_311 = arith.constant 0 : i32
        %eq3A_312 = arith.cmpi eq, %jit3A_310, %eq3A_311 : i32
        %jit3A_313 = arith.constant 1 : i32
        %select_n3A_314 = arith.select %eq3A_312, %jit3A_313, %jit3A_310 : i32
        %rem3A_315 = arith.remsi %sub3A_78, %select_n3A_314 : i32
        %ne3A_316 = arith.constant 0 : i32
        %ne3A_317 = arith.cmpi ne, %rem3A_315, %ne3A_316 : i32
        %lt3A_318 = arith.constant 0 : i32
        %lt3A_319 = arith.cmpi slt, %rem3A_315, %lt3A_318 : i32
        %lt3A_320 = arith.constant 0 : i32
        %lt3A_321 = arith.cmpi slt, %select_n3A_314, %lt3A_320 : i32
        %ne3A_322 = arith.xori %lt3A_319, %lt3A_321 : i1
        %and3A_323 = arith.andi %ne3A_322, %ne3A_317 : i1
        %add3A_324 = arith.addi %rem3A_315, %select_n3A_314 : i32
        %select_n3A_325 = arith.select %and3A_323, %add3A_324, %rem3A_315 : i32
        %jit3A_326 = arith.constant 3 : i32
        %eq3A_327 = arith.constant 0 : i32
        %eq3A_328 = arith.cmpi eq, %jit3A_326, %eq3A_327 : i32
        %jit3A_329 = arith.constant 1 : i32
        %select_n3A_330 = arith.select %eq3A_328, %jit3A_329, %jit3A_326 : i32
        %rem3A_331 = arith.remsi %sub3A_78, %select_n3A_330 : i32
        %ne3A_332 = arith.constant 0 : i32
        %ne3A_333 = arith.cmpi ne, %rem3A_331, %ne3A_332 : i32
        %lt3A_334 = arith.constant 0 : i32
        %lt3A_335 = arith.cmpi slt, %rem3A_331, %lt3A_334 : i32
        %lt3A_336 = arith.constant 0 : i32
        %lt3A_337 = arith.cmpi slt, %select_n3A_330, %lt3A_336 : i32
        %ne3A_338 = arith.xori %lt3A_335, %lt3A_337 : i1
        %and3A_339 = arith.andi %ne3A_338, %ne3A_333 : i1
        %add3A_340 = arith.addi %rem3A_331, %select_n3A_330 : i32
        %select_n3A_341 = arith.select %and3A_339, %add3A_340, %rem3A_331 : i32
        %dma_start3A_342 = arith.constant 0 : i32
        %dma_start3A_343 = arith.constant 0 : i32
        %dma_start3A_344 = tpu.memref_slice %arg10[%select_n3A_325, %dma_start3A_342, %dma_start3A_343] : memref<3x128x128xf32, #tpu.memory_space<vmem>> -> memref<1x128x128xf32, #tpu.memory_space<vmem>>
        %dma_start3A_345 = tpu.memref_squeeze %dma_start3A_344 : memref<1x128x128xf32, #tpu.memory_space<vmem>> -> memref<128x128xf32, #tpu.memory_space<vmem>>
        %dma_start3A_346 = arith.constant 0 : i32
        %dma_start3A_347 = tpu.memref_slice %arg8[%select_n3A_293, %select_n3A_309, %dma_start3A_346] : memref<2x3x128xi32, #tpu.memory_space<vmem>> -> memref<1x1x128xi32, #tpu.memory_space<vmem>>
        %dma_start3A_348 = tpu.memref_squeeze %dma_start3A_347 : memref<1x1x128xi32, #tpu.memory_space<vmem>> -> memref<128xi32, #tpu.memory_space<vmem>>
        %dma_start3A_349 = arith.constant 0 : i32
        %dma_start3A_350 = arith.constant 0 : i32
        %dma_start3A_351 = tpu.memref_slice %arg2[%dma_start3A_349, %dma_start3A_350] : memref<10000x128xf32, #tpu.memory_space<hbm>> -> memref<10000x128xf32, #tpu.memory_space<hbm>>
        %dma_start3A_352 = tpu.memref_slice %arg11[%select_n3A_341] : memref<3x!tpu.dma_semaphore, #tpu.memory_space<semaphore_mem>> -> memref<1x!tpu.dma_semaphore, #tpu.memory_space<semaphore_mem>>
        %dma_start3A_353 = tpu.memref_squeeze %dma_start3A_352 : memref<1x!tpu.dma_semaphore, #tpu.memory_space<semaphore_mem>> -> memref<!tpu.dma_semaphore, #tpu.memory_space<semaphore_mem>>
        tpu.enqueue_indirect_dma source(%dma_start3A_351 : memref<10000x128xf32, #tpu.memory_space<hbm>>) target(%dma_start3A_345 : memref<128x128xf32, #tpu.memory_space<vmem>>) offsets(%dma_start3A_348 : memref<128xi32, #tpu.memory_space<vmem>>) semaphore(%dma_start3A_353 : memref<!tpu.dma_semaphore, #tpu.memory_space<semaphore_mem>>)
      } else {
      }
      %jit3A_103 = arith.constant 3 : i32
      %div3A = arith.divsi %while3A_73, %jit3A_103 : i32
      %sign3A = arith.constant 0 : i32
      %sign3A_104 = arith.cmpi sgt, %while3A_73, %sign3A : i32
      %sign3A_105 = arith.extui %sign3A_104 : i1 to i32
      %sign3A_106 = arith.constant 0 : i32
      %sign3A_107 = arith.cmpi slt, %while3A_73, %sign3A_106 : i32
      %sign3A_108 = arith.extui %sign3A_107 : i1 to i32
      %sign3A_109 = arith.subi %sign3A_105, %sign3A_108 : i32
      %sign3A_110 = arith.constant 0 : i32
      %sign3A_111 = arith.cmpi sgt, %jit3A_103, %sign3A_110 : i32
      %sign3A_112 = arith.extui %sign3A_111 : i1 to i32
      %sign3A_113 = arith.constant 0 : i32
      %sign3A_114 = arith.cmpi slt, %jit3A_103, %sign3A_113 : i32
      %sign3A_115 = arith.extui %sign3A_114 : i1 to i32
      %sign3A_116 = arith.subi %sign3A_112, %sign3A_115 : i32
      %ne3A_117 = arith.cmpi ne, %sign3A_109, %sign3A_116 : i32
      %rem3A_118 = arith.remsi %while3A_73, %jit3A_103 : i32
      %ne3A_119 = arith.constant 0 : i32
      %ne3A_120 = arith.cmpi ne, %rem3A_118, %ne3A_119 : i32
      %and3A_121 = arith.andi %ne3A_117, %ne3A_120 : i1
      %sub3A_122 = arith.constant 1 : i32
      %sub3A_123 = arith.subi %div3A, %sub3A_122 : i32
      %select_n3A_124 = arith.select %and3A_121, %sub3A_123, %div3A : i32
      %jit3A_125 = arith.constant 2 : i32
      %eq3A_126 = arith.constant 0 : i32
      %eq3A_127 = arith.cmpi eq, %jit3A_125, %eq3A_126 : i32
      %jit3A_128 = arith.constant 1 : i32
      %select_n3A_129 = arith.select %eq3A_127, %jit3A_128, %jit3A_125 : i32
      %rem3A_130 = arith.remsi %select_n3A_124, %select_n3A_129 : i32
      %ne3A_131 = arith.constant 0 : i32
      %ne3A_132 = arith.cmpi ne, %rem3A_130, %ne3A_131 : i32
      %lt3A_133 = arith.constant 0 : i32
      %lt3A_134 = arith.cmpi slt, %rem3A_130, %lt3A_133 : i32
      %lt3A_135 = arith.constant 0 : i32
      %lt3A_136 = arith.cmpi slt, %select_n3A_129, %lt3A_135 : i32
      %ne3A_137 = arith.xori %lt3A_134, %lt3A_136 : i1
      %and3A_138 = arith.andi %ne3A_137, %ne3A_132 : i1
      %add3A_139 = arith.addi %rem3A_130, %select_n3A_129 : i32
      %select_n3A_140 = arith.select %and3A_138, %add3A_139, %rem3A_130 : i32
      %jit3A_141 = arith.constant 3 : i32
      %eq3A_142 = arith.constant 0 : i32
      %eq3A_143 = arith.cmpi eq, %jit3A_141, %eq3A_142 : i32
      %jit3A_144 = arith.constant 1 : i32
      %select_n3A_145 = arith.select %eq3A_143, %jit3A_144, %jit3A_141 : i32
      %rem3A_146 = arith.remsi %while3A_73, %select_n3A_145 : i32
      %ne3A_147 = arith.constant 0 : i32
      %ne3A_148 = arith.cmpi ne, %rem3A_146, %ne3A_147 : i32
      %lt3A_149 = arith.constant 0 : i32
      %lt3A_150 = arith.cmpi slt, %rem3A_146, %lt3A_149 : i32
      %lt3A_151 = arith.constant 0 : i32
      %lt3A_152 = arith.cmpi slt, %select_n3A_145, %lt3A_151 : i32
      %ne3A_153 = arith.xori %lt3A_150, %lt3A_152 : i1
      %and3A_154 = arith.andi %ne3A_153, %ne3A_148 : i1
      %add3A_155 = arith.addi %rem3A_146, %select_n3A_145 : i32
      %select_n3A_156 = arith.select %and3A_154, %add3A_155, %rem3A_146 : i32
      %jit3A_157 = arith.constant 3 : i32
      %eq3A_158 = arith.constant 0 : i32
      %eq3A_159 = arith.cmpi eq, %jit3A_157, %eq3A_158 : i32
      %jit3A_160 = arith.constant 1 : i32
      %select_n3A_161 = arith.select %eq3A_159, %jit3A_160, %jit3A_157 : i32
      %rem3A_162 = arith.remsi %while3A_73, %select_n3A_161 : i32
      %ne3A_163 = arith.constant 0 : i32
      %ne3A_164 = arith.cmpi ne, %rem3A_162, %ne3A_163 : i32
      %lt3A_165 = arith.constant 0 : i32
      %lt3A_166 = arith.cmpi slt, %rem3A_162, %lt3A_165 : i32
      %lt3A_167 = arith.constant 0 : i32
      %lt3A_168 = arith.cmpi slt, %select_n3A_161, %lt3A_167 : i32
      %ne3A_169 = arith.xori %lt3A_166, %lt3A_168 : i1
      %and3A_170 = arith.andi %ne3A_169, %ne3A_164 : i1
      %add3A_171 = arith.addi %rem3A_162, %select_n3A_161 : i32
      %select_n3A_172 = arith.select %and3A_170, %add3A_171, %rem3A_162 : i32
      %dma_wait3A = arith.constant 0 : i32
      %dma_wait3A_173 = arith.constant 0 : i32
      %dma_wait3A_174 = tpu.memref_slice %arg10[%select_n3A_156, %dma_wait3A, %dma_wait3A_173] : memref<3x128x128xf32, #tpu.memory_space<vmem>> -> memref<1x128x128xf32, #tpu.memory_space<vmem>>
      %dma_wait3A_175 = tpu.memref_squeeze %dma_wait3A_174 : memref<1x128x128xf32, #tpu.memory_space<vmem>> -> memref<128x128xf32, #tpu.memory_space<vmem>>
      %dma_wait3A_176 = arith.constant 0 : i32
      %dma_wait3A_177 = arith.constant 0 : i32
      %dma_wait3A_178 = tpu.memref_slice %arg2[%dma_wait3A_176, %dma_wait3A_177] : memref<10000x128xf32, #tpu.memory_space<hbm>> -> memref<128x128xf32, #tpu.memory_space<hbm>>
      %dma_wait3A_179 = tpu.memref_slice %arg11[%select_n3A_172] : memref<3x!tpu.dma_semaphore, #tpu.memory_space<semaphore_mem>> -> memref<1x!tpu.dma_semaphore, #tpu.memory_space<semaphore_mem>>
      %dma_wait3A_180 = tpu.memref_squeeze %dma_wait3A_179 : memref<1x!tpu.dma_semaphore, #tpu.memory_space<semaphore_mem>> -> memref<!tpu.dma_semaphore, #tpu.memory_space<semaphore_mem>>
      %dma_wait3A_181 = arith.constant 0 : i32
      %dma_wait3A_182 = arith.constant 0 : i32
      %dma_wait3A_183 = tpu.memref_slice %arg10[%select_n3A_156, %dma_wait3A_181, %dma_wait3A_182] : memref<3x128x128xf32, #tpu.memory_space<vmem>> -> memref<1x128x128xf32, #tpu.memory_space<vmem>>
      %dma_wait3A_184 = tpu.memref_squeeze %dma_wait3A_183 : memref<1x128x128xf32, #tpu.memory_space<vmem>> -> memref<128x128xf32, #tpu.memory_space<vmem>>
      %dma_wait3A_185 = arith.constant 0 : i32
      %dma_wait3A_186 = arith.constant 0 : i32
      %dma_wait3A_187 = tpu.memref_slice %arg2[%dma_wait3A_185, %dma_wait3A_186] : memref<10000x128xf32, #tpu.memory_space<hbm>> -> memref<128x128xf32, #tpu.memory_space<hbm>>
      tpu.wait_dma2 semaphore(%dma_wait3A_180 : memref<!tpu.dma_semaphore, #tpu.memory_space<semaphore_mem>>) src(%dma_wait3A_187 : memref<128x128xf32, #tpu.memory_space<hbm>>) dst(%dma_wait3A_184 : memref<128x128xf32, #tpu.memory_space<vmem>>)
      %jit3A_188 = arith.constant 3 : i32
      %eq3A_189 = arith.constant 0 : i32
      %eq3A_190 = arith.cmpi eq, %jit3A_188, %eq3A_189 : i32
      %jit3A_191 = arith.constant 1 : i32
      %select_n3A_192 = arith.select %eq3A_190, %jit3A_191, %jit3A_188 : i32
      %rem3A_193 = arith.remsi %while3A_73, %select_n3A_192 : i32
      %ne3A_194 = arith.constant 0 : i32
      %ne3A_195 = arith.cmpi ne, %rem3A_193, %ne3A_194 : i32
      %lt3A_196 = arith.constant 0 : i32
      %lt3A_197 = arith.cmpi slt, %rem3A_193, %lt3A_196 : i32
      %lt3A_198 = arith.constant 0 : i32
      %lt3A_199 = arith.cmpi slt, %select_n3A_192, %lt3A_198 : i32
      %ne3A_200 = arith.xori %lt3A_197, %lt3A_199 : i1
      %and3A_201 = arith.andi %ne3A_200, %ne3A_195 : i1
      %add3A_202 = arith.addi %rem3A_193, %select_n3A_192 : i32
      %select_n3A_203 = arith.select %and3A_201, %add3A_202, %rem3A_193 : i32
      %jit3A_204 = arith.constant 3 : i32
      %eq3A_205 = arith.constant 0 : i32
      %eq3A_206 = arith.cmpi eq, %jit3A_204, %eq3A_205 : i32
      %jit3A_207 = arith.constant 1 : i32
      %select_n3A_208 = arith.select %eq3A_206, %jit3A_207, %jit3A_204 : i32
      %rem3A_209 = arith.remsi %while3A_73, %select_n3A_208 : i32
      %ne3A_210 = arith.constant 0 : i32
      %ne3A_211 = arith.cmpi ne, %rem3A_209, %ne3A_210 : i32
      %lt3A_212 = arith.constant 0 : i32
      %lt3A_213 = arith.cmpi slt, %rem3A_209, %lt3A_212 : i32
      %lt3A_214 = arith.constant 0 : i32
      %lt3A_215 = arith.cmpi slt, %select_n3A_208, %lt3A_214 : i32
      %ne3A_216 = arith.xori %lt3A_213, %lt3A_215 : i1
      %and3A_217 = arith.andi %ne3A_216, %ne3A_211 : i1
      %add3A_218 = arith.addi %rem3A_209, %select_n3A_208 : i32
      %select_n3A_219 = arith.select %and3A_217, %add3A_218, %rem3A_209 : i32
      %jit3A_220 = arith.constant 3 : i32
      %eq3A_221 = arith.constant 0 : i32
      %eq3A_222 = arith.cmpi eq, %jit3A_220, %eq3A_221 : i32
      %jit3A_223 = arith.constant 1 : i32
      %select_n3A_224 = arith.select %eq3A_222, %jit3A_223, %jit3A_220 : i32
      %rem3A_225 = arith.remsi %while3A_73, %select_n3A_224 : i32
      %ne3A_226 = arith.constant 0 : i32
      %ne3A_227 = arith.cmpi ne, %rem3A_225, %ne3A_226 : i32
      %lt3A_228 = arith.constant 0 : i32
      %lt3A_229 = arith.cmpi slt, %rem3A_225, %lt3A_228 : i32
      %lt3A_230 = arith.constant 0 : i32
      %lt3A_231 = arith.cmpi slt, %select_n3A_224, %lt3A_230 : i32
      %ne3A_232 = arith.xori %lt3A_229, %lt3A_231 : i1
      %and3A_233 = arith.andi %ne3A_232, %ne3A_227 : i1
      %add3A_234 = arith.addi %rem3A_225, %select_n3A_224 : i32
      %select_n3A_235 = arith.select %and3A_233, %add3A_234, %rem3A_225 : i32
      %dma_start3A_236 = arith.constant 0 : i32
      %dma_start3A_237 = arith.constant 0 : i32
      %dma_start3A_238 = tpu.memref_slice %arg10[%select_n3A_203, %dma_start3A_236, %dma_start3A_237] : memref<3x128x128xf32, #tpu.memory_space<vmem>> -> memref<1x128x128xf32, #tpu.memory_space<vmem>>
      %dma_start3A_239 = tpu.memref_squeeze %dma_start3A_238 : memref<1x128x128xf32, #tpu.memory_space<vmem>> -> memref<128x128xf32, #tpu.memory_space<vmem>>
      %dma_start3A_240 = arith.constant 0 : i32
      %dma_start3A_241 = tpu.memref_slice %arg9[%select_n3A_140, %select_n3A_219, %dma_start3A_240] : memref<2x3x128xi32, #tpu.memory_space<vmem>> -> memref<1x1x128xi32, #tpu.memory_space<vmem>>
      %dma_start3A_242 = tpu.memref_squeeze %dma_start3A_241 : memref<1x1x128xi32, #tpu.memory_space<vmem>> -> memref<128xi32, #tpu.memory_space<vmem>>
      %dma_start3A_243 = arith.constant 0 : i32
      %dma_start3A_244 = arith.constant 0 : i32
      %dma_start3A_245 = tpu.memref_slice %arg7[%dma_start3A_243, %dma_start3A_244] : memref<10000x128xf32, #tpu.memory_space<vmem_shared>> -> memref<10000x128xf32, #tpu.memory_space<vmem_shared>>
      %dma_start3A_246 = tpu.memref_slice %arg12[%select_n3A_235] : memref<3x!tpu.dma_semaphore, #tpu.memory_space<semaphore_mem>> -> memref<1x!tpu.dma_semaphore, #tpu.memory_space<semaphore_mem>>
      %dma_start3A_247 = tpu.memref_squeeze %dma_start3A_246 : memref<1x!tpu.dma_semaphore, #tpu.memory_space<semaphore_mem>> -> memref<!tpu.dma_semaphore, #tpu.memory_space<semaphore_mem>>
      tpu.enqueue_indirect_dma source(%dma_start3A_239 : memref<128x128xf32, #tpu.memory_space<vmem>>) target(%dma_start3A_245 : memref<10000x128xf32, #tpu.memory_space<vmem_shared>>) offsets(%dma_start3A_242 : memref<128xi32, #tpu.memory_space<vmem>>) semaphore(%dma_start3A_247 : memref<!tpu.dma_semaphore, #tpu.memory_space<semaphore_mem>>) {add = true}
      %while3A_248 = arith.constant 0 : i32
      scf.yield %while3A_248 : i32
    }
    %sub3A = arith.constant 1 : i32
    %sub3A_48 = arith.subi %add3A_8, %sub3A : i32
    %ge3A = arith.constant 0 : i32
    %ge3A_49 = arith.cmpi sge, %sub3A_48, %ge3A : i32
    %convert_element_type3A_50 = arith.extui %ge3A_49 : i1 to i32
    %cond3A_51 = arith.constant 0 : i32
    %cond3A_52 = arith.cmpi ne, %convert_element_type3A_50, %cond3A_51 : i32
    scf.if %cond3A_52 {
      %sub3A_73 = arith.constant 1 : i32
      %sub3A_74 = arith.subi %add3A_8, %sub3A_73 : i32
      %jit3A_75 = arith.constant 3 : i32
      %eq3A_76 = arith.constant 0 : i32
      %eq3A_77 = arith.cmpi eq, %jit3A_75, %eq3A_76 : i32
      %jit3A_78 = arith.constant 1 : i32
      %select_n3A_79 = arith.select %eq3A_77, %jit3A_78, %jit3A_75 : i32
      %rem3A = arith.remsi %sub3A_74, %select_n3A_79 : i32
      %ne3A = arith.constant 0 : i32
      %ne3A_80 = arith.cmpi ne, %rem3A, %ne3A : i32
      %lt3A_81 = arith.constant 0 : i32
      %lt3A_82 = arith.cmpi slt, %rem3A, %lt3A_81 : i32
      %lt3A_83 = arith.constant 0 : i32
      %lt3A_84 = arith.cmpi slt, %select_n3A_79, %lt3A_83 : i32
      %ne3A_85 = arith.xori %lt3A_82, %lt3A_84 : i1
      %and3A = arith.andi %ne3A_85, %ne3A_80 : i1
      %add3A_86 = arith.addi %rem3A, %select_n3A_79 : i32
      %select_n3A_87 = arith.select %and3A, %add3A_86, %rem3A : i32
      %jit3A_88 = arith.constant 3 : i32
      %eq3A_89 = arith.constant 0 : i32
      %eq3A_90 = arith.cmpi eq, %jit3A_88, %eq3A_89 : i32
      %jit3A_91 = arith.constant 1 : i32
      %select_n3A_92 = arith.select %eq3A_90, %jit3A_91, %jit3A_88 : i32
      %rem3A_93 = arith.remsi %sub3A_74, %select_n3A_92 : i32
      %ne3A_94 = arith.constant 0 : i32
      %ne3A_95 = arith.cmpi ne, %rem3A_93, %ne3A_94 : i32
      %lt3A_96 = arith.constant 0 : i32
      %lt3A_97 = arith.cmpi slt, %rem3A_93, %lt3A_96 : i32
      %lt3A_98 = arith.constant 0 : i32
      %lt3A_99 = arith.cmpi slt, %select_n3A_92, %lt3A_98 : i32
      %ne3A_100 = arith.xori %lt3A_97, %lt3A_99 : i1
      %and3A_101 = arith.andi %ne3A_100, %ne3A_95 : i1
      %add3A_102 = arith.addi %rem3A_93, %select_n3A_92 : i32
      %select_n3A_103 = arith.select %and3A_101, %add3A_102, %rem3A_93 : i32
      %dma_wait3A = arith.constant 0 : i32
      %dma_wait3A_104 = arith.constant 0 : i32
      %dma_wait3A_105 = tpu.memref_slice %arg10[%select_n3A_87, %dma_wait3A, %dma_wait3A_104] : memref<3x128x128xf32, #tpu.memory_space<vmem>> -> memref<1x128x128xf32, #tpu.memory_space<vmem>>
      %dma_wait3A_106 = tpu.memref_squeeze %dma_wait3A_105 : memref<1x128x128xf32, #tpu.memory_space<vmem>> -> memref<128x128xf32, #tpu.memory_space<vmem>>
      %dma_wait3A_107 = arith.constant 0 : i32
      %dma_wait3A_108 = arith.constant 0 : i32
      %dma_wait3A_109 = tpu.memref_slice %arg7[%dma_wait3A_107, %dma_wait3A_108] : memref<10000x128xf32, #tpu.memory_space<vmem_shared>> -> memref<128x128xf32, #tpu.memory_space<vmem_shared>>
      %dma_wait3A_110 = tpu.memref_slice %arg12[%select_n3A_103] : memref<3x!tpu.dma_semaphore, #tpu.memory_space<semaphore_mem>> -> memref<1x!tpu.dma_semaphore, #tpu.memory_space<semaphore_mem>>
      %dma_wait3A_111 = tpu.memref_squeeze %dma_wait3A_110 : memref<1x!tpu.dma_semaphore, #tpu.memory_space<semaphore_mem>> -> memref<!tpu.dma_semaphore, #tpu.memory_space<semaphore_mem>>
      %dma_wait3A_112 = arith.constant 0 : i32
      %dma_wait3A_113 = arith.constant 0 : i32
      %dma_wait3A_114 = tpu.memref_slice %arg7[%dma_wait3A_112, %dma_wait3A_113] : memref<10000x128xf32, #tpu.memory_space<vmem_shared>> -> memref<128x128xf32, #tpu.memory_space<vmem_shared>>
      %dma_wait3A_115 = arith.constant 0 : i32
      %dma_wait3A_116 = arith.constant 0 : i32
      %dma_wait3A_117 = tpu.memref_slice %arg10[%select_n3A_87, %dma_wait3A_115, %dma_wait3A_116] : memref<3x128x128xf32, #tpu.memory_space<vmem>> -> memref<1x128x128xf32, #tpu.memory_space<vmem>>
      %dma_wait3A_118 = tpu.memref_squeeze %dma_wait3A_117 : memref<1x128x128xf32, #tpu.memory_space<vmem>> -> memref<128x128xf32, #tpu.memory_space<vmem>>
      tpu.wait_dma2 semaphore(%dma_wait3A_111 : memref<!tpu.dma_semaphore, #tpu.memory_space<semaphore_mem>>) src(%dma_wait3A_118 : memref<128x128xf32, #tpu.memory_space<vmem>>) dst(%dma_wait3A_114 : memref<128x128xf32, #tpu.memory_space<vmem_shared>>)
    } else {
    }
    %sub3A_53 = arith.constant 2 : i32
    %sub3A_54 = arith.subi %add3A_8, %sub3A_53 : i32
    %ge3A_55 = arith.constant 0 : i32
    %ge3A_56 = arith.cmpi sge, %sub3A_54, %ge3A_55 : i32
    %convert_element_type3A_57 = arith.extui %ge3A_56 : i1 to i32
    %cond3A_58 = arith.constant 0 : i32
    %cond3A_59 = arith.cmpi ne, %convert_element_type3A_57, %cond3A_58 : i32
    scf.if %cond3A_59 {
      %sub3A_73 = arith.constant 2 : i32
      %sub3A_74 = arith.subi %add3A_8, %sub3A_73 : i32
      %jit3A_75 = arith.constant 3 : i32
      %eq3A_76 = arith.constant 0 : i32
      %eq3A_77 = arith.cmpi eq, %jit3A_75, %eq3A_76 : i32
      %jit3A_78 = arith.constant 1 : i32
      %select_n3A_79 = arith.select %eq3A_77, %jit3A_78, %jit3A_75 : i32
      %rem3A = arith.remsi %sub3A_74, %select_n3A_79 : i32
      %ne3A = arith.constant 0 : i32
      %ne3A_80 = arith.cmpi ne, %rem3A, %ne3A : i32
      %lt3A_81 = arith.constant 0 : i32
      %lt3A_82 = arith.cmpi slt, %rem3A, %lt3A_81 : i32
      %lt3A_83 = arith.constant 0 : i32
      %lt3A_84 = arith.cmpi slt, %select_n3A_79, %lt3A_83 : i32
      %ne3A_85 = arith.xori %lt3A_82, %lt3A_84 : i1
      %and3A = arith.andi %ne3A_85, %ne3A_80 : i1
      %add3A_86 = arith.addi %rem3A, %select_n3A_79 : i32
      %select_n3A_87 = arith.select %and3A, %add3A_86, %rem3A : i32
      %jit3A_88 = arith.constant 3 : i32
      %eq3A_89 = arith.constant 0 : i32
      %eq3A_90 = arith.cmpi eq, %jit3A_88, %eq3A_89 : i32
      %jit3A_91 = arith.constant 1 : i32
      %select_n3A_92 = arith.select %eq3A_90, %jit3A_91, %jit3A_88 : i32
      %rem3A_93 = arith.remsi %sub3A_74, %select_n3A_92 : i32
      %ne3A_94 = arith.constant 0 : i32
      %ne3A_95 = arith.cmpi ne, %rem3A_93, %ne3A_94 : i32
      %lt3A_96 = arith.constant 0 : i32
      %lt3A_97 = arith.cmpi slt, %rem3A_93, %lt3A_96 : i32
      %lt3A_98 = arith.constant 0 : i32
      %lt3A_99 = arith.cmpi slt, %select_n3A_92, %lt3A_98 : i32
      %ne3A_100 = arith.xori %lt3A_97, %lt3A_99 : i1
      %and3A_101 = arith.andi %ne3A_100, %ne3A_95 : i1
      %add3A_102 = arith.addi %rem3A_93, %select_n3A_92 : i32
      %select_n3A_103 = arith.select %and3A_101, %add3A_102, %rem3A_93 : i32
      %dma_wait3A = arith.constant 0 : i32
      %dma_wait3A_104 = arith.constant 0 : i32
      %dma_wait3A_105 = tpu.memref_slice %arg10[%select_n3A_87, %dma_wait3A, %dma_wait3A_104] : memref<3x128x128xf32, #tpu.memory_space<vmem>> -> memref<1x128x128xf32, #tpu.memory_space<vmem>>
      %dma_wait3A_106 = tpu.memref_squeeze %dma_wait3A_105 : memref<1x128x128xf32, #tpu.memory_space<vmem>> -> memref<128x128xf32, #tpu.memory_space<vmem>>
      %dma_wait3A_107 = arith.constant 0 : i32
      %dma_wait3A_108 = arith.constant 0 : i32
      %dma_wait3A_109 = tpu.memref_slice %arg7[%dma_wait3A_107, %dma_wait3A_108] : memref<10000x128xf32, #tpu.memory_space<vmem_shared>> -> memref<128x128xf32, #tpu.memory_space<vmem_shared>>
      %dma_wait3A_110 = tpu.memref_slice %arg12[%select_n3A_103] : memref<3x!tpu.dma_semaphore, #tpu.memory_space<semaphore_mem>> -> memref<1x!tpu.dma_semaphore, #tpu.memory_space<semaphore_mem>>
      %dma_wait3A_111 = tpu.memref_squeeze %dma_wait3A_110 : memref<1x!tpu.dma_semaphore, #tpu.memory_space<semaphore_mem>> -> memref<!tpu.dma_semaphore, #tpu.memory_space<semaphore_mem>>
      %dma_wait3A_112 = arith.constant 0 : i32
      %dma_wait3A_113 = arith.constant 0 : i32
      %dma_wait3A_114 = tpu.memref_slice %arg7[%dma_wait3A_112, %dma_wait3A_113] : memref<10000x128xf32, #tpu.memory_space<vmem_shared>> -> memref<128x128xf32, #tpu.memory_space<vmem_shared>>
      %dma_wait3A_115 = arith.constant 0 : i32
      %dma_wait3A_116 = arith.constant 0 : i32
      %dma_wait3A_117 = tpu.memref_slice %arg10[%select_n3A_87, %dma_wait3A_115, %dma_wait3A_116] : memref<3x128x128xf32, #tpu.memory_space<vmem>> -> memref<1x128x128xf32, #tpu.memory_space<vmem>>
      %dma_wait3A_118 = tpu.memref_squeeze %dma_wait3A_117 : memref<1x128x128xf32, #tpu.memory_space<vmem>> -> memref<128x128xf32, #tpu.memory_space<vmem>>
      tpu.wait_dma2 semaphore(%dma_wait3A_111 : memref<!tpu.dma_semaphore, #tpu.memory_space<semaphore_mem>>) src(%dma_wait3A_118 : memref<128x128xf32, #tpu.memory_space<vmem>>) dst(%dma_wait3A_114 : memref<128x128xf32, #tpu.memory_space<vmem_shared>>)
    } else {
    }
    %sub3A_60 = arith.constant 3 : i32
    %sub3A_61 = arith.subi %add3A_8, %sub3A_60 : i32
    %ge3A_62 = arith.constant 0 : i32
    %ge3A_63 = arith.cmpi sge, %sub3A_61, %ge3A_62 : i32
    %convert_element_type3A_64 = arith.extui %ge3A_63 : i1 to i32
    %cond3A_65 = arith.constant 0 : i32
    %cond3A_66 = arith.cmpi ne, %convert_element_type3A_64, %cond3A_65 : i32
    scf.if %cond3A_66 {
      %sub3A_73 = arith.constant 3 : i32
      %sub3A_74 = arith.subi %add3A_8, %sub3A_73 : i32
      %jit3A_75 = arith.constant 3 : i32
      %eq3A_76 = arith.constant 0 : i32
      %eq3A_77 = arith.cmpi eq, %jit3A_75, %eq3A_76 : i32
      %jit3A_78 = arith.constant 1 : i32
      %select_n3A_79 = arith.select %eq3A_77, %jit3A_78, %jit3A_75 : i32
      %rem3A = arith.remsi %sub3A_74, %select_n3A_79 : i32
      %ne3A = arith.constant 0 : i32
      %ne3A_80 = arith.cmpi ne, %rem3A, %ne3A : i32
      %lt3A_81 = arith.constant 0 : i32
      %lt3A_82 = arith.cmpi slt, %rem3A, %lt3A_81 : i32
      %lt3A_83 = arith.constant 0 : i32
      %lt3A_84 = arith.cmpi slt, %select_n3A_79, %lt3A_83 : i32
      %ne3A_85 = arith.xori %lt3A_82, %lt3A_84 : i1
      %and3A = arith.andi %ne3A_85, %ne3A_80 : i1
      %add3A_86 = arith.addi %rem3A, %select_n3A_79 : i32
      %select_n3A_87 = arith.select %and3A, %add3A_86, %rem3A : i32
      %jit3A_88 = arith.constant 3 : i32
      %eq3A_89 = arith.constant 0 : i32
      %eq3A_90 = arith.cmpi eq, %jit3A_88, %eq3A_89 : i32
      %jit3A_91 = arith.constant 1 : i32
      %select_n3A_92 = arith.select %eq3A_90, %jit3A_91, %jit3A_88 : i32
      %rem3A_93 = arith.remsi %sub3A_74, %select_n3A_92 : i32
      %ne3A_94 = arith.constant 0 : i32
      %ne3A_95 = arith.cmpi ne, %rem3A_93, %ne3A_94 : i32
      %lt3A_96 = arith.constant 0 : i32
      %lt3A_97 = arith.cmpi slt, %rem3A_93, %lt3A_96 : i32
      %lt3A_98 = arith.constant 0 : i32
      %lt3A_99 = arith.cmpi slt, %select_n3A_92, %lt3A_98 : i32
      %ne3A_100 = arith.xori %lt3A_97, %lt3A_99 : i1
      %and3A_101 = arith.andi %ne3A_100, %ne3A_95 : i1
      %add3A_102 = arith.addi %rem3A_93, %select_n3A_92 : i32
      %select_n3A_103 = arith.select %and3A_101, %add3A_102, %rem3A_93 : i32
      %dma_wait3A = arith.constant 0 : i32
      %dma_wait3A_104 = arith.constant 0 : i32
      %dma_wait3A_105 = tpu.memref_slice %arg10[%select_n3A_87, %dma_wait3A, %dma_wait3A_104] : memref<3x128x128xf32, #tpu.memory_space<vmem>> -> memref<1x128x128xf32, #tpu.memory_space<vmem>>
      %dma_wait3A_106 = tpu.memref_squeeze %dma_wait3A_105 : memref<1x128x128xf32, #tpu.memory_space<vmem>> -> memref<128x128xf32, #tpu.memory_space<vmem>>
      %dma_wait3A_107 = arith.constant 0 : i32
      %dma_wait3A_108 = arith.constant 0 : i32
      %dma_wait3A_109 = tpu.memref_slice %arg7[%dma_wait3A_107, %dma_wait3A_108] : memref<10000x128xf32, #tpu.memory_space<vmem_shared>> -> memref<128x128xf32, #tpu.memory_space<vmem_shared>>
      %dma_wait3A_110 = tpu.memref_slice %arg12[%select_n3A_103] : memref<3x!tpu.dma_semaphore, #tpu.memory_space<semaphore_mem>> -> memref<1x!tpu.dma_semaphore, #tpu.memory_space<semaphore_mem>>
      %dma_wait3A_111 = tpu.memref_squeeze %dma_wait3A_110 : memref<1x!tpu.dma_semaphore, #tpu.memory_space<semaphore_mem>> -> memref<!tpu.dma_semaphore, #tpu.memory_space<semaphore_mem>>
      %dma_wait3A_112 = arith.constant 0 : i32
      %dma_wait3A_113 = arith.constant 0 : i32
      %dma_wait3A_114 = tpu.memref_slice %arg7[%dma_wait3A_112, %dma_wait3A_113] : memref<10000x128xf32, #tpu.memory_space<vmem_shared>> -> memref<128x128xf32, #tpu.memory_space<vmem_shared>>
      %dma_wait3A_115 = arith.constant 0 : i32
      %dma_wait3A_116 = arith.constant 0 : i32
      %dma_wait3A_117 = tpu.memref_slice %arg10[%select_n3A_87, %dma_wait3A_115, %dma_wait3A_116] : memref<3x128x128xf32, #tpu.memory_space<vmem>> -> memref<1x128x128xf32, #tpu.memory_space<vmem>>
      %dma_wait3A_118 = tpu.memref_squeeze %dma_wait3A_117 : memref<1x128x128xf32, #tpu.memory_space<vmem>> -> memref<128x128xf32, #tpu.memory_space<vmem>>
      tpu.wait_dma2 semaphore(%dma_wait3A_111 : memref<!tpu.dma_semaphore, #tpu.memory_space<semaphore_mem>>) src(%dma_wait3A_118 : memref<128x128xf32, #tpu.memory_space<vmem>>) dst(%dma_wait3A_114 : memref<128x128xf32, #tpu.memory_space<vmem_shared>>)
    } else {
    }
    %barrier3A_67 = arith.constant 0 : index
    tpu.barrier barrier_id(%barrier3A_67)
    "tpu.region"() ({
      %run_scoped3A_73 = tpu.sem_alloc : memref<!tpu.dma_semaphore, #tpu.memory_space<semaphore_mem>>
      %dma_start3A_74 = arith.constant 0 : i32
      %dma_start3A_75 = tpu.memref_slice %arg6[%arg0, %mul3A_2, %dma_start3A_74] : memref<2x10000x128xf32, #tpu.memory_space<hbm>> -> memref<1x624x128xf32, #tpu.memory_space<hbm>>
      %dma_start3A_76 = tpu.memref_squeeze %dma_start3A_75 : memref<1x624x128xf32, #tpu.memory_space<hbm>> -> memref<624x128xf32, #tpu.memory_space<hbm>>
      %dma_start3A_77 = arith.constant 0 : i32
      %dma_start3A_78 = tpu.memref_slice %arg7[%mul3A_2, %dma_start3A_77] : memref<10000x128xf32, #tpu.memory_space<vmem_shared>> -> memref<624x128xf32, #tpu.memory_space<vmem_shared>>
      tpu.enqueue_dma source(%dma_start3A_78 : memref<624x128xf32, #tpu.memory_space<vmem_shared>>) target(%dma_start3A_76 : memref<624x128xf32, #tpu.memory_space<hbm>>) target_semaphore(%run_scoped3A_73 : memref<!tpu.dma_semaphore, #tpu.memory_space<semaphore_mem>>)
      %dma_wait3A = arith.constant 0 : i32
      %dma_wait3A_79 = tpu.memref_slice %arg6[%arg0, %mul3A_2, %dma_wait3A] : memref<2x10000x128xf32, #tpu.memory_space<hbm>> -> memref<1x624x128xf32, #tpu.memory_space<hbm>>
      %dma_wait3A_80 = tpu.memref_squeeze %dma_wait3A_79 : memref<1x624x128xf32, #tpu.memory_space<hbm>> -> memref<624x128xf32, #tpu.memory_space<hbm>>
      %dma_wait3A_81 = arith.constant 0 : i32
      %dma_wait3A_82 = tpu.memref_slice %arg7[%mul3A_2, %dma_wait3A_81] : memref<10000x128xf32, #tpu.memory_space<vmem_shared>> -> memref<624x128xf32, #tpu.memory_space<vmem_shared>>
      tpu.wait_dma2 semaphore(%run_scoped3A_73 : memref<!tpu.dma_semaphore, #tpu.memory_space<semaphore_mem>>) src(%dma_wait3A_82 : memref<624x128xf32, #tpu.memory_space<vmem_shared>>) dst(%dma_wait3A_80 : memref<624x128xf32, #tpu.memory_space<hbm>>)
      tpu.yield
    }) : () -> ()
    %eq3A_68 = arith.constant 15 : i32
    %eq3A_69 = arith.cmpi eq, %arg1, %eq3A_68 : i32
    %convert_element_type3A_70 = arith.extui %eq3A_69 : i1 to i32
    %cond3A_71 = arith.constant 0 : i32
    %cond3A_72 = arith.cmpi ne, %convert_element_type3A_70, %cond3A_71 : i32
    scf.if %cond3A_72 {
      "tpu.region"() ({
        %run_scoped3A_73 = tpu.sem_alloc : memref<!tpu.dma_semaphore, #tpu.memory_space<semaphore_mem>>
        %dma_start3A_74 = arith.constant 9984 : i32
        %dma_start3A_75 = arith.constant 0 : i32
        %dma_start3A_76 = tpu.memref_slice %arg6[%arg0, %dma_start3A_74, %dma_start3A_75] : memref<2x10000x128xf32, #tpu.memory_space<hbm>> -> memref<1x16x128xf32, #tpu.memory_space<hbm>>
        %dma_start3A_77 = tpu.memref_squeeze %dma_start3A_76 : memref<1x16x128xf32, #tpu.memory_space<hbm>> -> memref<16x128xf32, #tpu.memory_space<hbm>>
        %dma_start3A_78 = arith.constant 9984 : i32
        %dma_start3A_79 = arith.constant 0 : i32
        %dma_start3A_80 = tpu.memref_slice %arg7[%dma_start3A_78, %dma_start3A_79] : memref<10000x128xf32, #tpu.memory_space<vmem_shared>> -> memref<16x128xf32, #tpu.memory_space<vmem_shared>>
        tpu.enqueue_dma source(%dma_start3A_80 : memref<16x128xf32, #tpu.memory_space<vmem_shared>>) target(%dma_start3A_77 : memref<16x128xf32, #tpu.memory_space<hbm>>) target_semaphore(%run_scoped3A_73 : memref<!tpu.dma_semaphore, #tpu.memory_space<semaphore_mem>>)
        %dma_wait3A = arith.constant 9984 : i32
        %dma_wait3A_81 = arith.constant 0 : i32
        %dma_wait3A_82 = tpu.memref_slice %arg6[%arg0, %dma_wait3A, %dma_wait3A_81] : memref<2x10000x128xf32, #tpu.memory_space<hbm>> -> memref<1x16x128xf32, #tpu.memory_space<hbm>>
        %dma_wait3A_83 = tpu.memref_squeeze %dma_wait3A_82 : memref<1x16x128xf32, #tpu.memory_space<hbm>> -> memref<16x128xf32, #tpu.memory_space<hbm>>
        %dma_wait3A_84 = arith.constant 9984 : i32
        %dma_wait3A_85 = arith.constant 0 : i32
        %dma_wait3A_86 = tpu.memref_slice %arg7[%dma_wait3A_84, %dma_wait3A_85] : memref<10000x128xf32, #tpu.memory_space<vmem_shared>> -> memref<16x128xf32, #tpu.memory_space<vmem_shared>>
        tpu.wait_dma2 semaphore(%run_scoped3A_73 : memref<!tpu.dma_semaphore, #tpu.memory_space<semaphore_mem>>) src(%dma_wait3A_86 : memref<16x128xf32, #tpu.memory_space<vmem_shared>>) dst(%dma_wait3A_83 : memref<16x128xf32, #tpu.memory_space<hbm>>)
        tpu.yield
      }) : () -> ()
    } else {
    }
    return
  }
}

module attributes {stable_mosaic.version = 14 : i64} {
  func.func @_tc_xr_body(%arg0: i32, %arg1: memref<1000x128xf32, #tpu.memory_space<vmem>>, %arg2: memref<128x128xf32, #tpu.memory_space<vmem>>, %arg3: memref<1000x128xf32, #tpu.memory_space<vmem>>) attributes {dimension_semantics = [#tpu.dimension_semantics<arbitrary>], iteration_bounds = array<i64: 10>, scalar_prefetch = 0 : i64, scratch_operands = 0 : i64, tpu.core_type = #tpu.core_type<tc>, window_params = [{transform_indices = @transform_0, window_bounds = array<i64: 1000, 128>}, {pipeline_mode = #tpu.pipeline_mode<synchronous>, transform_indices = @transform_1, window_bounds = array<i64: 128, 128>}, {transform_indices = @transform_2, window_bounds = array<i64: 1000, 128>}]} {
    %get3A = arith.constant 0 : index
    %get3A_0 = arith.constant 0 : index
    %get3A_1 = vector.load %arg1[%get3A, %get3A_0] : memref<1000x128xf32, #tpu.memory_space<vmem>>, vector<1000x128xf32>
    %get3A_2 = arith.constant 0 : index
    %get3A_3 = arith.constant 0 : index
    %get3A_4 = vector.load %arg2[%get3A_2, %get3A_3] : memref<128x128xf32, #tpu.memory_space<vmem>>, vector<128x128xf32>
    %dot_general3A = arith.constant dense<0.000000e+00> : vector<1000x128xf32>
    %dot_general3A_5 = tpu.matmul %get3A_1, %get3A_4, %dot_general3A {dimension_numbers = #tpu.dot_dimension_numbers<[1], [1], [0], [0], [0, 0, 1, 0], [], []>, transpose_lhs_hint = false} : vector<1000x128xf32>, vector<128x128xf32>, vector<1000x128xf32> -> vector<1000x128xf32>
    %swap3A = arith.constant 0 : index
    %swap3A_6 = arith.constant 0 : index
    %swap3A_7 = vector.load %arg3[%swap3A, %swap3A_6] : memref<1000x128xf32, #tpu.memory_space<vmem>>, vector<1000x128xf32>
    tpu.vector_store %arg3[%swap3A, %swap3A_6], %dot_general3A_5 {strides = array<i32>} : memref<1000x128xf32, #tpu.memory_space<vmem>>, vector<1000x128xf32>,
    return
  }
  func.func @transform_0(%arg0: i32) -> (i32, i32) {
    %c0_i32 = arith.constant 0 : i32
    %c0_i32_0 = arith.constant 0 : i32
    return %arg0, %c0_i32 : i32, i32
  }
  func.func @transform_1(%arg0: i32) -> (i32, i32) {
    %c0_i32 = arith.constant 0 : i32
    %c0_i32_0 = arith.constant 0 : i32
    %c0_i32_1 = arith.constant 0 : i32
    return %c0_i32, %c0_i32_0 : i32, i32
  }
  func.func @transform_2(%arg0: i32) -> (i32, i32) {
    %c0_i32 = arith.constant 0 : i32
    %c0_i32_0 = arith.constant 0 : i32
    return %arg0, %c0_i32 : i32, i32
  }
}

module attributes {stable_mosaic.version = 14 : i64} {
  func.func @_tc_layer_body(%arg0: i32, %arg1: memref<2x1000x128xf32, #tpu.memory_space<vmem>>, %arg2: memref<2x1000x16xf32, #tpu.memory_space<vmem>>, %arg3: memref<1000x128xf32, #tpu.memory_space<vmem>>, %arg4: memref<128x128xf32, #tpu.memory_space<vmem>>, %arg5: memref<1x128xf32, #tpu.memory_space<vmem>>, %arg6: memref<1000x128xf32, #tpu.memory_space<vmem>>) attributes {dimension_semantics = [#tpu.dimension_semantics<arbitrary>], iteration_bounds = array<i64: 10>, scalar_prefetch = 0 : i64, scratch_operands = 0 : i64, tpu.core_type = #tpu.core_type<tc>, window_params = [{transform_indices = @transform_0, window_bounds = array<i64: 2, 1000, 128>}, {transform_indices = @transform_1, window_bounds = array<i64: 2, 1000, 16>}, {transform_indices = @transform_2, window_bounds = array<i64: 1000, 128>}, {pipeline_mode = #tpu.pipeline_mode<synchronous>, transform_indices = @transform_3, window_bounds = array<i64: 128, 128>}, {pipeline_mode = #tpu.pipeline_mode<synchronous>, transform_indices = @transform_4, window_bounds = array<i64: 1, 128>}, {transform_indices = @transform_5, window_bounds = array<i64: 1000, 128>}]} {
    %get3A = arith.constant 0 : index
    %get3A_0 = arith.constant 0 : index
    %get3A_1 = arith.constant 0 : index
    %get3A_2 = vector.load %arg1[%get3A, %get3A_0, %get3A_1] : memref<2x1000x128xf32, #tpu.memory_space<vmem>>, vector<1x1000x128xf32>
    %get3A_3 = vector.shape_cast %get3A_2 : vector<1x1000x128xf32> to vector<1000x128xf32>
    %get3A_4 = arith.constant 1 : index
    %get3A_5 = arith.constant 0 : index
    %get3A_6 = arith.constant 0 : index
    %get3A_7 = vector.load %arg1[%get3A_4, %get3A_5, %get3A_6] : memref<2x1000x128xf32, #tpu.memory_space<vmem>>, vector<1x1000x128xf32>
    %get3A_8 = vector.shape_cast %get3A_7 : vector<1x1000x128xf32> to vector<1000x128xf32>
    %add3A = arith.addf %get3A_3, %get3A_8 : vector<1000x128xf32>
    %get3A_9 = arith.constant 0 : index
    %get3A_10 = arith.constant 0 : index
    %get3A_11 = arith.constant 0 : index
    %get3A_12 = vector.load %arg2[%get3A_9, %get3A_10, %get3A_11] : memref<2x1000x16xf32, #tpu.memory_space<vmem>>, vector<1x1000x1xf32>
    %get3A_13 = vector.shape_cast %get3A_12 : vector<1x1000x1xf32> to vector<1000x1xf32>
    %get3A_14 = arith.constant 1 : index
    %get3A_15 = arith.constant 0 : index
    %get3A_16 = arith.constant 0 : index
    %get3A_17 = vector.load %arg2[%get3A_14, %get3A_15, %get3A_16] : memref<2x1000x16xf32, #tpu.memory_space<vmem>>, vector<1x1000x1xf32>
    %get3A_18 = vector.shape_cast %get3A_17 : vector<1x1000x1xf32> to vector<1000x1xf32>
    %add3A_19 = arith.addf %get3A_13, %get3A_18 : vector<1000x1xf32>
    %max3A = arith.constant 1.000000e+00 : f32
    %max3A_20 = vector.broadcast %max3A : f32 to vector<1000x1xf32>
    %max3A_21 = arith.maximumf %add3A_19, %max3A_20 : vector<1000x1xf32>
    %div3A = vector.broadcast %max3A_21 : vector<1000x1xf32> to vector<1000x128xf32>
    %div3A_22 = arith.divf %add3A, %div3A : vector<1000x128xf32>
    %get3A_23 = arith.constant 0 : index
    %get3A_24 = arith.constant 0 : index
    %get3A_25 = vector.load %arg4[%get3A_23, %get3A_24] : memref<128x128xf32, #tpu.memory_space<vmem>>, vector<128x128xf32>
    %dot_general3A = arith.constant dense<0.000000e+00> : vector<1000x128xf32>
    %dot_general3A_26 = tpu.matmul %div3A_22, %get3A_25, %dot_general3A {dimension_numbers = #tpu.dot_dimension_numbers<[1], [1], [0], [0], [0, 0, 1, 0], [], []>, transpose_lhs_hint = false} : vector<1000x128xf32>, vector<128x128xf32>, vector<1000x128xf32> -> vector<1000x128xf32>
    %get3A_27 = arith.constant 0 : index
    %get3A_28 = arith.constant 0 : index
    %get3A_29 = vector.load %arg5[%get3A_27, %get3A_28] : memref<1x128xf32, #tpu.memory_space<vmem>>, vector<1x128xf32>
    %add3A_30 = vector.broadcast %get3A_29 : vector<1x128xf32> to vector<1000x128xf32>
    %add3A_31 = arith.addf %dot_general3A_26, %add3A_30 : vector<1000x128xf32>
    %get3A_32 = arith.constant 0 : index
    %get3A_33 = arith.constant 0 : index
    %get3A_34 = vector.load %arg3[%get3A_32, %get3A_33] : memref<1000x128xf32, #tpu.memory_space<vmem>>, vector<1000x128xf32>
    %add3A_35 = arith.addf %add3A_31, %get3A_34 : vector<1000x128xf32>
    %gt3A = arith.constant 0.000000e+00 : f32
    %gt3A_36 = vector.broadcast %gt3A : f32 to vector<1000x128xf32>
    %gt3A_37 = arith.cmpf ogt, %add3A_35, %gt3A_36 : vector<1000x128xf32>
    %min3A = arith.constant 0.000000e+00 : f32
    %min3A_38 = vector.broadcast %min3A : f32 to vector<1000x128xf32>
    %min3A_39 = arith.minimumf %add3A_35, %min3A_38 : vector<1000x128xf32>
    %exp3A = math.exp %min3A_39 : vector<1000x128xf32>
    %sub3A = arith.constant 1.000000e+00 : f32
    %sub3A_40 = vector.broadcast %sub3A : f32 to vector<1000x128xf32>
    %sub3A_41 = arith.subf %exp3A, %sub3A_40 : vector<1000x128xf32>
    %select_n3A = arith.select %gt3A_37, %add3A_35, %sub3A_41 : vector<1000x128xi1>, vector<1000x128xf32>
    %swap3A = arith.constant 0 : index
    %swap3A_42 = arith.constant 0 : index
    %swap3A_43 = vector.load %arg6[%swap3A, %swap3A_42] : memref<1000x128xf32, #tpu.memory_space<vmem>>, vector<1000x128xf32>
    tpu.vector_store %arg6[%swap3A, %swap3A_42], %select_n3A {strides = array<i32>} : memref<1000x128xf32, #tpu.memory_space<vmem>>, vector<1000x128xf32>,
    return
  }
  func.func @transform_0(%arg0: i32) -> (i32, i32, i32) {
    %c0_i32 = arith.constant 0 : i32
    %c0_i32_0 = arith.constant 0 : i32
    %c0_i32_1 = arith.constant 0 : i32
    return %c0_i32, %arg0, %c0_i32_0 : i32, i32, i32
  }
  func.func @transform_1(%arg0: i32) -> (i32, i32, i32) {
    %c0_i32 = arith.constant 0 : i32
    %c0_i32_0 = arith.constant 0 : i32
    %c0_i32_1 = arith.constant 0 : i32
    return %c0_i32, %arg0, %c0_i32_0 : i32, i32, i32
  }
  func.func @transform_2(%arg0: i32) -> (i32, i32) {
    %c0_i32 = arith.constant 0 : i32
    %c0_i32_0 = arith.constant 0 : i32
    return %arg0, %c0_i32 : i32, i32
  }
  func.func @transform_3(%arg0: i32) -> (i32, i32) {
    %c0_i32 = arith.constant 0 : i32
    %c0_i32_0 = arith.constant 0 : i32
    %c0_i32_1 = arith.constant 0 : i32
    return %c0_i32, %c0_i32_0 : i32, i32
  }
  func.func @transform_4(%arg0: i32) -> (i32, i32) {
    %c0_i32 = arith.constant 0 : i32
    %c0_i32_0 = arith.constant 0 : i32
    %c0_i32_1 = arith.constant 0 : i32
    return %c0_i32, %c0_i32_0 : i32, i32
  }
  func.func @transform_5(%arg0: i32) -> (i32, i32) {
    %c0_i32 = arith.constant 0 : i32
    %c0_i32_0 = arith.constant 0 : i32
    return %arg0, %c0_i32 : i32, i32
  }
}

module attributes {stable_mosaic.version = 14 : i64} {
  func.func @_tc_layer_body(%arg0: i32, %arg1: memref<2x1000x128xf32, #tpu.memory_space<vmem>>, %arg2: memref<2x1000x16xf32, #tpu.memory_space<vmem>>, %arg3: memref<1000x128xf32, #tpu.memory_space<vmem>>, %arg4: memref<128x128xf32, #tpu.memory_space<vmem>>, %arg5: memref<1x128xf32, #tpu.memory_space<vmem>>, %arg6: memref<1000x128xf32, #tpu.memory_space<vmem>>) attributes {dimension_semantics = [#tpu.dimension_semantics<arbitrary>], iteration_bounds = array<i64: 10>, scalar_prefetch = 0 : i64, scratch_operands = 0 : i64, tpu.core_type = #tpu.core_type<tc>, window_params = [{transform_indices = @transform_0, window_bounds = array<i64: 2, 1000, 128>}, {transform_indices = @transform_1, window_bounds = array<i64: 2, 1000, 16>}, {transform_indices = @transform_2, window_bounds = array<i64: 1000, 128>}, {pipeline_mode = #tpu.pipeline_mode<synchronous>, transform_indices = @transform_3, window_bounds = array<i64: 128, 128>}, {pipeline_mode = #tpu.pipeline_mode<synchronous>, transform_indices = @transform_4, window_bounds = array<i64: 1, 128>}, {transform_indices = @transform_5, window_bounds = array<i64: 1000, 128>}]} {
    %get3A = arith.constant 0 : index
    %get3A_0 = arith.constant 0 : index
    %get3A_1 = arith.constant 0 : index
    %get3A_2 = vector.load %arg1[%get3A, %get3A_0, %get3A_1] : memref<2x1000x128xf32, #tpu.memory_space<vmem>>, vector<1x1000x128xf32>
    %get3A_3 = vector.shape_cast %get3A_2 : vector<1x1000x128xf32> to vector<1000x128xf32>
    %get3A_4 = arith.constant 1 : index
    %get3A_5 = arith.constant 0 : index
    %get3A_6 = arith.constant 0 : index
    %get3A_7 = vector.load %arg1[%get3A_4, %get3A_5, %get3A_6] : memref<2x1000x128xf32, #tpu.memory_space<vmem>>, vector<1x1000x128xf32>
    %get3A_8 = vector.shape_cast %get3A_7 : vector<1x1000x128xf32> to vector<1000x128xf32>
    %add3A = arith.addf %get3A_3, %get3A_8 : vector<1000x128xf32>
    %get3A_9 = arith.constant 0 : index
    %get3A_10 = arith.constant 0 : index
    %get3A_11 = arith.constant 0 : index
    %get3A_12 = vector.load %arg2[%get3A_9, %get3A_10, %get3A_11] : memref<2x1000x16xf32, #tpu.memory_space<vmem>>, vector<1x1000x1xf32>
    %get3A_13 = vector.shape_cast %get3A_12 : vector<1x1000x1xf32> to vector<1000x1xf32>
    %get3A_14 = arith.constant 1 : index
    %get3A_15 = arith.constant 0 : index
    %get3A_16 = arith.constant 0 : index
    %get3A_17 = vector.load %arg2[%get3A_14, %get3A_15, %get3A_16] : memref<2x1000x16xf32, #tpu.memory_space<vmem>>, vector<1x1000x1xf32>
    %get3A_18 = vector.shape_cast %get3A_17 : vector<1x1000x1xf32> to vector<1000x1xf32>
    %add3A_19 = arith.addf %get3A_13, %get3A_18 : vector<1000x1xf32>
    %max3A = arith.constant 1.000000e+00 : f32
    %max3A_20 = vector.broadcast %max3A : f32 to vector<1000x1xf32>
    %max3A_21 = arith.maximumf %add3A_19, %max3A_20 : vector<1000x1xf32>
    %div3A = vector.broadcast %max3A_21 : vector<1000x1xf32> to vector<1000x128xf32>
    %div3A_22 = arith.divf %add3A, %div3A : vector<1000x128xf32>
    %get3A_23 = arith.constant 0 : index
    %get3A_24 = arith.constant 0 : index
    %get3A_25 = vector.load %arg4[%get3A_23, %get3A_24] : memref<128x128xf32, #tpu.memory_space<vmem>>, vector<128x128xf32>
    %dot_general3A = arith.constant dense<0.000000e+00> : vector<1000x128xf32>
    %dot_general3A_26 = tpu.matmul %div3A_22, %get3A_25, %dot_general3A {dimension_numbers = #tpu.dot_dimension_numbers<[1], [1], [0], [0], [0, 0, 1, 0], [], []>, transpose_lhs_hint = false} : vector<1000x128xf32>, vector<128x128xf32>, vector<1000x128xf32> -> vector<1000x128xf32>
    %get3A_27 = arith.constant 0 : index
    %get3A_28 = arith.constant 0 : index
    %get3A_29 = vector.load %arg5[%get3A_27, %get3A_28] : memref<1x128xf32, #tpu.memory_space<vmem>>, vector<1x128xf32>
    %add3A_30 = vector.broadcast %get3A_29 : vector<1x128xf32> to vector<1000x128xf32>
    %add3A_31 = arith.addf %dot_general3A_26, %add3A_30 : vector<1000x128xf32>
    %get3A_32 = arith.constant 0 : index
    %get3A_33 = arith.constant 0 : index
    %get3A_34 = vector.load %arg3[%get3A_32, %get3A_33] : memref<1000x128xf32, #tpu.memory_space<vmem>>, vector<1000x128xf32>
    %add3A_35 = arith.addf %add3A_31, %get3A_34 : vector<1000x128xf32>
    %reduce_max3A = arith.constant dense<0xFF800000> : vector<1000xf32>
    %reduce_max3A_36 = vector.multi_reduction <maximumf>, %add3A_35, %reduce_max3A [1] : vector<1000x128xf32> to vector<1000xf32>
    %broadcast_in_dim3A = vector.shape_cast %reduce_max3A_36 : vector<1000xf32> to vector<1000x1xf32>
    %sub3A = vector.broadcast %broadcast_in_dim3A : vector<1000x1xf32> to vector<1000x128xf32>
    %sub3A_37 = arith.subf %add3A_35, %sub3A : vector<1000x128xf32>
    %exp3A = math.exp %sub3A_37 : vector<1000x128xf32>
    %reduce_sum3A = arith.constant dense<0.000000e+00> : vector<1000xf32>
    %reduce_sum3A_38 = vector.multi_reduction <add>, %exp3A, %reduce_sum3A [1] : vector<1000x128xf32> to vector<1000xf32>
    %broadcast_in_dim3A_39 = vector.shape_cast %reduce_sum3A_38 : vector<1000xf32> to vector<1000x1xf32>
    %log3A = math.log %broadcast_in_dim3A_39 : vector<1000x1xf32>
    %add3A_40 = arith.addf %log3A, %broadcast_in_dim3A : vector<1000x1xf32>
    %sub3A_41 = vector.broadcast %add3A_40 : vector<1000x1xf32> to vector<1000x128xf32>
    %sub3A_42 = arith.subf %add3A_35, %sub3A_41 : vector<1000x128xf32>
    %swap3A = arith.constant 0 : index
    %swap3A_43 = arith.constant 0 : index
    %swap3A_44 = vector.load %arg6[%swap3A, %swap3A_43] : memref<1000x128xf32, #tpu.memory_space<vmem>>, vector<1000x128xf32>
    tpu.vector_store %arg6[%swap3A, %swap3A_43], %sub3A_42 {strides = array<i32>} : memref<1000x128xf32, #tpu.memory_space<vmem>>, vector<1000x128xf32>,
    return
  }
  func.func @transform_0(%arg0: i32) -> (i32, i32, i32) {
    %c0_i32 = arith.constant 0 : i32
    %c0_i32_0 = arith.constant 0 : i32
    %c0_i32_1 = arith.constant 0 : i32
    return %c0_i32, %arg0, %c0_i32_0 : i32, i32, i32
  }
  func.func @transform_1(%arg0: i32) -> (i32, i32, i32) {
    %c0_i32 = arith.constant 0 : i32
    %c0_i32_0 = arith.constant 0 : i32
    %c0_i32_1 = arith.constant 0 : i32
    return %c0_i32, %arg0, %c0_i32_0 : i32, i32, i32
  }
  func.func @transform_2(%arg0: i32) -> (i32, i32) {
    %c0_i32 = arith.constant 0 : i32
    %c0_i32_0 = arith.constant 0 : i32
    return %arg0, %c0_i32 : i32, i32
  }
  func.func @transform_3(%arg0: i32) -> (i32, i32) {
    %c0_i32 = arith.constant 0 : i32
    %c0_i32_0 = arith.constant 0 : i32
    %c0_i32_1 = arith.constant 0 : i32
    return %c0_i32, %c0_i32_0 : i32, i32
  }
  func.func @transform_4(%arg0: i32) -> (i32, i32) {
    %c0_i32 = arith.constant 0 : i32
    %c0_i32_0 = arith.constant 0 : i32
    %c0_i32_1 = arith.constant 0 : i32
    return %c0_i32, %c0_i32_0 : i32, i32
  }
  func.func @transform_5(%arg0: i32) -> (i32, i32) {
    %c0_i32 = arith.constant 0 : i32
    %c0_i32_0 = arith.constant 0 : i32
    return %arg0, %c0_i32 : i32, i32
  }
}

</mosaic_0001>

<sc_bundles>
// kernel: kernel.11.cloned.1.call-start
scs
__scs_entry_jumppad:
0x0: {  	(pc) =	sbr.rel $0x88, $3  }
0x1: {  	(tag) =	ssettag $0x0;
	lr =	simm.s32 $0x1  }
0x2: {  	[smem:$0x3F99] =	sst lr;
	_ =	strace $0xD0000000  }
0x3: {  	_ = 	snop  }
0x4: {  	_ = 	snop  }
0x5: {  	_ = 	snop  }
0x6: {  	_ = 	snop  }
0x7: {  	_ = 	snop  }
__scs_overlays_trampoline_lowered:
0x8: {  	[smem:$0x3FA8] =	sst s0  }
0x9: {  	[smem:$0x3FA9] =	sst s1  }
0xa: {  	[smem:$0x3FAA] =	sst s2  }
0xb: {  	[smem:$0x3FAB] =	sst s3  }
0xc: {  	[smem:$0x3FAC] =	sst s4  }
0xd: {  	[smem:$0x3FAD] =	sst s5  }
0xe: {  	[smem:$0x3FAE] =	sst s6  }
0xf: {  	[smem:$0x3FAF] =	sst s7  }
0x10: {  	[smem:$0x3FB0] =	sst s8  }
0x11: {  	[smem:$0x3FB1] =	sst s9;
	s0 =	simm.s32 @!p0 $0x0  }
0x12: {  	s1 =	sld [smem:$0x3F97];
	s0 =	simm.s32 @p0 $0x1  }
0x13: {  	[smem:$0x3FB2] =	sst s0;
	s0 =	simm.s32 @!p1 $0x0  }
0x14: {  	s2 =	sld [smem:$0x3F96];
	s0 =	simm.s32 @p1 $0x1  }
0x15: {  	[smem:$0x3FB3] =	sst s0;
	s0 =	simm.s32 @!p2 $0x0  }
0x16: {  	s3 =	sld [smem:$0x3FDB];
	s0 =	simm.s32 @p2 $0x1  }
0x17: {  	s4 =	simm.s32 $0x1BF5;
	[smem:$0x3FB5] =	sst s0  }
0x18: {  	s0 =	sld [smem:$0x3F98];
	_ =	swait.ge [sflag:s4], $0x0  }
0x19: {  	s7 =	sld [smem:$0x3F99]  }
0x1a: {  	s8 =	sadd.s32 $0xFFFFE003, lr  }
0x1b: {  	s9 =	sadd.s32 $0xFFFFFEF7, lr;
	s5 =	simm.s32 $0xFFFFFFFF;
	p2 =	slt.u32 s8, $0xFFFFF086  }
0x1c: {  	p1 =	slt.u32 s9, $0xF7A;
	s5 =	simm.s32 @!p2 $0x0  }
0x1d: {  	s5 =	simm.s32 @p1 $0x1;
	p0 =	seq.s32 s7, s2  }
0x1e: {  	s7 =	smul.u32 @!p0 $0xF7A, s2;
	p2 =	seq.s32 @!p0 s5, $0x0  }
0x1f: {  	s9 =	smul.u32 $0xF7A, s1;
	s8 =	simm.s32 @!p0 $0x1BF5;
	p2 =	por !p2, p0  }
0x20: {  	[sflag:s8] =	ssyncset.s32 @!p0 $0xFFFFF086;
	s6 =	sadd.s32 @!p0 s3, s7;
	s7 =	simm.s32 @!p0 $0x108  }
0x21: {  	s3 =	sadd.s32 s3, s9;
	s6 =	sadd.s32 @!p0 $0x88, s6;
	s7 =	simm.s32 @p2 $0x1082  }
0x22: {  	[simem:s7], [sflag:s8] =	dma.local @!p0 [hbm:s6], $0xF7A  }
0x23: {  	s9 =	sor.u32 $0xD0000000, s2;
	s6 =	simm.s32 $0x108;
	_ =	swait.ge @!p0 [sflag:s8], $0x0  }
0x24: {  	s3 =	sadd.s32 $0x88, s3;
	s6 =	simm.s32 @!p1 $0x1082;
	[sflag:s4] =	ssyncset.s32 $0xFFFFF086  }
0x25: {  	[simem:s6], [sflag:s4] =	dma.local [hbm:s3], $0xF7A  }
0x26: {  	[smem:$0x3F99] =	sst s1;
	(tag) =	ssettag s2;
	_ =	strace s9  }
0x27: {  	s1 =	sld [smem:$0x3FA9]  }
0x28: {  	s2 =	sld [smem:$0x3FAA]  }
0x29: {  	s4 =	sld [smem:$0x3FAC]  }
0x2a: {  	p0 =	seq.s32 s5, $0x0;
	s5 =	sld [smem:$0x3FAD]  }
0x2b: {  	s6 =	sld [smem:$0x3FAE]  }
0x2c: {  	s7 =	sld [smem:$0x3FAF]  }
0x2d: {  	s3 =	simm.s32 $0x108;
	s8 =	sld [smem:$0x3FB0]  }
0x2e: {  	s3 =	simm.s32 @!p0 $0x1082;
	s9 =	sld [smem:$0x3FB1]  }
0x2f: {  	lr =	sadd.s32 s0, s3;
	s0 =	sld [smem:$0x3FA8]  }
0x30: {  	s3 =	sld [smem:$0x3FAB]  }
0x31: {  	[smem:$0x3FB4] =	sst s10  }
0x32: {  	s10 =	sld [smem:$0x3FB2];
	_ =	sdelay $0x3  }
0x33: {  	p0 =	seq.s32 s10, $0x1;
	s10 =	sld [smem:$0x3FB4];
	_ =	sdelay $0x3  }
0x34: {  	[smem:$0x3FB4] =	sst s10  }
0x35: {  	s10 =	sld [smem:$0x3FB3];
	_ =	sdelay $0x3  }
0x36: {  	p1 =	seq.s32 s10, $0x1;
	s10 =	sld [smem:$0x3FB4];
	_ =	sdelay $0x3  }
0x37: {  	[smem:$0x3FB4] =	sst s10  }
0x38: {  	s10 =	sld [smem:$0x3FB5]  }
0x39: {  	_ = 	snop;
	(pc) =	sbr.ind lr, $3  }
0x3a: {  	_ = 	snop  }
0x3b: {  	_ = 	snop  }
0x3c: {  	p2 =	seq.s32 s10, $0x1;
	s10 =	sld [smem:$0x3FB4]  }
0x3d: {  	_ =	shalt  }
0x3e: {  	_ =	shalt  }
0x3f: {  	_ =	shalt  }
0x40: {  	_ =	shalt  }
0x41: {  	_ =	shalt  }
0x42: {  	_ =	shalt  }
0x43: {  	_ =	shalt  }
0x44: {  	_ =	shalt  }
0x45: {  	_ =	shalt  }
0x46: {  	_ =	shalt  }
0x47: {  	_ =	shalt  }
0x48: {  	_ =	shalt  }
0x49: {  	_ =	shalt  }
0x4a: {  	_ =	shalt  }
0x4b: {  	_ =	shalt  }
0x4c: {  	_ =	shalt  }
0x4d: {  	_ =	shalt  }
0x4e: {  	_ =	shalt  }
0x4f: {  	_ =	shalt  }
0x50: {  	_ =	shalt  }
0x51: {  	_ =	shalt  }
0x52: {  	_ =	shalt  }
0x53: {  	_ =	shalt  }
0x54: {  	_ =	shalt  }
0x55: {  	_ =	shalt  }
0x56: {  	_ =	shalt  }
0x57: {  	_ =	shalt  }
0x58: {  	_ =	shalt  }
0x59: {  	_ =	shalt  }
0x5a: {  	_ =	shalt  }
0x5b: {  	_ =	shalt  }
0x5c: {  	_ =	shalt  }
0x5d: {  	_ =	shalt  }
0x5e: {  	_ =	shalt  }
0x5f: {  	_ =	shalt  }
0x60: {  	_ =	shalt  }
0x61: {  	_ =	shalt  }
0x62: {  	_ =	shalt  }
0x63: {  	_ =	shalt  }
0x64: {  	_ =	shalt  }
0x65: {  	_ =	shalt  }
0x66: {  	_ =	shalt  }
0x67: {  	_ =	shalt  }
0x68: {  	_ =	shalt  }
0x69: {  	_ =	shalt  }
0x6a: {  	_ =	shalt  }
0x6b: {  	_ =	shalt  }
0x6c: {  	_ =	shalt  }
0x6d: {  	_ =	shalt  }
0x6e: {  	_ =	shalt  }
0x6f: {  	_ =	shalt  }
0x70: {  	_ =	shalt  }
0x71: {  	_ =	shalt  }
0x72: {  	_ =	shalt  }
0x73: {  	_ =	shalt  }
0x74: {  	_ =	shalt  }
0x75: {  	_ =	shalt  }
0x76: {  	_ =	shalt  }
0x77: {  	_ =	shalt  }
0x78: {  	_ =	shalt  }
0x79: {  	_ =	shalt  }
0x7a: {  	_ =	shalt  }
0x7b: {  	_ =	shalt  }
0x7c: {  	_ =	shalt  }
0x7d: {  	_ =	shalt  }
0x7e: {  	_ =	shalt  }
0x7f: {  	_ =	shalt  }
0x80: {  	_ =	shalt  }
0x81: {  	_ =	shalt  }
0x82: {  	_ =	shalt  }
0x83: {  	_ =	shalt  }
0x84: {  	_ =	shalt  }
0x85: {  	_ =	shalt  }
0x86: {  	_ =	shalt  }
0x87: {  	_ =	shalt  }
.Lfunc_end0:
.L_simem_size_0:
called_computation.1_lowered:
.L_overlay_start_0:
0x88: {  	s2 =	sld [smem:$0x3FD9]  }
0x89: {  	s3 =	sld [smem:$0x3FFE];
	_ =	sdelay $0x1  }
0x8a: {  	s1 =	srdreg.scid  }
0x8b: {  	s0 =	sand.u32 $0x1, s1  }
0x8c: {  	s17 =	sshll.u32 s0, $0xA;
	s2 =	sadd.s32 s3, s2  }
0x8d: {  	s2 =	sadd.s32 s2, s17  }
0x8e: {  	[smem:$0x3FC0] =	sst s2  }
0x8f: {  	_ = 	snop  }
0x90: {  	s2 =	sld [smem:$0x3FD0];
	(tm) =	ssettm $0x1  }
0x91: {  	s18 =	sld [smem:$0x3FFB];
	_ =	sdelay $0x3  }
0x92: {  	_ =	strace s18  }
0x93: {  	s3 =	sld [smem:$0x3FFC];
	_ =	sdelay $0x3  }
0x94: {  	_ =	strace s3  }
0x95: {  	s3 =	sld [smem:$0x3FFD];
	_ =	sdelay $0x3  }
0x96: {  	_ =	strace s3  }
0x97: {  	_ =	strace $0x8FFFFFFF  }
0x98: {  	s19 =	sld [smem:$0x3FDB];
	_ =	sdelay $0x1  }
0x99: {  	s4 =	simm.s32 $_scs_section_size  }
0x9a: {  	s5 =	simm.s32 $_size__tile_overlayer_lowered;
	s6 =	simm.s32 $_tile_overlayer_lowered  }
0x9b: {  	s22 =	simm.s32 $0x1BFF;
	s21 =	sshll.u32 s6, $0x1;
	s3 =	sadd.s32 s4, s19  }
0x9c: {  	s7 =	simm.s32 $0x0;
	s20 =	sshll.u32 s5, $0x1;
	s5 =	sadd.s32 s21, s3  }
0x9d: {  	[timem:s7], [sflag:s22] =	dma.local [hbm:s5], s20  }
0x9e: {  	_ =	swait.ge [sflag:s22], s20  }
0x9f: {  	s4 =	ssub.s32 $0x0, s20;
	[sflag:s22] =	ssyncset.done $0x0  }
0xa0: {  	[sflag:s22] =	ssyncadd.s32 s4;
	_ =	sdelay $0x1  }
0xa1: {  	s23 =	simm.s32 $0x1B8B  }
0xa2: {  	_ =	swait.ge [sflag:s23], $0x1  }
0xa3: {  	[sflag:s23] =	ssyncset.done $0x0  }
0xa4: {  	s25 =	simm.s32 $0x1B8E;
	s24 =	sld [smem:$0x3FFE];
	[sflag:s23] =	ssyncadd.s32 $0xFFFFFFFF  }
0xa5: {  	s26 =	simm.s32 $execute0_lowered;
	[smem:$0x3FD2] =	sst s25  }
0xa6: {  	s5 =	sshll.u32 s26, $0x1;
	_ =	strace $0x80000049;
	[dreg:$0x1] =	wrdreg $0xFFFFFFFF  }
0xa7: {  	s28 =	simm.s32 $_size_execute0_lowered;
	s3 =	sadd.s32 s3, s5;
	[dreg:$0x0] =	wrdreg $0x0  }
0xa8: {  	s5 =	sshll.u32 s28, $0x1;
	[dreg:$0x2] =	wrdreg s3  }
0xa9: {  	[dreg:$0x3] =	wrdreg s5  }
0xaa: {  	[dreg:$0x4] =	wrdreg $0xC0  }
0xab: {  	_ =	task [dreg:s7], $0x5FFFF  }
0xac: {  	[dreg:$0x1] =	wrdreg $0xFFFFFFFF  }
0xad: {  	[dreg:$0x0] =	wrdreg $0x60  }
0xae: {  	[dreg:$0x2] =	wrdreg s24  }
0xaf: {  	[dreg:$0x3] =	wrdreg s2  }
0xb0: {  	[dreg:$0x4] =	wrdreg $0x0  }
0xb1: {  	[dreg:$0x5] =	wrdreg $0x9  }
0xb2: {  	_ =	task.clear_ibuf [dreg:s7], $0x6FFFF;
	_ =	strace $0x90000049  }
0xb3: {  	s29 =	simm.s32 $0x9;
	_ =	strace $0x8000004B  }
0xb4: {  	_ =	swait.ge [sflag:s29], $0x1  }
0xb5: {  	[sflag:s29] =	ssyncadd.s32 $0xFFFFFFFF  }
0xb6: {  	_ =	strace $0x9000004B  }
0xb7: {  	_ =	sfence  }
0xb8: {  	s30 =	sld [smem:$0x0];
	_ =	sdelay $0x2  }
0xb9: {  	s31 =	sshll.u32 s1, $0xD;
	s1 =	sshrl.u32 s1, $0x2  }
0xba: {  	s3 =	sand.u32 $0x4000, s31;
	s1 =	sadd.s32 s1, s30  }
0xbb: {  	s0 =	sor.u32 s3, s0;
	s1 =	sshll.u32 s1, $0x11  }
0xbc: {  	s0 =	sor.u32 s1, s0  }
0xbd: {  	s0 =	sadd.s32 $0x8F2B, s0  }
0xbe: {  	[sflag:s0] =	ssyncadd.remote.s32 $0x1  }
0xbf: {  	_ =	sfence.sel $0xFFFF  }
0xc0: {  	[dreg:$0x0] =	wrdreg $0xFFFFFFFF;
	(pc) =	sbr.abs _section_cstart, $3  }
0xc1: {  	[dreg:$0x1] =	wrdreg $0xFFFFFFFF  }
0xc2: {  	_ =	task.clear_ibuf [dreg:s7], $0x2FFFF;
	_ =	strace $0x9FFFFFFF  }
0xc3: {  	(tm) =	ssettm $0x7FFFFFFF  }
tec
execute0_lowered:
.L_overlay_start_1:
0x0: {  	(tag) =	ssettag $0x1  }
0x1: {  	s0 =	rddreg [dreg:$0x0]  }
0x2: {  	s2 =	rddreg [dreg:$0x1]  }
0x3: {  	s1 =	rddreg [dreg:$0x2]  }
0x4: {  	s3 =	simm.s32 $0x0;
	s16 =	srdreg.scid;
	s13 =	stileid.u32  }
0x5: {  	s31 =	simm.s32 $0x180;
	s28 =	simm.s32 $0x0;
	[smem:$0x7FF] =	sst s3  }
0x6: {  	s4 =	sadd.s32 $0x15C00, s0;
	s5 =	sadd.s32 $0xBE00, s0;
	s3 =	sand.u32 $0x1, s16  }
0x7: {  	s6 =	sadd.s32 $0x2000, s0;
	s10 =	smul.u32 $0x13800, s13;
	s0 =	sadd.s32 $0xC0E00, s0  }
0x8: {  	s20 =	sshll.u32 s13, $0x6;
	s14 =	sadd.s32 $0x138000, s1;
	_ =	strace $0x8000004A  }
0x9: {  	s7 =	ssub.s32 $0x2, s3;
	s9 =	sshll.u32 s3, $0x4;
	[dreg:$0x8] =	wrdreg s14  }
0xa: {  	s24 =	smul.u32 $0x138800, s3;
	s3 =	simm.s32 $0x1;
	[dreg:$0x4] =	wrdreg s31  }
0xb: {  	s8 =	sshrl.u32 s7, $0x1;
	s17 =	sor.u32 s13, s9;
	s18 =	sadd.s32 s10, s1  }
0xc: {  	s19 =	sshrl.u32 s10, $0x3;
	s7 =	ssub.s32 s7, s8;
	[dreg:$0x6] =	wrdreg s18  }
0xd: {  	s11 =	smul.u32 $0x4E, s17;
	s9 =	sadd.s32 s2, s19;
	s12 =	smin.u32 s17, $0x4  }
0xe: {  	p0 =	slt.u32 s17, $0x4;
	s2 =	sadd.s32 $0x27000, s2;
	s8 =	simm.s32 $0x4  }
0xf: {  	s25 =	sadd.s32 s10, s24;
	[dreg:$0x7] =	wrdreg s9;
	s9 =	sor.u32 $0x1C07, s20  }
0x10: {  	[dreg:$0x9] =	wrdreg s2;
	s8 =	simm.s32 @!p0 $0x6;
	s3 =	simm.s32 @!p0 $0x0  }
0x11: {  	s26 =	sshrl.u32 s25, $0x3;
	s2 =	sshrl.u32 s24, $0x3;
	s30 =	smax.u32 s7, $0x1  }
0x12: {  	s11 =	sadd.s32 s12, s11;
	[dreg:$0xc] =	wrdreg s8;
	s8 =	simm.s32 $0x6  }
0x13: {  	s18 =	sor.u32 $0x4, s3;
	s3 =	sadd.s32 s0, s26;
	[dreg:$0x10] =	wrdreg s30  }
0x14: {  	s0 =	sadd.s32 s0, s2;
	s8 =	simm.s32 @!p0 $0x5;
	[dreg:$0xe] =	wrdreg s3  }
0x15: {  	s21 =	sshll.u32 s11, $0x4;
	s0 =	sadd.s32 $0x27000, s0;
	[dreg:$0xd] =	wrdreg s8  }
0x16: {  	s12 =	simm.s32 $0x4F;
	s22 =	sadd.s32 s5, s21;
	[dreg:$0xf] =	wrdreg s0  }
0x17: {  	s12 =	simm.s32 @!p0 $0x4E;
	s23 =	sadd.s32 s6, s21;
	[dreg:$0xa] =	wrdreg s22  }
0x18: {  	s24 =	simm.s32 $0x80;
	s29 =	ssub.s32 $0x0, s12;
	[dreg:$0xb] =	wrdreg s23  }
0x19: {  	p0 =	sne.s32 s13, $0xF;
	[dreg:$0x5] =	wrdreg s29;
	s22 =	simm.s32 $0x7  }
.LBB2_1:
0x1a: {  	s0 =	rddreg [dreg:$0x6]  }
0x1b: {  	s20 =	rddreg [dreg:$0x7];
	s29 =	sshrl.u32 s0, $0x3  }
0x1c: {  	[spmem:s29], [sflag:s9] =	dma.local [hbm:s20], $0x2700  }
0x1d: {  	_ =	swait.ge [sflag:s22], $0x2700  }
0x1e: {  	[sflag:s22] =	ssyncset.done $0x0;
	s0 =	rddreg [dreg:$0x8]  }
0x1f: {  	[sflag:s22] =	ssyncadd.s32 $0xFFFFD900;
	s30 =	sshrl.u32 @!p0 s0, $0x3;
	s0 =	rddreg [dreg:$0x9]  }
0x20: {  	[spmem:s30], [sflag:s9] =	dma.local @!p0 [hbm:s0], $0x100  }
0x21: {  	s0 =	simm.s32 @!p0 $0x7  }
0x22: {  	_ =	swait.ge @!p0 [sflag:s0], $0x100  }
0x23: {  	[sflag:s0] =	ssyncset.done @!p0 $0x0  }
0x24: {  	[sflag:s0] =	ssyncadd.s32 @!p0 $0xFFFFFF00  }
0x25: {  	[bflag:$0x0] =	sbarrier.arrive $0xFFFF  }
0x26: {  	s21 =	simm.s32 $0x0;
	s3 =	simm.s32 $0x13880;
	s2 =	rddreg [dreg:$0xa]  }
0x27: {  	[tilespmem:s3], [sflag:$0x7] =	stream.linear.gather [hbm4b:s2+s21], $0x180, $0x38;
	[tilespmem:$0x1FE80] =	vst v63  }
0x28: {  	_ =	swait.ge [sflag:s22], $0x180  }
0x29: {  	[sflag:s22] =	ssyncset.done $0x0  }
0x2a: {  	s31 =	simm.s32 $0x13B80;
	s23 =	rddreg [dreg:$0xb];
	[sflag:s22] =	ssyncadd.s32 $0xFFFFFE80  }
0x2b: {  	[tilespmem:s31], [sflag:$0x7] =	stream.linear.gather [hbm4b:s23+s21], $0x180, $0x38;
	[tilespmem:$0x1FE80] =	vst v63  }
0x2c: {  	s25 =	simm.s32 $0x13900;
	_ =	swait.ge [sflag:s22], $0x180  }
0x2d: {  	s26 =	simm.s32 $0x17E80;
	s13 =	simm.s32 $0xFFFFFFFF;
	[sflag:s22] =	ssyncset.done $0x0  }
0x2e: {  	s7 =	simm.s32 $0x4;
	s0 =	simm.s32 $0x13E80;
	[sflag:s22] =	ssyncadd.s32 $0xFFFFFE80  }
0x2f: {  	[tilespmem:s0], [sflag:$0x1] =	stream.indirect.gather [hbm4b:s4+s24], $0x80, s3, s24, $0xb8;
	[tilespmem:$0x1FE80] =	vst v63  }
0x30: {  	s8 =	simm.s32 $0x1;
	s10 =	simm.s32 $0x0;
	s2 =	simm.s32 $0x13980  }
0x31: {  	[tilespmem:s26], [sflag:$0x2] =	stream.indirect.gather [hbm4b:s4+s24], $0x80, s25, s24, $0xb8;
	[tilespmem:$0x1FE80] =	vst v63  }
0x32: {  	s3 =	simm.s32 $0x2;
	s25 =	simm.s32 $0x3;
	s26 =	simm.s32 $0x1BE80  }
.LBB2_2:
0x33: {  	s14 =	smulhi.u32 $0xAAAAAAAB, s3;
	_ =	sdelay $0x1  }
0x34: {  	s14 =	sshrl.u32 s14, $0x1  }
0x35: {  	s15 =	smul.u32 $0x3, s14;
	_ =	sdelay $0x1  }
0x36: {  	s19 =	sadd.s32 $0x3, s13;
	s15 =	ssub.s32 s13, s15  }
0x37: {  	s20 =	smulhi.u32 $0xAAAAAAAB, s19;
	p1 =	sge.u32 s19, s12;
	s15 =	sadd.s32 $0x2, s15  }
0x38: {  	p3 =	sne.s32 @!p1 s15, $0xFFFFFFFF  }
0x39: {  	s15 =	sshrl.u32 s20, $0x1;
	p2 =	por p3, p1  }
0x3a: {  	s19 =	sand.u32 @!p2 $0x1, s15;
	s20 =	smul.u32 @!p2 $0x3, s15  }
0x3b: {  	p4 =	seq.s32 @!p2 s19, $0x1  }
0x3c: {  	s16 =	simm.s32 @!p2 $0x0;
	p3 =	por @!p1 !p4, p3;
	s19 =	sadd.s32 @!p2 s11, s20  }
0x3d: {  	s20 =	simm.s32 @!p2 $0x180;
	p3 =	por !p3, p1;
	s19 =	sshll.u32 @!p2 s19, $0x4  }
0x3e: {  	p4 =	seq.s32 @!p1 s13, $0xFFFFFFFF;
	s20 =	simm.s32 @!p3 $0x0;
	s19 =	sand.u32 @!p2 $0x1FFFFFF0, s19  }
0x3f: {  	p3 =	por p4, p1;
	s21 =	sadd.s32 @!p2 $0x13880, s20;
	s23 =	sadd.s32 @!p2 s5, s19  }
0x40: {  	[tilespmem:s21], [sflag:$0x7] =	stream.linear.gather @!p2 [hbm4b:s23+s16], $0x180, $0x38;
	[tilespmem:$0x1FE80] =	vst v63  }
0x41: {  	s17 =	simm.s32 @!p2 $0x7;
	s21 =	smulhi.u32 @!p3 $0x55555556, s13;
	s23 =	sshra.s32 @!p3 s13, $0x1F  }
0x42: {  	s23 =	smul.u32 @!p3 $0x55555556, s23;
	_ =	swait.ge @!p2 [sflag:s17], $0x180  }
0x43: {  	s20 =	sadd.s32 @!p2 $0x13B80, s20;
	[sflag:s17] =	ssyncset.done @!p2 $0x0  }
0x44: {  	s19 =	sadd.s32 @!p2 s6, s19;
	s21 =	sadd.s32 @!p3 s23, s21;
	[sflag:s17] =	ssyncadd.s32 @!p2 $0xFFFFFE80  }
0x45: {  	[tilespmem:s20], [sflag:$0x7] =	stream.linear.gather @!p2 [hbm4b:s19+s16], $0x180, $0x38;
	[tilespmem:$0x1FE80] =	vst v63  }
0x46: {  	s23 =	sshrl.u32 @!p3 s21, $0x1F;
	s20 =	smul.u32 $0xFFFFFFF4, s14  }
0x47: {  	s21 =	sadd.s32 @!p3 s23, s21;
	s23 =	smul.u32 $0xFFFD0000, s14  }
0x48: {  	s15 =	sand.u32 @!p1 $0x1, s15;
	s21 =	smul.u32 @!p3 $0x3, s21  }
0x49: {  	s14 =	smul.u32 $0xFFFFFA00, s14;
	_ =	swait.ge @!p2 [sflag:s17], $0x180;
	s16 =	sshra.s32 s20, $0x2  }
0x4a: {  	[sflag:s17] =	ssyncset.done @!p2 $0x0;
	s16 =	sadd.s32 s16, s25;
	s19 =	ssub.s32 @!p3 s13, s21  }
0x4b: {  	s20 =	sshra.s32 s23, $0x2;
	s14 =	sshra.s32 s14, $0x2;
	p5 =	slt.s32 @!p3 s19, $0x0  }
0x4c: {  	[sflag:s17] =	ssyncadd.s32 @!p2 $0xFFFFFE80;
	p2 =	seq.s32 @!p1 s15, $0x1;
	p4 =	por @!p1 !p5, p4  }
0x4d: {  	s15 =	simm.s32 @!p1 $0x180;
	s21 =	sadd.s32 @!p3 $0x3, s19;
	p4 =	por !p4, p1  }
0x4e: {  	s20 =	sadd.s32 s20, s26;
	s14 =	sadd.s32 s14, s2;
	s19 =	smov.u32 @p4 s21  }
0x4f: {  	p2 =	por !p2, p1;
	s21 =	smulhi.u32 $0xAAAAAAAB, s10;
	s17 =	sadd.s32 @!p3 $0x4, s19  }
0x50: {  	s13 =	sadd.s32 $0x1, s13;
	s15 =	simm.s32 @p2 $0x0;
	_ =	swait.ge @!p3 [sflag:s17], $0x4000  }
0x51: {  	s14 =	sadd.s32 @!p1 s15, s14;
	s19 =	sshrl.u32 s21, $0x1;
	[sflag:s17] =	ssyncset.done @!p3 $0x0  }
0x52: {  	s15 =	simm.s32 @!p1 $0x80;
	s23 =	smul.u32 $0xFFFFFFF4, s19;
	[sflag:s17] =	ssyncadd.s32 @!p3 $0xFFFFC000  }
0x53: {  	[tilespmem:s20], [sflag:s16] =	stream.indirect.gather @!p1 [hbm4b:s4+s15], $0x80, s14, s15, $0xb8;
	[tilespmem:$0x1FE80] =	vst v63  }
0x54: {  	s14 =	sshra.s32 s23, $0x2;
	s20 =	smulhi.u32 $0xAAAAAAAB, s13  }
0x55: {  	s3 =	sadd.s32 $0x1, s3;
	s23 =	smul.u32 $0xFFFFFA00, s19;
	s21 =	sadd.s32 s14, s8  }
0x56: {  	s25 =	sadd.s32 $0x1, s25;
	s26 =	sadd.s32 $0x4000, s26;
	_ =	swait.ge [sflag:s21], $0x4000  }
0x57: {  	s15 =	sshrl.u32 s20, $0x1;
	s17 =	sshra.s32 s23, $0x2;
	[sflag:s21] =	ssyncset.done $0x0  }
0x58: {  	s15 =	sand.u32 $0x1, s15;
	[sflag:s21] =	ssyncadd.s32 $0xFFFFC000;
	s21 =	rddreg [dreg:$0x5]  }
0x59: {  	s20 =	rddreg [dreg:$0x4];
	p1 =	seq.s32 s15, $0x1;
	s23 =	sadd.s32 s13, s21  }
0x5a: {  	s19 =	smul.u32 $0xFFFD0000, s19;
	s20 =	simm.s32 @!p1 $0x0;
	p1 =	sne.s32 s23, $0xFFFFFFFF  }
.Ltmp0:
0x5b: {  	s2 =	sadd.s32 $0x80, s2;
	s10 =	sadd.s32 $0x1, s10;
	(pc) =	sbr.rel @p1 .LBB2_2-.Ltmp0, $4  }
0x5c: {  	s14 =	sadd.s32 s14, s7;
	s8 =	sadd.s32 $0x1, s8;
	s19 =	sshra.s32 s19, $0x2  }
0x5d: {  	s7 =	sadd.s32 $0x1, s7;
	s15 =	sadd.s32 s17, s31;
	s17 =	sadd.s32 s19, s0  }
0x5e: {  	s0 =	sadd.s32 $0x4000, s0;
	s31 =	sadd.s32 $0x80, s31;
	s15 =	sadd.s32 s20, s15  }
0x5f: {  	[spmem:s1] =	stream.indirect.scatter.add.f32 [tilespmem:s17], [sflag:s14], $0x80, s15, s24, $0xb8;
	[tilespmem:$0x1FE80] =	vst v63  }
0x60: {  	s0 =	rddreg [dreg:$0xc]  }
0x61: {  	_ =	swait.ge [sflag:s0], $0x4000  }
0x62: {  	[sflag:s0] =	ssyncset.done $0x0  }
0x63: {  	s26 =	rddreg [dreg:$0xd];
	[sflag:s0] =	ssyncadd.s32 $0xFFFFC000  }
0x64: {  	_ =	swait.ge [sflag:s26], $0x4000  }
0x65: {  	[sflag:s26] =	ssyncset.done $0x0  }
0x66: {  	[sflag:s26] =	ssyncadd.s32 $0xFFFFC000  }
0x67: {  	_ =	swait.ge [sflag:s18], $0x4000  }
0x68: {  	[sflag:s18] =	ssyncset.done $0x0  }
0x69: {  	[sflag:s18] =	ssyncadd.s32 $0xFFFFC000  }
0x6a: {  	[bflag:$0x0] =	sbarrier.arrive $0xFFFF  }
0x6b: {  	s31 =	rddreg [dreg:$0xe]  }
0x6c: {  	[hbm:s31], [sflag:s9] =	dma.local [spmem:s29], $0x2700  }
0x6d: {  	_ =	swait.ge [sflag:s22], $0x2700  }
0x6e: {  	[sflag:s22] =	ssyncset.done $0x0  }
0x6f: {  	s0 =	rddreg [dreg:$0xf];
	[sflag:s22] =	ssyncadd.s32 $0xFFFFD900  }
0x70: {  	[hbm:s0], [sflag:s9] =	dma.local @!p0 [spmem:s30], $0x100  }
0x71: {  	s0 =	simm.s32 @!p0 $0x7  }
0x72: {  	_ =	swait.ge @!p0 [sflag:s0], $0x100  }
0x73: {  	s28 =	sadd.s32 $0x1, s28;
	s2 =	rddreg [dreg:$0x10]  }
0x74: {  	p1 =	sne.s32 s28, s2  }
.Ltmp1:
0x75: {  	_ = 	snop;
	(pc) =	sbr.rel @p1 .LBB2_1-.Ltmp1, $3  }
0x76: {  	_ =	sdelay $0x1  }
0x77: {  	[sflag:s0] =	ssyncset.done @!p0 $0x0  }
0x78: {  	[sflag:s0] =	ssyncadd.s32 @!p0 $0xFFFFFF00  }
0x79: {  	_ =	sfence.sel $0x180000  }
0x7a: {  	[bflag:$0x0] =	sbarrier.arrive $0xFFFF  }
0x7b: {  	_ =	strace $0x9000004A  }
0x7c: {  	s0 =	stileid.u32;
	[bflag:$0x2] =	sbarrier.arrive $0xFFFF  }
0x7d: {  	p0 =	sne.s32 s0, $0x0;
	s0 =	rddreg [dreg:$0x3]  }
0x7e: {  	s0 =	sadd.s32 @!p0 $0x100000, s0  }
0x7f: {  	[sflag:s0] =	ssyncadd.tile.s32 @!p0 $0x1;
	_ =	shalt  }
.Lfunc_end2:
_tile_overlayer_lowered:
.L_overlay_start_2:
0x80: {  	(tag) =	ssettag $0x2  }
0x81: {  	s0 =	rddreg [dreg:$0x0];
	s2 =	stileid.u32  }
0x82: {  	s1 =	rddreg [dreg:$0x1];
	p0 =	sne.s32 s2, $0x0  }
0x83: {  	s3 =	rddreg [dreg:$0x2];
	[bflag:$0x3] =	sbarrier.arrive $0xFFFF;
	s2 =	simm.s32 @!p0 $0x1C07  }
0x84: {  	[timem:s3], [sflag:s2] =	dma.local @!p0 [hbm:s0], s1  }
0x85: {  	s0 =	simm.s32 @!p0 $0x7  }
0x86: {  	_ =	swait.ge @!p0 [sflag:s0], s1  }
0x87: {  	s1 =	ssub.s32 @!p0 $0x0, s1;
	[sflag:s0] =	ssyncset.done @!p0 $0x0  }
0x88: {  	[sflag:s0] =	ssyncadd.s32 @!p0 s1  }
0x89: {  	[bflag:$0x3] =	sbarrier.arrive $0xFFFF  }
0x8a: {  	_ =	shalt  }

// kernel: kernel.8.cloned.1.call-start
scs
__scs_entry_jumppad:
0x0: {  	(pc) =	sbr.rel $0x88, $3  }
0x1: {  	(tag) =	ssettag $0x0;
	lr =	simm.s32 $0x1  }
0x2: {  	[smem:$0x3F99] =	sst lr;
	_ =	strace $0xD0000000  }
0x3: {  	_ = 	snop  }
0x4: {  	_ = 	snop  }
0x5: {  	_ = 	snop  }
0x6: {  	_ = 	snop  }
0x7: {  	_ = 	snop  }
__scs_overlays_trampoline_lowered:
0x8: {  	[smem:$0x3FA8] =	sst s0  }
0x9: {  	[smem:$0x3FA9] =	sst s1  }
0xa: {  	[smem:$0x3FAA] =	sst s2  }
0xb: {  	[smem:$0x3FAB] =	sst s3  }
0xc: {  	[smem:$0x3FAC] =	sst s4  }
0xd: {  	[smem:$0x3FAD] =	sst s5  }
0xe: {  	[smem:$0x3FAE] =	sst s6  }
0xf: {  	[smem:$0x3FAF] =	sst s7  }
0x10: {  	[smem:$0x3FB0] =	sst s8  }
0x11: {  	[smem:$0x3FB1] =	sst s9;
	s0 =	simm.s32 @!p0 $0x0  }
0x12: {  	s1 =	sld [smem:$0x3F97];
	s0 =	simm.s32 @p0 $0x1  }
0x13: {  	[smem:$0x3FB2] =	sst s0;
	s0 =	simm.s32 @!p1 $0x0  }
0x14: {  	s2 =	sld [smem:$0x3F96];
	s0 =	simm.s32 @p1 $0x1  }
0x15: {  	[smem:$0x3FB3] =	sst s0;
	s0 =	simm.s32 @!p2 $0x0  }
0x16: {  	s3 =	sld [smem:$0x3FDB];
	s0 =	simm.s32 @p2 $0x1  }
0x17: {  	s4 =	simm.s32 $0x1BF5;
	[smem:$0x3FB5] =	sst s0  }
0x18: {  	s0 =	sld [smem:$0x3F98];
	_ =	swait.ge [sflag:s4], $0x0  }
0x19: {  	s7 =	sld [smem:$0x3F99]  }
0x1a: {  	s8 =	sadd.s32 $0xFFFFE003, lr  }
0x1b: {  	s9 =	sadd.s32 $0xFFFFFEF7, lr;
	s5 =	simm.s32 $0xFFFFFFFF;
	p2 =	slt.u32 s8, $0xFFFFF086  }
0x1c: {  	p1 =	slt.u32 s9, $0xF7A;
	s5 =	simm.s32 @!p2 $0x0  }
0x1d: {  	s5 =	simm.s32 @p1 $0x1;
	p0 =	seq.s32 s7, s2  }
0x1e: {  	s7 =	smul.u32 @!p0 $0xF7A, s2;
	p2 =	seq.s32 @!p0 s5, $0x0  }
0x1f: {  	s9 =	smul.u32 $0xF7A, s1;
	s8 =	simm.s32 @!p0 $0x1BF5;
	p2 =	por !p2, p0  }
0x20: {  	[sflag:s8] =	ssyncset.s32 @!p0 $0xFFFFF086;
	s6 =	sadd.s32 @!p0 s3, s7;
	s7 =	simm.s32 @!p0 $0x108  }
0x21: {  	s3 =	sadd.s32 s3, s9;
	s6 =	sadd.s32 @!p0 $0x88, s6;
	s7 =	simm.s32 @p2 $0x1082  }
0x22: {  	[simem:s7], [sflag:s8] =	dma.local @!p0 [hbm:s6], $0xF7A  }
0x23: {  	s9 =	sor.u32 $0xD0000000, s2;
	s6 =	simm.s32 $0x108;
	_ =	swait.ge @!p0 [sflag:s8], $0x0  }
0x24: {  	s3 =	sadd.s32 $0x88, s3;
	s6 =	simm.s32 @!p1 $0x1082;
	[sflag:s4] =	ssyncset.s32 $0xFFFFF086  }
0x25: {  	[simem:s6], [sflag:s4] =	dma.local [hbm:s3], $0xF7A  }
0x26: {  	[smem:$0x3F99] =	sst s1;
	(tag) =	ssettag s2;
	_ =	strace s9  }
0x27: {  	s1 =	sld [smem:$0x3FA9]  }
0x28: {  	s2 =	sld [smem:$0x3FAA]  }
0x29: {  	s4 =	sld [smem:$0x3FAC]  }
0x2a: {  	p0 =	seq.s32 s5, $0x0;
	s5 =	sld [smem:$0x3FAD]  }
0x2b: {  	s6 =	sld [smem:$0x3FAE]  }
0x2c: {  	s7 =	sld [smem:$0x3FAF]  }
0x2d: {  	s3 =	simm.s32 $0x108;
	s8 =	sld [smem:$0x3FB0]  }
0x2e: {  	s3 =	simm.s32 @!p0 $0x1082;
	s9 =	sld [smem:$0x3FB1]  }
0x2f: {  	lr =	sadd.s32 s0, s3;
	s0 =	sld [smem:$0x3FA8]  }
0x30: {  	s3 =	sld [smem:$0x3FAB]  }
0x31: {  	[smem:$0x3FB4] =	sst s10  }
0x32: {  	s10 =	sld [smem:$0x3FB2];
	_ =	sdelay $0x3  }
0x33: {  	p0 =	seq.s32 s10, $0x1;
	s10 =	sld [smem:$0x3FB4];
	_ =	sdelay $0x3  }
0x34: {  	[smem:$0x3FB4] =	sst s10  }
0x35: {  	s10 =	sld [smem:$0x3FB3];
	_ =	sdelay $0x3  }
0x36: {  	p1 =	seq.s32 s10, $0x1;
	s10 =	sld [smem:$0x3FB4];
	_ =	sdelay $0x3  }
0x37: {  	[smem:$0x3FB4] =	sst s10  }
0x38: {  	s10 =	sld [smem:$0x3FB5]  }
0x39: {  	_ = 	snop;
	(pc) =	sbr.ind lr, $3  }
0x3a: {  	_ = 	snop  }
0x3b: {  	_ = 	snop  }
0x3c: {  	p2 =	seq.s32 s10, $0x1;
	s10 =	sld [smem:$0x3FB4]  }
0x3d: {  	_ =	shalt  }
0x3e: {  	_ =	shalt  }
0x3f: {  	_ =	shalt  }
0x40: {  	_ =	shalt  }
0x41: {  	_ =	shalt  }
0x42: {  	_ =	shalt  }
0x43: {  	_ =	shalt  }
0x44: {  	_ =	shalt  }
0x45: {  	_ =	shalt  }
0x46: {  	_ =	shalt  }
0x47: {  	_ =	shalt  }
0x48: {  	_ =	shalt  }
0x49: {  	_ =	shalt  }
0x4a: {  	_ =	shalt  }
0x4b: {  	_ =	shalt  }
0x4c: {  	_ =	shalt  }
0x4d: {  	_ =	shalt  }
0x4e: {  	_ =	shalt  }
0x4f: {  	_ =	shalt  }
0x50: {  	_ =	shalt  }
0x51: {  	_ =	shalt  }
0x52: {  	_ =	shalt  }
0x53: {  	_ =	shalt  }
0x54: {  	_ =	shalt  }
0x55: {  	_ =	shalt  }
0x56: {  	_ =	shalt  }
0x57: {  	_ =	shalt  }
0x58: {  	_ =	shalt  }
0x59: {  	_ =	shalt  }
0x5a: {  	_ =	shalt  }
0x5b: {  	_ =	shalt  }
0x5c: {  	_ =	shalt  }
0x5d: {  	_ =	shalt  }
0x5e: {  	_ =	shalt  }
0x5f: {  	_ =	shalt  }
0x60: {  	_ =	shalt  }
0x61: {  	_ =	shalt  }
0x62: {  	_ =	shalt  }
0x63: {  	_ =	shalt  }
0x64: {  	_ =	shalt  }
0x65: {  	_ =	shalt  }
0x66: {  	_ =	shalt  }
0x67: {  	_ =	shalt  }
0x68: {  	_ =	shalt  }
0x69: {  	_ =	shalt  }
0x6a: {  	_ =	shalt  }
0x6b: {  	_ =	shalt  }
0x6c: {  	_ =	shalt  }
0x6d: {  	_ =	shalt  }
0x6e: {  	_ =	shalt  }
0x6f: {  	_ =	shalt  }
0x70: {  	_ =	shalt  }
0x71: {  	_ =	shalt  }
0x72: {  	_ =	shalt  }
0x73: {  	_ =	shalt  }
0x74: {  	_ =	shalt  }
0x75: {  	_ =	shalt  }
0x76: {  	_ =	shalt  }
0x77: {  	_ =	shalt  }
0x78: {  	_ =	shalt  }
0x79: {  	_ =	shalt  }
0x7a: {  	_ =	shalt  }
0x7b: {  	_ =	shalt  }
0x7c: {  	_ =	shalt  }
0x7d: {  	_ =	shalt  }
0x7e: {  	_ =	shalt  }
0x7f: {  	_ =	shalt  }
0x80: {  	_ =	shalt  }
0x81: {  	_ =	shalt  }
0x82: {  	_ =	shalt  }
0x83: {  	_ =	shalt  }
0x84: {  	_ =	shalt  }
0x85: {  	_ =	shalt  }
0x86: {  	_ =	shalt  }
0x87: {  	_ =	shalt  }
.Lfunc_end0:
.L_simem_size_0:
called_computation_lowered:
.L_overlay_start_0:
0x88: {  	s2 =	sld [smem:$0x3FD9]  }
0x89: {  	s3 =	sld [smem:$0x3FFE];
	_ =	sdelay $0x1  }
0x8a: {  	s1 =	srdreg.scid  }
0x8b: {  	s0 =	sand.u32 $0x1, s1  }
0x8c: {  	s17 =	sshll.u32 s0, $0xA;
	s2 =	sadd.s32 s3, s2  }
0x8d: {  	s2 =	sadd.s32 s2, s17  }
0x8e: {  	[smem:$0x3FC0] =	sst s2  }
0x8f: {  	_ = 	snop  }
0x90: {  	s2 =	sld [smem:$0x3FC9]  }
0x91: {  	s18 =	sld [smem:$0x3FD0];
	(tm) =	ssettm $0x1  }
0x92: {  	s4 =	sld [smem:$0x3FFB];
	_ =	sdelay $0x3  }
0x93: {  	_ =	strace s4  }
0x94: {  	s4 =	sld [smem:$0x3FFC];
	_ =	sdelay $0x3  }
0x95: {  	_ =	strace s4  }
0x96: {  	s4 =	sld [smem:$0x3FFD];
	_ =	sdelay $0x3  }
0x97: {  	_ =	strace s4  }
0x98: {  	_ =	strace $0x8FFFFFFF  }
0x99: {  	s19 =	sld [smem:$0x3FDB];
	_ =	sdelay $0x1  }
0x9a: {  	s5 =	simm.s32 $_scs_section_size  }
0x9b: {  	s6 =	simm.s32 $_size__tile_overlayer_lowered;
	s7 =	simm.s32 $_tile_overlayer_lowered  }
0x9c: {  	s22 =	simm.s32 $0x1BFF;
	s21 =	sshll.u32 s7, $0x1;
	s4 =	sadd.s32 s5, s19  }
0x9d: {  	s8 =	simm.s32 $0x0;
	s20 =	sshll.u32 s6, $0x1;
	s6 =	sadd.s32 s21, s4  }
0x9e: {  	[timem:s8], [sflag:s22] =	dma.local [hbm:s6], s20  }
0x9f: {  	_ =	swait.ge [sflag:s22], s20  }
0xa0: {  	s5 =	ssub.s32 $0x0, s20;
	[sflag:s22] =	ssyncset.done $0x0  }
0xa1: {  	[sflag:s22] =	ssyncadd.s32 s5;
	_ =	sdelay $0x1  }
0xa2: {  	s23 =	simm.s32 $0x1B8B  }
0xa3: {  	_ =	swait.ge [sflag:s23], $0x1  }
0xa4: {  	[sflag:s23] =	ssyncset.done $0x0  }
0xa5: {  	s25 =	simm.s32 $0x1B8E;
	s24 =	sld [smem:$0x3FFE];
	[sflag:s23] =	ssyncadd.s32 $0xFFFFFFFF  }
0xa6: {  	s26 =	simm.s32 $execute0_lowered;
	[smem:$0x3FD2] =	sst s25  }
0xa7: {  	s6 =	sshll.u32 s26, $0x1;
	_ =	strace $0x80000046;
	[dreg:$0x1] =	wrdreg $0xFFFFFFFF  }
0xa8: {  	s28 =	simm.s32 $_size_execute0_lowered;
	s4 =	sadd.s32 s4, s6;
	[dreg:$0x0] =	wrdreg $0x0  }
0xa9: {  	s6 =	sshll.u32 s28, $0x1;
	[dreg:$0x2] =	wrdreg s4  }
0xaa: {  	[dreg:$0x3] =	wrdreg s6  }
0xab: {  	[dreg:$0x4] =	wrdreg $0xC0  }
0xac: {  	_ =	task [dreg:s8], $0x5FFFF  }
0xad: {  	[dreg:$0x1] =	wrdreg $0xFFFFFFFF  }
0xae: {  	[dreg:$0x0] =	wrdreg $0x60  }
0xaf: {  	[dreg:$0x2] =	wrdreg s2  }
0xb0: {  	[dreg:$0x3] =	wrdreg s24  }
0xb1: {  	[dreg:$0x4] =	wrdreg s18  }
0xb2: {  	[dreg:$0x5] =	wrdreg $0x0  }
0xb3: {  	[dreg:$0x6] =	wrdreg $0x138800  }
0xb4: {  	[dreg:$0x7] =	wrdreg $0x9  }
0xb5: {  	_ =	task.clear_ibuf [dreg:s8], $0x8FFFF;
	_ =	strace $0x90000046  }
0xb6: {  	s29 =	simm.s32 $0x9;
	_ =	strace $0x80000048  }
0xb7: {  	_ =	swait.ge [sflag:s29], $0x1  }
0xb8: {  	[sflag:s29] =	ssyncadd.s32 $0xFFFFFFFF  }
0xb9: {  	_ =	strace $0x90000048  }
0xba: {  	_ =	sfence  }
0xbb: {  	s30 =	sld [smem:$0x0];
	_ =	sdelay $0x2  }
0xbc: {  	s31 =	sshll.u32 s1, $0xD;
	s1 =	sshrl.u32 s1, $0x2  }
0xbd: {  	s3 =	sand.u32 $0x4000, s31;
	s1 =	sadd.s32 s1, s30  }
0xbe: {  	s0 =	sor.u32 s3, s0;
	s1 =	sshll.u32 s1, $0x11  }
0xbf: {  	s0 =	sor.u32 s1, s0  }
0xc0: {  	s0 =	sadd.s32 $0x8F2B, s0  }
0xc1: {  	[sflag:s0] =	ssyncadd.remote.s32 $0x1  }
0xc2: {  	_ =	sfence.sel $0xFFFF  }
0xc3: {  	[dreg:$0x0] =	wrdreg $0xFFFFFFFF;
	(pc) =	sbr.abs _section_cstart, $3  }
0xc4: {  	[dreg:$0x1] =	wrdreg $0xFFFFFFFF  }
0xc5: {  	_ =	task.clear_ibuf [dreg:s8], $0x2FFFF;
	_ =	strace $0x9FFFFFFF  }
0xc6: {  	(tm) =	ssettm $0x7FFFFFFF  }
0xc7: {  	_ =	shalt  }
tec
execute0_lowered:
.L_overlay_start_1:
0x0: {  	(tag) =	ssettag $0x1  }
0x1: {  	s1 =	rddreg [dreg:$0x0]  }
0x2: {  	s0 =	rddreg [dreg:$0x1]  }
0x3: {  	s2 =	rddreg [dreg:$0x2]  }
0x4: {  	s3 =	rddreg [dreg:$0x3]  }
0x5: {  	s4 =	rddreg [dreg:$0x4];
	s5 =	simm.s32 $0x0;
	s19 =	stileid.u32  }
0x6: {  	s10 =	srdreg.scid;
	s29 =	simm.s32 $0x50;
	s28 =	simm.s32 $0x5  }
0x7: {  	s30 =	simm.s32 $0x4;
	s31 =	simm.s32 $0x6;
	[smem:$0x7FF] =	sst s5  }
0x8: {  	s8 =	smul.u32 $0x2700, s19;
	s6 =	sadd.s32 $0xBE00, s0;
	s7 =	sadd.s32 $0x2000, s0  }
0x9: {  	s11 =	sand.u32 $0x1, s10;
	s12 =	sadd.s32 $0x24A00, s0;
	s13 =	smul.u32 $0x13800, s19  }
0xa: {  	s14 =	sadd.s32 $0x1AC00, s0;
	s22 =	sshll.u32 s19, $0x6;
	s24 =	sadd.s32 $0x138000, s3  }
0xb: {  	s25 =	sadd.s32 $0x27000, s4;
	p0 =	sne.s32 s19, $0xF;
	_ =	strace $0x80000047  }
0xc: {  	s10 =	ssub.s32 $0x2, s11;
	s16 =	sshll.u32 s11, $0x4;
	[dreg:$0xa] =	wrdreg s24  }
0xd: {  	s18 =	smul.u32 $0x138800, s11;
	[dreg:$0xc] =	wrdreg s25;
	s9 =	sshrl.u32 s8, $0x3  }
0xe: {  	s15 =	sshrl.u32 s10, $0x1;
	s16 =	sor.u32 s19, s16;
	s21 =	sshrl.u32 s13, $0x3  }
0xf: {  	s17 =	sadd.s32 s13, s3;
	s23 =	sadd.s32 s8, s4;
	s9 =	sadd.s32 s9, s0  }
0x10: {  	s15 =	ssub.s32 s10, s15;
	[dreg:$0x6] =	wrdreg s17;
	s10 =	sadd.s32 s2, s21  }
0x11: {  	[dreg:$0x8] =	wrdreg s23;
	s2 =	sadd.s32 $0x27000, s2;
	s26 =	smul.u32 $0x4E2, s16  }
0x12: {  	s17 =	sadd.s32 s13, s18;
	s0 =	sadd.s32 $0x1AA00, s0;
	[dreg:$0x7] =	wrdreg s10  }
0x13: {  	s21 =	smul.u32 $0x27100, s11;
	s10 =	sor.u32 $0x1C07, s22;
	[dreg:$0xb] =	wrdreg s2  }
0x14: {  	s9 =	sadd.s32 $0x15C00, s9;
	[dreg:$0xd] =	wrdreg s0;
	s20 =	sshrl.u32 s17, $0x3  }
0x15: {  	s17 =	smul.u32 $0x7D, s16;
	s22 =	sshrl.u32 s18, $0x3;
	[dreg:$0x9] =	wrdreg s9  }
0x16: {  	s0 =	sadd.s32 s12, s20;
	s23 =	sadd.s32 s6, s26;
	s8 =	sadd.s32 s8, s21  }
0x17: {  	s2 =	sadd.s32 s7, s26;
	s25 =	sshrl.u32 s21, $0x3;
	[dreg:$0xe] =	wrdreg s0  }
.Ltmp0:
0x18: {  	s0 =	sadd.s32 s12, s22;
	[dreg:$0xf] =	wrdreg s23;
	(pc) =	sbr.rel .LBB2_1-.Ltmp0, $4  }
0x19: {  	[dreg:$0x10] =	wrdreg s2;
	s24 =	sshrl.u32 s8, $0x3;
	s26 =	sadd.s32 s14, s25  }
0x1a: {  	s25 =	simm.s32 $0x7;
	s2 =	sadd.s32 s14, s24;
	s22 =	sadd.s32 $0x27000, s0  }
0x1b: {  	s23 =	sadd.s32 $0x4E00, s26;
	s24 =	smax.u32 s15, $0x1;
	s26 =	simm.s32 $0x15F90  }
0x1c: {  	v0 =	vimm.f32 $1.000000000e+00;
	s0 =	simm.s32 $0x0;
	[dreg:$0x11] =	wrdreg s2;
	s2 =	simm.s32 $0x1DDD0  }
.LBB2_9:
0x1d: {  	_ =	swait.ge [sflag:s28], $0x2800  }
0x1e: {  	[sflag:s28] =	ssyncset.done $0x0  }
0x1f: {  	[sflag:s28] =	ssyncadd.s32 $0xFFFFD800  }
0x20: {  	_ =	swait.ge [sflag:s28], $0x500  }
0x21: {  	[sflag:s28] =	ssyncset.done $0x0  }
0x22: {  	[sflag:s28] =	ssyncadd.s32 $0xFFFFFB00  }
0x23: {  	_ =	swait.ge [sflag:s30], $0x2800  }
0x24: {  	[sflag:s30] =	ssyncset.done $0x0  }
0x25: {  	[sflag:s30] =	ssyncadd.s32 $0xFFFFD800  }
0x26: {  	_ =	swait.ge [sflag:s30], $0x500  }
0x27: {  	[sflag:s30] =	ssyncset.done $0x0  }
0x28: {  	[sflag:s30] =	ssyncadd.s32 $0xFFFFFB00  }
0x29: {  	_ =	swait.ge [sflag:s31], $0x2800  }
0x2a: {  	[sflag:s31] =	ssyncset.done $0x0  }
0x2b: {  	[sflag:s31] =	ssyncadd.s32 $0xFFFFD800  }
0x2c: {  	_ =	swait.ge [sflag:s31], $0x500  }
0x2d: {  	[sflag:s31] =	ssyncset.done $0x0  }
0x2e: {  	[sflag:s31] =	ssyncadd.s32 $0xFFFFFB00  }
0x2f: {  	[bflag:$0x0] =	sbarrier.arrive $0xFFFF  }
0x30: {  	s13 =	rddreg [dreg:$0xe]  }
0x31: {  	[hbm:s13], [sflag:s10] =	dma.local [spmem:s8], $0x2700  }
0x32: {  	_ =	swait.ge [sflag:s25], $0x2700  }
0x33: {  	[sflag:s25] =	ssyncset.done $0x0  }
0x34: {  	s21 =	rddreg [dreg:$0x11];
	[sflag:s25] =	ssyncadd.s32 $0xFFFFD900  }
0x35: {  	[hbm:s21], [sflag:s10] =	dma.local [spmem:s9], $0x4E0  }
0x36: {  	_ =	swait.ge [sflag:s25], $0x4E0  }
0x37: {  	[sflag:s25] =	ssyncset.done $0x0  }
0x38: {  	s8 =	simm.s32 @!p0 $0x7;
	[sflag:s25] =	ssyncadd.s32 $0xFFFFFB20  }
0x39: {  	[hbm:s22], [sflag:s10] =	dma.local @!p0 [spmem:s11], $0x100  }
0x3a: {  	s0 =	sadd.s32 $0x1, s0;
	_ =	swait.ge @!p0 [sflag:s8], $0x100  }
0x3b: {  	p1 =	sne.s32 s0, s24;
	[sflag:s8] =	ssyncset.done @!p0 $0x0  }
.Ltmp1:
0x3c: {  	[sflag:s8] =	ssyncadd.s32 @!p0 $0xFFFFFF00;
	(pc) =	sbr.rel @!p1 .LBB2_10-.Ltmp1, $4  }
0x3d: {  	[hbm:s23], [sflag:s10] =	dma.local @!p0 [spmem:s12], $0x20  }
0x3e: {  	_ =	swait.ge @!p0 [sflag:s8], $0x20  }
0x3f: {  	[sflag:s8] =	ssyncset.done @!p0 $0x0  }
0x40: {  	[sflag:s8] =	ssyncadd.s32 @!p0 $0xFFFFFFE0  }
.LBB2_1:
0x41: {  	s8 =	simm.s32 $0x40;
	s9 =	simm.s32 $0x0  }
.LBB2_2:
0x42: {  	p1 =	sne.s32 s8, $0x13C0;
	[tilespmem:s9+$0x1DDD0] =	vst v0;
	s9 =	smov.u32 s8;
	s8 =	sadd.s32 $0x40, s8  }
.Ltmp2:
0x43: {  	(pc) =	sbr.rel @p1 .LBB2_2-.Ltmp2, $2  }
0x44: {  	_ =	sdelay $0x2  }
0x45: {  	s9 =	sshra.s32 s9, $0x2  }
0x46: {  	s8 =	rddreg [dreg:$0x6]  }
0x47: {  	[tilespmem:s9+$0x1DDD0] =	vst v0;
	s14 =	rddreg [dreg:$0x7];
	s8 =	sshrl.u32 s8, $0x3  }
0x48: {  	[spmem:s8], [sflag:s10] =	dma.local [hbm:s14], $0x2700  }
0x49: {  	_ =	swait.ge [sflag:s25], $0x2700  }
0x4a: {  	[sflag:s25] =	ssyncset.done $0x0;
	s15 =	rddreg [dreg:$0x8]  }
0x4b: {  	s11 =	rddreg [dreg:$0x9];
	[sflag:s25] =	ssyncadd.s32 $0xFFFFD900;
	s9 =	sshrl.u32 s15, $0x3  }
0x4c: {  	[spmem:s9], [sflag:s10] =	dma.local [hbm:s11], $0x4E0  }
0x4d: {  	_ =	swait.ge [sflag:s25], $0x4E0  }
0x4e: {  	s13 =	simm.s32 @!p0 $0x7;
	[sflag:s25] =	ssyncset.done $0x0;
	s11 =	rddreg [dreg:$0xa]  }
0x4f: {  	s12 =	rddreg [dreg:$0xb];
	[sflag:s25] =	ssyncadd.s32 $0xFFFFFB20;
	s11 =	sshrl.u32 @!p0 s11, $0x3  }
0x50: {  	[spmem:s11], [sflag:s10] =	dma.local @!p0 [hbm:s12], $0x100  }
0x51: {  	_ =	swait.ge @!p0 [sflag:s13], $0x100  }
0x52: {  	[sflag:s13] =	ssyncset.done @!p0 $0x0;
	s12 =	rddreg [dreg:$0xc]  }
0x53: {  	s14 =	rddreg [dreg:$0xd];
	[sflag:s13] =	ssyncadd.s32 @!p0 $0xFFFFFF00;
	s12 =	sshrl.u32 @!p0 s12, $0x3  }
0x54: {  	[spmem:s12], [sflag:s10] =	dma.local @!p0 [hbm:s14], $0x20  }
0x55: {  	_ =	swait.ge @!p0 [sflag:s13], $0x20  }
0x56: {  	[sflag:s13] =	ssyncset.done @!p0 $0x0  }
0x57: {  	[sflag:s13] =	ssyncadd.s32 @!p0 $0xFFFFFFE0  }
0x58: {  	[bflag:$0x0] =	sbarrier.arrive $0xFFFF  }
0x59: {  	s13 =	simm.s32 $0x0;
	s16 =	rddreg [dreg:$0xf]  }
0x5a: {  	[tilespmem:s26], [sflag:$0x7] =	stream.linear.gather [hbm4b:s16+s13], $0x190, $0x38;
	[tilespmem:$0x1E2D0] =	vst v63  }
0x5b: {  	_ =	swait.ge [sflag:s25], $0x190  }
0x5c: {  	[sflag:s25] =	ssyncset.done $0x0  }
0x5d: {  	s15 =	simm.s32 $0x162B0;
	s18 =	rddreg [dreg:$0x10];
	[sflag:s25] =	ssyncadd.s32 $0xFFFFFE70  }
0x5e: {  	[tilespmem:s15], [sflag:$0x7] =	stream.linear.gather [hbm4b:s18+s13], $0x190, $0x38;
	[tilespmem:$0x1E2D0] =	vst v63  }
0x5f: {  	_ =	swait.ge [sflag:s25], $0x190  }
.Ltmp3:
0x60: {  	[sflag:s25] =	ssyncset.done $0x0;
	(pc) =	sbr.rel .LBB2_4-.Ltmp3, $4  }
0x61: {  	s19 =	simm.s32 $0x165D0;
	[sflag:s25] =	ssyncadd.s32 $0xFFFFFE70  }
0x62: {  	[tilespmem:s19], [sflag:$0x1] =	stream.indirect.gather [hbm4b:s1+s29], $0x80, s26, s29, $0xb8;
	[tilespmem:$0x1E2D0] =	vst v63  }
0x63: {  	s20 =	simm.s32 $0x15FE0;
	s21 =	simm.s32 $0x18DD0  }
0x64: {  	[tilespmem:s21], [sflag:$0x2] =	stream.indirect.gather [hbm4b:s1+s29], $0x80, s20, s29, $0xb8;
	[tilespmem:$0x1E2D0] =	vst v63  }
.LBB2_5:
0x65: {  	s18 =	sand.u32 $0xFF, s18  }
0x66: {  	s18 =	sadd.s32 s18, s17  }
0x67: {  	s19 =	simm.s32 $0x190;
	s18 =	smul.u32 $0xA, s18  }
0x68: {  	s19 =	simm.s32 @!p1 $0x0  }
0x69: {  	s20 =	sadd.s32 $0x15F90, s19;
	s21 =	sadd.s32 s6, s18  }
0x6a: {  	[tilespmem:s20], [sflag:$0x7] =	stream.linear.gather [hbm4b:s21+s5], $0x190, $0x38;
	[tilespmem:$0x1E2D0] =	vst v63  }
0x6b: {  	_ =	swait.ge [sflag:s25], $0x190  }
0x6c: {  	[sflag:s25] =	ssyncset.done $0x0  }
0x6d: {  	s19 =	sadd.s32 $0x162B0, s19;
	s18 =	sadd.s32 s7, s18;
	[sflag:s25] =	ssyncadd.s32 $0xFFFFFE70  }
0x6e: {  	[tilespmem:s19], [sflag:$0x7] =	stream.linear.gather [hbm4b:s18+s5], $0x190, $0x38;
	[tilespmem:$0x1E2D0] =	vst v63  }
0x6f: {  	_ =	swait.ge [sflag:s25], $0x190  }
0x70: {  	[sflag:s25] =	ssyncset.done $0x0  }
0x71: {  	[sflag:s25] =	ssyncadd.s32 $0xFFFFFE70  }
.LBB2_7:
0x72: {  	p2 =	seq.s32 s13, $0x0  }
0x73: {  	s18 =	sadd.s32 @!p2 $0xFFFFFFFF, s13  }
0x74: {  	s19 =	sand.u32 @!p2 $0xFF, s18  }
0x75: {  	s19 =	smul.u32 @!p2 $0xAB, s19;
	_ =	sdelay $0x1  }
0x76: {  	s16 =	smul.u32 $0xAB, s16;
	s19 =	sshrl.u32 @!p2 s19, $0x9  }
0x77: {  	s19 =	smul.u32 @!p2 $0x3, s19;
	_ =	sdelay $0x1  }
0x78: {  	s16 =	sshrl.u32 s16, $0x9;
	s18 =	ssub.s32 @!p2 s18, s19  }
0x79: {  	s15 =	sand.u32 $0xFF, s15;
	s16 =	smul.u32 $0x3, s16;
	s18 =	sor.u32 @!p2 $0x4, s18  }
0x7a: {  	s15 =	smul.u32 $0x140, s15;
	s18 =	sand.u32 @!p2 $0xFF, s18  }
0x7b: {  	s14 =	ssub.s32 s14, s16;
	_ =	swait.ge @!p2 [sflag:s18], $0x2800  }
0x7c: {  	s15 =	sshrl.u32 s15, $0x2;
	s14 =	sand.u32 $0xFF, s14;
	[sflag:s18] =	ssyncset.done @!p2 $0x0  }
0x7d: {  	s21 =	smul.u32 $0xA000, s14;
	s19 =	simm.s32 $0x190;
	[sflag:s18] =	ssyncadd.s32 @!p2 $0xFFFFD800  }
0x7e: {  	s14 =	sadd.s32 $0x1, s14;
	s19 =	simm.s32 @!p1 $0x0;
	_ =	swait.ge @!p2 [sflag:s18], $0x500  }
0x7f: {  	s16 =	sshrl.u32 s21, $0x2;
	s15 =	sadd.s32 s15, s19;
	[sflag:s18] =	ssyncset.done @!p2 $0x0  }
0x80: {  	s16 =	sadd.s32 $0x165D0, s16;
	s15 =	sadd.s32 $0x15F90, s15;
	[sflag:s18] =	ssyncadd.s32 @!p2 $0xFFFFFB00  }
0x81: {  	[tilespmem:s16], [sflag:s14] =	stream.indirect.gather [hbm4b:s1+s29], $0x80, s15, s29, $0xb8;
	[tilespmem:$0x1E2D0] =	vst v63  }
.LBB2_8:
0x82: {  	s14 =	sand.u32 $0xFF, s13  }
0x83: {  	s15 =	smul.u32 $0xAB, s14  }
0x84: {  	s14 =	smul.u32 $0xCD, s14  }
0x85: {  	s15 =	sshrl.u32 s15, $0x9  }
0x86: {  	s14 =	sshrl.u32 s14, $0xA;
	s15 =	smul.u32 $0x3, s15  }
0x87: {  	s16 =	smul.u32 $0x5, s14  }
0x88: {  	s19 =	simm.s32 $0x190;
	s15 =	ssub.s32 s13, s15  }
0x89: {  	s14 =	sand.u32 $0x1, s14;
	s16 =	ssub.s32 s13, s16;
	s15 =	sand.u32 $0xFF, s15  }
0x8a: {  	p1 =	seq.s32 s14, $0x1;
	s16 =	sand.u32 $0xFF, s16;
	s18 =	smul.u32 $0xA000, s15  }
0x8b: {  	s19 =	simm.s32 @!p1 $0x0;
	s13 =	sadd.s32 $0x1, s13;
	s20 =	smul.u32 $0x140, s16  }
0x8c: {  	p1 =	sne.s32 s13, $0x7D;
	s21 =	sadd.s32 $0x1, s15;
	s15 =	sor.u32 $0x4, s15  }
0x8d: {  	_ =	swait.ge [sflag:s21], $0x2800;
	s18 =	sshrl.u32 s18, $0x2;
	s14 =	sshrl.u32 s20, $0x2  }
.Ltmp4:
0x8e: {  	[sflag:s21] =	ssyncset.done $0x0;
	s14 =	sadd.s32 s14, s19;
	(pc) =	sbr.rel @!p1 .LBB2_9-.Ltmp4, $4  }
0x8f: {  	s18 =	sadd.s32 $0x165D0, s18;
	[sflag:s21] =	ssyncadd.s32 $0xFFFFD800;
	s14 =	sadd.s32 $0x162B0, s14  }
0x90: {  	[spmem:s3] =	stream.indirect.scatter.add.f32 [tilespmem:s18], [sflag:s15], $0x80, s14, s29, $0xb8;
	[tilespmem:$0x1E2D0] =	vst v63  }
0x91: {  	_ = 	snop  }
0x92: {  	[spmem:s4] =	stream.indirect.scatter.add.f32 [tilespmem:s2], [sflag:s15], $0x10, s14, s29, $0xb8;
	[tilespmem:$0x1E2D0] =	vst v63  }
.LBB2_4:
0x93: {  	s14 =	sadd.s32 $0x2, s13  }
0x94: {  	s16 =	sand.u32 $0xFF, s14  }
0x95: {  	s15 =	smul.u32 $0xCD, s16;
	_ =	sdelay $0x1  }
0x96: {  	s19 =	sshrl.u32 s15, $0xA  }
0x97: {  	s18 =	smul.u32 $0x5, s19;
	_ =	sdelay $0x1  }
0x98: {  	p2 =	sgt.u32 s13, $0x7A;
	s15 =	ssub.s32 s14, s18  }
0x99: {  	s20 =	sand.u32 @!p2 $0xFF, s15  }
0x9a: {  	p1 =	sne.s32 @!p2 s20, $0x0  }
0x9b: {  	p3 =	por p2, p1  }
.Ltmp5:
0x9c: {  	_ = 	snop;
	(pc) =	sbr.rel @!p3 .LBB2_5-.Ltmp5, $3  }
0x9d: {  	_ =	sdelay $0x1  }
0x9e: {  	s19 =	sand.u32 $0x1, s19  }
0x9f: {  	p1 =	seq.s32 s19, $0x1  }
.Ltmp6:
0xa0: {  	(pc) =	sbr.rel @p2 .LBB2_8-.Ltmp6, $4  }
.Ltmp7:
0xa1: {  	(pc) =	sbr.rel @!p2 .LBB2_7-.Ltmp7, $4  }
0xa2: {  	_ = 	snop  }
0xa3: {  	_ = 	snop  }
0xa4: {  	_ = 	snop  }
0xa5: {  	_ = 	snop  }
.LBB2_10:
0xa6: {  	_ =	sfence.sel $0x180000  }
0xa7: {  	[bflag:$0x0] =	sbarrier.arrive $0xFFFF  }
0xa8: {  	_ =	strace $0x90000047  }
0xa9: {  	s0 =	stileid.u32;
	[bflag:$0x2] =	sbarrier.arrive $0xFFFF  }
0xaa: {  	p0 =	sne.s32 s0, $0x0;
	s0 =	rddreg [dreg:$0x5]  }
0xab: {  	s0 =	sadd.s32 @!p0 $0x100000, s0  }
0xac: {  	[sflag:s0] =	ssyncadd.tile.s32 @!p0 $0x1;
	_ =	shalt  }
.Lfunc_end2:
_tile_overlayer_lowered:
.L_overlay_start_2:
0xad: {  	(tag) =	ssettag $0x2  }
0xae: {  	s0 =	rddreg [dreg:$0x0];
	s2 =	stileid.u32  }
0xaf: {  	s1 =	rddreg [dreg:$0x1];
	p0 =	sne.s32 s2, $0x0  }
0xb0: {  	s3 =	rddreg [dreg:$0x2];
	[bflag:$0x3] =	sbarrier.arrive $0xFFFF;
	s2 =	simm.s32 @!p0 $0x1C07  }
0xb1: {  	[timem:s3], [sflag:s2] =	dma.local @!p0 [hbm:s0], s1  }
0xb2: {  	s0 =	simm.s32 @!p0 $0x7  }
0xb3: {  	_ =	swait.ge @!p0 [sflag:s0], s1  }
0xb4: {  	s1 =	ssub.s32 @!p0 $0x0, s1;
	[sflag:s0] =	ssyncset.done @!p0 $0x0  }
0xb5: {  	[sflag:s0] =	ssyncadd.s32 @!p0 s1  }
0xb6: {  	[bflag:$0x3] =	sbarrier.arrive $0xFFFF  }
0xb7: {  	_ =	shalt  }

</sc_bundles>
